<compile_context>
chip_gen: v7x
topology: tpu7x:2x2x1
jax: 0.10.2.dev20260603
libtpu: 0.0.44.dev20260713+nightly
codegen_flags: <defaults>
</compile_context>

<pallas_src>
import functools
import math

import jax
import jax.numpy as jnp
from jax import lax
from jax.experimental import pallas as pl
from jax.experimental.pallas import tpu as pltpu
from jax.experimental.pallas import tpu_sc as plsc

_D = 128
_LANES = 16
_NC, _NS = 2, 16
_NW = _NC * _NS
_SCALE = math.sqrt(_D)
_NBUF = 4


def _make_kernel(batch: int, seq: int):
    rows_per_w = batch // _NW
    n_chunks = rows_per_w
    assert batch % _NW == 0 and (n_chunks - 4) % _NBUF == 0
    g0_len = min(seq, 128)
    g1_len = seq - g0_len

    mesh = plsc.VectorSubcoreMesh(
        core_axis_name="c", subcore_axis_name="s",
        num_cores=_NC, num_subcores=_NS,
    )

    @functools.partial(
        pl.kernel,
        out_type=jax.ShapeDtypeStruct((batch, seq, _D), jnp.float32),
        mesh=mesh,
        scratch_types=[
            pltpu.VMEM((rows_per_w, seq), jnp.int32),
            pltpu.VMEM((seq, _D), jnp.float32),
            pltpu.VMEM((seq, _D), jnp.float32),
            pltpu.VMEM((seq, _D), jnp.float32),
            pltpu.VMEM((seq, _D), jnp.float32),
            pltpu.SemaphoreType.DMA,
            pltpu.SemaphoreType.DMA,
            pltpu.SemaphoreType.DMA,
            pltpu.SemaphoreType.DMA,
            pltpu.SemaphoreType.DMA,
            pltpu.SemaphoreType.DMA,
            pltpu.SemaphoreType.DMA,
            pltpu.SemaphoreType.DMA,
        ],
    )
    def emb(idx_hbm, table_hbm, out_hbm, idx_v,
            b0, b1, b2, b3, gs0, gs1, gs2, gs3, ws0, ws1, ws2, ws3):
        wid = lax.axis_index("s") * _NC + lax.axis_index("c")
        base = wid * rows_per_w
        pltpu.sync_copy(idx_hbm.at[pl.ds(base, rows_per_w)], idx_v)

        buf = (b0, b1, b2, b3)
        gsem = (gs0, gs1, gs2, gs3)
        wsem = (ws0, ws1, ws2, ws3)

        def start_gather(c, b):
            pltpu.async_copy(
                table_hbm.at[idx_v.at[c, pl.ds(0, g0_len)]],
                buf[b].at[pl.ds(0, g0_len)], gsem[b])
            if g1_len:
                pltpu.async_copy(
                    table_hbm.at[idx_v.at[c, pl.ds(g0_len, g1_len)]],
                    buf[b].at[pl.ds(g0_len, g1_len)], gsem[b])

        def wait_gather(b):
            pltpu.make_async_copy(
                table_hbm.at[idx_v.at[0, pl.ds(0, seq)]], buf[b], gsem[b]).wait()

        def start_write(c, b):
            pltpu.async_copy(buf[b], out_hbm.at[base + c], wsem[b])

        def wait_write(b):
            pltpu.make_async_copy(buf[b], out_hbm.at[0], wsem[b]).wait()

        def scale(b):
            g = buf[b]

            @plsc.parallel_loop(0, seq, step=1, unroll=4)
            def _do_row(r):
                for j in range(_D // _LANES):
                    sl = pl.ds(j * _LANES, _LANES)
                    g[r, sl] = g[r, sl] * _SCALE

        start_gather(0, 0)
        start_gather(1, 1)
        for c in range(2):
            wait_gather(c)
            scale(c)
            start_write(c, c)
            start_gather(c + 2, c + 2)

        def quad_body(p, carry):
            c0 = 2 + p * _NBUF
            for k in range(_NBUF):
                b = (2 + k) % _NBUF
                c = c0 + k
                wait_gather(b)
                scale(b)
                start_write(c, b)
                wait_write((b + 2) % _NBUF)
                start_gather(c + 2, (b + 2) % _NBUF)
            return carry

        lax.fori_loop(0, (n_chunks - 4) // _NBUF, quad_body, 0)

        for c in range(n_chunks - 2, n_chunks):
            b = c % _NBUF
            wait_gather(b)
            scale(b)
            start_write(c, b)
        for b in range(_NBUF):
            wait_write(b)

    return emb


def kernel(x, lookup_table):
    batch, seq = x.shape
    if x.dtype != jnp.int32:
        x = x.astype(jnp.int32)
    return _make_kernel(batch, seq)(x, lookup_table)

# --- scband reference (transcript-rebuilt; emitter-appended) ---
"""Pipeline reference for scband-embeddings-85014582657552 (READ-ONLY COPY).

The authoritative reference and input builder live on the scoring server;
editing this copy changes nothing except your own understanding.
"""

import math
import jax, jax.numpy as jnp
import numpy as np

VOCAB = 100000
MODEL_DIM = 128
BATCH = 1024
SEQ = 200

def setup_inputs(seed: int = 0) -> dict:
    key = jax.random.key(seed)
    k_idx, k_tab = jax.random.split(key)
    x = jax.random.randint(k_idx, (BATCH, SEQ), 0, VOCAB, dtype=jnp.int64) if jax.config.jax_enable_x64 else jax.random.randint(k_idx, (BATCH, SEQ), 0, VOCAB, dtype=jnp.int32)
    lookup_table = jax.random.normal(k_tab, (VOCAB, MODEL_DIM), dtype=jnp.float32)
    return {"x": x, "lookup_table": lookup_table}

def reference(x, lookup_table):
    # Embeddings.forward: embedding lookup scaled by sqrt(model_dimension)
    emb = jnp.take(lookup_table, x, axis=0)
    return emb * math.sqrt(MODEL_DIM)

if __name__ == "__main__":
    import jax
    _d = setup_inputs()
    print(jax.jit(kernel)(*tuple(_d.values())))

</pallas_src>

<mosaic_0001>
#map = affine_map<(d0, d1) -> (0, 0)>
#map1 = affine_map<(d0, d1) -> (0, 0, 0)>
module attributes {stable_mosaic.version = 14 : i64} {
  func.func @emb(%arg0: i32, %arg1: i32, %arg2: memref<1024x200xi32, #tpu.memory_space<hbm>>, %arg3: memref<100000x128xf32, #tpu.memory_space<hbm>>, %arg4: memref<1024x200x128xf32, #tpu.memory_space<hbm>>, %arg5: memref<32x200xi32, #tpu.memory_space<vmem>>, %arg6: memref<200x128xf32, #tpu.memory_space<vmem>>, %arg7: memref<200x128xf32, #tpu.memory_space<vmem>>, %arg8: memref<200x128xf32, #tpu.memory_space<vmem>>, %arg9: memref<200x128xf32, #tpu.memory_space<vmem>>, %arg10: memref<!tpu.dma_semaphore, #tpu.memory_space<semaphore_mem>>, %arg11: memref<!tpu.dma_semaphore, #tpu.memory_space<semaphore_mem>>, %arg12: memref<!tpu.dma_semaphore, #tpu.memory_space<semaphore_mem>>, %arg13: memref<!tpu.dma_semaphore, #tpu.memory_space<semaphore_mem>>, %arg14: memref<!tpu.dma_semaphore, #tpu.memory_space<semaphore_mem>>, %arg15: memref<!tpu.dma_semaphore, #tpu.memory_space<semaphore_mem>>, %arg16: memref<!tpu.dma_semaphore, #tpu.memory_space<semaphore_mem>>, %arg17: memref<!tpu.dma_semaphore, #tpu.memory_space<semaphore_mem>>) attributes {dimension_semantics = [#tpu.dimension_semantics<core_parallel>, #tpu.dimension_semantics<subcore_parallel>], iteration_bounds = array<i64: 2, 16>, scalar_prefetch = 0 : i64, scratch_operands = 13 : i64, tpu.core_type = #tpu.core_type<sc_vector_subcore>, window_params = [{transform_indices = #map}, {transform_indices = #map}, {transform_indices = #map1}]} {
    %mul3A = arith.constant 2 : i32
    %mul3A_0 = arith.muli %arg1, %mul3A : i32
    %add3A = arith.addi %mul3A_0, %arg0 : i32
    %mul3A_1 = arith.constant 32 : i32
    %mul3A_2 = arith.muli %add3A, %mul3A_1 : i32
    "tpu.region"() ({
      %run_scoped3A = tpu.sem_alloc : memref<!tpu.dma_semaphore, #tpu.memory_space<semaphore_mem>>
      %dma_start3A_201 = arith.constant 0 : i32
      %dma_start3A_202 = tpu.memref_slice %arg2[%mul3A_2, %dma_start3A_201] : memref<1024x200xi32, #tpu.memory_space<hbm>> -> memref<32x200xi32, #tpu.memory_space<hbm>>
      %dma_start3A_203 = arith.constant 0 : i32
      %dma_start3A_204 = tpu.memref_slice %arg2[%mul3A_2, %dma_start3A_203] : memref<1024x200xi32, #tpu.memory_space<hbm>> -> memref<32x200xi32, #tpu.memory_space<hbm>>
      tpu.enqueue_dma source(%dma_start3A_204 : memref<32x200xi32, #tpu.memory_space<hbm>>) target(%arg5 : memref<32x200xi32, #tpu.memory_space<vmem>>) target_semaphore(%run_scoped3A : memref<!tpu.dma_semaphore, #tpu.memory_space<semaphore_mem>>)
      %dma_wait3A_205 = arith.constant 0 : i32
      %dma_wait3A_206 = tpu.memref_slice %arg2[%mul3A_2, %dma_wait3A_205] : memref<1024x200xi32, #tpu.memory_space<hbm>> -> memref<32x200xi32, #tpu.memory_space<hbm>>
      %dma_wait3A_207 = arith.constant 0 : i32
      %dma_wait3A_208 = tpu.memref_slice %arg2[%mul3A_2, %dma_wait3A_207] : memref<1024x200xi32, #tpu.memory_space<hbm>> -> memref<32x200xi32, #tpu.memory_space<hbm>>
      tpu.wait_dma2 semaphore(%run_scoped3A : memref<!tpu.dma_semaphore, #tpu.memory_space<semaphore_mem>>) src(%dma_wait3A_208 : memref<32x200xi32, #tpu.memory_space<hbm>>) dst(%arg5 : memref<32x200xi32, #tpu.memory_space<vmem>>)
      tpu.yield
    }) : () -> ()
    %dma_start3A = arith.constant 0 : i32
    %dma_start3A_3 = arith.constant 0 : i32
    %dma_start3A_4 = arith.constant 0 : i32
    %dma_start3A_5 = tpu.memref_slice %arg6[%dma_start3A_3, %dma_start3A_4] : memref<200x128xf32, #tpu.memory_space<vmem>> -> memref<128x128xf32, #tpu.memory_space<vmem>>
    %dma_start3A_6 = arith.constant 0 : i32
    %dma_start3A_7 = tpu.memref_slice %arg5[%dma_start3A, %dma_start3A_6] : memref<32x200xi32, #tpu.memory_space<vmem>> -> memref<1x128xi32, #tpu.memory_space<vmem>>
    %dma_start3A_8 = tpu.memref_squeeze %dma_start3A_7 : memref<1x128xi32, #tpu.memory_space<vmem>> -> memref<128xi32, #tpu.memory_space<vmem>>
    %dma_start3A_9 = arith.constant 0 : i32
    %dma_start3A_10 = arith.constant 0 : i32
    %dma_start3A_11 = tpu.memref_slice %arg3[%dma_start3A_9, %dma_start3A_10] : memref<100000x128xf32, #tpu.memory_space<hbm>> -> memref<100000x128xf32, #tpu.memory_space<hbm>>
    tpu.enqueue_indirect_dma source(%dma_start3A_11 : memref<100000x128xf32, #tpu.memory_space<hbm>>) target(%dma_start3A_5 : memref<128x128xf32, #tpu.memory_space<vmem>>) offsets(%dma_start3A_8 : memref<128xi32, #tpu.memory_space<vmem>>) semaphore(%arg10 : memref<!tpu.dma_semaphore, #tpu.memory_space<semaphore_mem>>)
    %dma_start3A_12 = arith.constant 0 : i32
    %dma_start3A_13 = arith.constant 128 : i32
    %dma_start3A_14 = arith.constant 0 : i32
    %dma_start3A_15 = tpu.memref_slice %arg6[%dma_start3A_13, %dma_start3A_14] : memref<200x128xf32, #tpu.memory_space<vmem>> -> memref<72x128xf32, #tpu.memory_space<vmem>>
    %dma_start3A_16 = arith.constant 128 : i32
    %dma_start3A_17 = tpu.memref_slice %arg5[%dma_start3A_12, %dma_start3A_16] : memref<32x200xi32, #tpu.memory_space<vmem>> -> memref<1x72xi32, #tpu.memory_space<vmem>>
    %dma_start3A_18 = tpu.memref_squeeze %dma_start3A_17 : memref<1x72xi32, #tpu.memory_space<vmem>> -> memref<72xi32, #tpu.memory_space<vmem>>
    %dma_start3A_19 = arith.constant 0 : i32
    %dma_start3A_20 = arith.constant 0 : i32
    %dma_start3A_21 = tpu.memref_slice %arg3[%dma_start3A_19, %dma_start3A_20] : memref<100000x128xf32, #tpu.memory_space<hbm>> -> memref<100000x128xf32, #tpu.memory_space<hbm>>
    tpu.enqueue_indirect_dma source(%dma_start3A_21 : memref<100000x128xf32, #tpu.memory_space<hbm>>) target(%dma_start3A_15 : memref<72x128xf32, #tpu.memory_space<vmem>>) offsets(%dma_start3A_18 : memref<72xi32, #tpu.memory_space<vmem>>) semaphore(%arg10 : memref<!tpu.dma_semaphore, #tpu.memory_space<semaphore_mem>>)
    %dma_start3A_22 = arith.constant 1 : i32
    %dma_start3A_23 = arith.constant 0 : i32
    %dma_start3A_24 = arith.constant 0 : i32
    %dma_start3A_25 = tpu.memref_slice %arg7[%dma_start3A_23, %dma_start3A_24] : memref<200x128xf32, #tpu.memory_space<vmem>> -> memref<128x128xf32, #tpu.memory_space<vmem>>
    %dma_start3A_26 = arith.constant 0 : i32
    %dma_start3A_27 = tpu.memref_slice %arg5[%dma_start3A_22, %dma_start3A_26] : memref<32x200xi32, #tpu.memory_space<vmem>> -> memref<1x128xi32, #tpu.memory_space<vmem>>
    %dma_start3A_28 = tpu.memref_squeeze %dma_start3A_27 : memref<1x128xi32, #tpu.memory_space<vmem>> -> memref<128xi32, #tpu.memory_space<vmem>>
    %dma_start3A_29 = arith.constant 0 : i32
    %dma_start3A_30 = arith.constant 0 : i32
    %dma_start3A_31 = tpu.memref_slice %arg3[%dma_start3A_29, %dma_start3A_30] : memref<100000x128xf32, #tpu.memory_space<hbm>> -> memref<100000x128xf32, #tpu.memory_space<hbm>>
    tpu.enqueue_indirect_dma source(%dma_start3A_31 : memref<100000x128xf32, #tpu.memory_space<hbm>>) target(%dma_start3A_25 : memref<128x128xf32, #tpu.memory_space<vmem>>) offsets(%dma_start3A_28 : memref<128xi32, #tpu.memory_space<vmem>>) semaphore(%arg11 : memref<!tpu.dma_semaphore, #tpu.memory_space<semaphore_mem>>)
    %dma_start3A_32 = arith.constant 1 : i32
    %dma_start3A_33 = arith.constant 128 : i32
    %dma_start3A_34 = arith.constant 0 : i32
    %dma_start3A_35 = tpu.memref_slice %arg7[%dma_start3A_33, %dma_start3A_34] : memref<200x128xf32, #tpu.memory_space<vmem>> -> memref<72x128xf32, #tpu.memory_space<vmem>>
    %dma_start3A_36 = arith.constant 128 : i32
    %dma_start3A_37 = tpu.memref_slice %arg5[%dma_start3A_32, %dma_start3A_36] : memref<32x200xi32, #tpu.memory_space<vmem>> -> memref<1x72xi32, #tpu.memory_space<vmem>>
    %dma_start3A_38 = tpu.memref_squeeze %dma_start3A_37 : memref<1x72xi32, #tpu.memory_space<vmem>> -> memref<72xi32, #tpu.memory_space<vmem>>
    %dma_start3A_39 = arith.constant 0 : i32
    %dma_start3A_40 = arith.constant 0 : i32
    %dma_start3A_41 = tpu.memref_slice %arg3[%dma_start3A_39, %dma_start3A_40] : memref<100000x128xf32, #tpu.memory_space<hbm>> -> memref<100000x128xf32, #tpu.memory_space<hbm>>
    tpu.enqueue_indirect_dma source(%dma_start3A_41 : memref<100000x128xf32, #tpu.memory_space<hbm>>) target(%dma_start3A_35 : memref<72x128xf32, #tpu.memory_space<vmem>>) offsets(%dma_start3A_38 : memref<72xi32, #tpu.memory_space<vmem>>) semaphore(%arg11 : memref<!tpu.dma_semaphore, #tpu.memory_space<semaphore_mem>>)
    %dma_wait3A = arith.constant 0 : i32
    %dma_wait3A_42 = arith.constant 0 : i32
    %dma_wait3A_43 = tpu.memref_slice %arg5[%dma_wait3A, %dma_wait3A_42] : memref<32x200xi32, #tpu.memory_space<vmem>> -> memref<1x200xi32, #tpu.memory_space<vmem>>
    %dma_wait3A_44 = tpu.memref_squeeze %dma_wait3A_43 : memref<1x200xi32, #tpu.memory_space<vmem>> -> memref<200xi32, #tpu.memory_space<vmem>>
    %dma_wait3A_45 = arith.constant 0 : i32
    %dma_wait3A_46 = arith.constant 0 : i32
    %dma_wait3A_47 = tpu.memref_slice %arg3[%dma_wait3A_45, %dma_wait3A_46] : memref<100000x128xf32, #tpu.memory_space<hbm>> -> memref<100000x128xf32, #tpu.memory_space<hbm>>
    tpu.wait_indirect_dma semaphore(%arg10 : memref<!tpu.dma_semaphore, #tpu.memory_space<semaphore_mem>>) src(%dma_wait3A_47 : memref<100000x128xf32, #tpu.memory_space<hbm>>) dst(%arg6 : memref<200x128xf32, #tpu.memory_space<vmem>>)
    %parallel_loop3A = arith.constant 0 : i32
    %parallel_loop3A_48 = arith.constant 200 : i32
    %parallel_loop3A_49 = arith.constant 1 : i32
    scf.for %parallel_loop3A_201 = %parallel_loop3A to %parallel_loop3A_48 step %parallel_loop3A_49  : i32 {
      %parallel_loop3A_202 = arith.index_cast %parallel_loop3A_201 : i32 to index
      %parallel_loop3A_203 = arith.constant 0 : index
      %parallel_loop3A_204 = tpu.vector_load %arg6[%parallel_loop3A_202, %parallel_loop3A_203] {strides = array<i32>} : memref<200x128xf32, #tpu.memory_space<vmem>>, vector<1x16xf32>,
      %parallel_loop3A_205 = vector.shape_cast %parallel_loop3A_204 : vector<1x16xf32> to vector<16xf32>
      %parallel_loop3A_206 = arith.constant 11.3137083 : f32
      %parallel_loop3A_207 = vector.broadcast %parallel_loop3A_206 : f32 to vector<16xf32>
      %parallel_loop3A_208 = arith.mulf %parallel_loop3A_205, %parallel_loop3A_207 : vector<16xf32>
      %parallel_loop3A_209 = arith.index_cast %parallel_loop3A_201 : i32 to index
      %parallel_loop3A_210 = arith.constant 0 : index
      %parallel_loop3A_211 = tpu.vector_load %arg6[%parallel_loop3A_209, %parallel_loop3A_210] {strides = array<i32>} : memref<200x128xf32, #tpu.memory_space<vmem>>, vector<1x16xf32>,
      %parallel_loop3A_212 = vector.shape_cast %parallel_loop3A_211 : vector<1x16xf32> to vector<16xf32>
      %parallel_loop3A_213 = vector.shape_cast %parallel_loop3A_208 : vector<16xf32> to vector<1x16xf32>
      tpu.vector_store %arg6[%parallel_loop3A_209, %parallel_loop3A_210], %parallel_loop3A_213 {strides = array<i32>} : memref<200x128xf32, #tpu.memory_space<vmem>>, vector<1x16xf32>,
      %parallel_loop3A_214 = arith.index_cast %parallel_loop3A_201 : i32 to index
      %parallel_loop3A_215 = arith.constant 16 : index
      %parallel_loop3A_216 = tpu.vector_load %arg6[%parallel_loop3A_214, %parallel_loop3A_215] {strides = array<i32>} : memref<200x128xf32, #tpu.memory_space<vmem>>, vector<1x16xf32>,
      %parallel_loop3A_217 = vector.shape_cast %parallel_loop3A_216 : vector<1x16xf32> to vector<16xf32>
      %parallel_loop3A_218 = arith.constant 11.3137083 : f32
      %parallel_loop3A_219 = vector.broadcast %parallel_loop3A_218 : f32 to vector<16xf32>
      %parallel_loop3A_220 = arith.mulf %parallel_loop3A_217, %parallel_loop3A_219 : vector<16xf32>
      %parallel_loop3A_221 = arith.index_cast %parallel_loop3A_201 : i32 to index
      %parallel_loop3A_222 = arith.constant 16 : index
      %parallel_loop3A_223 = tpu.vector_load %arg6[%parallel_loop3A_221, %parallel_loop3A_222] {strides = array<i32>} : memref<200x128xf32, #tpu.memory_space<vmem>>, vector<1x16xf32>,
      %parallel_loop3A_224 = vector.shape_cast %parallel_loop3A_223 : vector<1x16xf32> to vector<16xf32>
      %parallel_loop3A_225 = vector.shape_cast %parallel_loop3A_220 : vector<16xf32> to vector<1x16xf32>
      tpu.vector_store %arg6[%parallel_loop3A_221, %parallel_loop3A_222], %parallel_loop3A_225 {strides = array<i32>} : memref<200x128xf32, #tpu.memory_space<vmem>>, vector<1x16xf32>,
      %parallel_loop3A_226 = arith.index_cast %parallel_loop3A_201 : i32 to index
      %parallel_loop3A_227 = arith.constant 32 : index
      %parallel_loop3A_228 = tpu.vector_load %arg6[%parallel_loop3A_226, %parallel_loop3A_227] {strides = array<i32>} : memref<200x128xf32, #tpu.memory_space<vmem>>, vector<1x16xf32>,
      %parallel_loop3A_229 = vector.shape_cast %parallel_loop3A_228 : vector<1x16xf32> to vector<16xf32>
      %parallel_loop3A_230 = arith.constant 11.3137083 : f32
      %parallel_loop3A_231 = vector.broadcast %parallel_loop3A_230 : f32 to vector<16xf32>
      %parallel_loop3A_232 = arith.mulf %parallel_loop3A_229, %parallel_loop3A_231 : vector<16xf32>
      %parallel_loop3A_233 = arith.index_cast %parallel_loop3A_201 : i32 to index
      %parallel_loop3A_234 = arith.constant 32 : index
      %parallel_loop3A_235 = tpu.vector_load %arg6[%parallel_loop3A_233, %parallel_loop3A_234] {strides = array<i32>} : memref<200x128xf32, #tpu.memory_space<vmem>>, vector<1x16xf32>,
      %parallel_loop3A_236 = vector.shape_cast %parallel_loop3A_235 : vector<1x16xf32> to vector<16xf32>
      %parallel_loop3A_237 = vector.shape_cast %parallel_loop3A_232 : vector<16xf32> to vector<1x16xf32>
      tpu.vector_store %arg6[%parallel_loop3A_233, %parallel_loop3A_234], %parallel_loop3A_237 {strides = array<i32>} : memref<200x128xf32, #tpu.memory_space<vmem>>, vector<1x16xf32>,
      %parallel_loop3A_238 = arith.index_cast %parallel_loop3A_201 : i32 to index
      %parallel_loop3A_239 = arith.constant 48 : index
      %parallel_loop3A_240 = tpu.vector_load %arg6[%parallel_loop3A_238, %parallel_loop3A_239] {strides = array<i32>} : memref<200x128xf32, #tpu.memory_space<vmem>>, vector<1x16xf32>,
      %parallel_loop3A_241 = vector.shape_cast %parallel_loop3A_240 : vector<1x16xf32> to vector<16xf32>
      %parallel_loop3A_242 = arith.constant 11.3137083 : f32
      %parallel_loop3A_243 = vector.broadcast %parallel_loop3A_242 : f32 to vector<16xf32>
      %parallel_loop3A_244 = arith.mulf %parallel_loop3A_241, %parallel_loop3A_243 : vector<16xf32>
      %parallel_loop3A_245 = arith.index_cast %parallel_loop3A_201 : i32 to index
      %parallel_loop3A_246 = arith.constant 48 : index
      %parallel_loop3A_247 = tpu.vector_load %arg6[%parallel_loop3A_245, %parallel_loop3A_246] {strides = array<i32>} : memref<200x128xf32, #tpu.memory_space<vmem>>, vector<1x16xf32>,
      %parallel_loop3A_248 = vector.shape_cast %parallel_loop3A_247 : vector<1x16xf32> to vector<16xf32>
      %parallel_loop3A_249 = vector.shape_cast %parallel_loop3A_244 : vector<16xf32> to vector<1x16xf32>
      tpu.vector_store %arg6[%parallel_loop3A_245, %parallel_loop3A_246], %parallel_loop3A_249 {strides = array<i32>} : memref<200x128xf32, #tpu.memory_space<vmem>>, vector<1x16xf32>,
      %parallel_loop3A_250 = arith.index_cast %parallel_loop3A_201 : i32 to index
      %parallel_loop3A_251 = arith.constant 64 : index
      %parallel_loop3A_252 = tpu.vector_load %arg6[%parallel_loop3A_250, %parallel_loop3A_251] {strides = array<i32>} : memref<200x128xf32, #tpu.memory_space<vmem>>, vector<1x16xf32>,
      %parallel_loop3A_253 = vector.shape_cast %parallel_loop3A_252 : vector<1x16xf32> to vector<16xf32>
      %parallel_loop3A_254 = arith.constant 11.3137083 : f32
      %parallel_loop3A_255 = vector.broadcast %parallel_loop3A_254 : f32 to vector<16xf32>
      %parallel_loop3A_256 = arith.mulf %parallel_loop3A_253, %parallel_loop3A_255 : vector<16xf32>
      %parallel_loop3A_257 = arith.index_cast %parallel_loop3A_201 : i32 to index
      %parallel_loop3A_258 = arith.constant 64 : index
      %parallel_loop3A_259 = tpu.vector_load %arg6[%parallel_loop3A_257, %parallel_loop3A_258] {strides = array<i32>} : memref<200x128xf32, #tpu.memory_space<vmem>>, vector<1x16xf32>,
      %parallel_loop3A_260 = vector.shape_cast %parallel_loop3A_259 : vector<1x16xf32> to vector<16xf32>
      %parallel_loop3A_261 = vector.shape_cast %parallel_loop3A_256 : vector<16xf32> to vector<1x16xf32>
      tpu.vector_store %arg6[%parallel_loop3A_257, %parallel_loop3A_258], %parallel_loop3A_261 {strides = array<i32>} : memref<200x128xf32, #tpu.memory_space<vmem>>, vector<1x16xf32>,
      %parallel_loop3A_262 = arith.index_cast %parallel_loop3A_201 : i32 to index
      %parallel_loop3A_263 = arith.constant 80 : index
      %parallel_loop3A_264 = tpu.vector_load %arg6[%parallel_loop3A_262, %parallel_loop3A_263] {strides = array<i32>} : memref<200x128xf32, #tpu.memory_space<vmem>>, vector<1x16xf32>,
      %parallel_loop3A_265 = vector.shape_cast %parallel_loop3A_264 : vector<1x16xf32> to vector<16xf32>
      %parallel_loop3A_266 = arith.constant 11.3137083 : f32
      %parallel_loop3A_267 = vector.broadcast %parallel_loop3A_266 : f32 to vector<16xf32>
      %parallel_loop3A_268 = arith.mulf %parallel_loop3A_265, %parallel_loop3A_267 : vector<16xf32>
      %parallel_loop3A_269 = arith.index_cast %parallel_loop3A_201 : i32 to index
      %parallel_loop3A_270 = arith.constant 80 : index
      %parallel_loop3A_271 = tpu.vector_load %arg6[%parallel_loop3A_269, %parallel_loop3A_270] {strides = array<i32>} : memref<200x128xf32, #tpu.memory_space<vmem>>, vector<1x16xf32>,
      %parallel_loop3A_272 = vector.shape_cast %parallel_loop3A_271 : vector<1x16xf32> to vector<16xf32>
      %parallel_loop3A_273 = vector.shape_cast %parallel_loop3A_268 : vector<16xf32> to vector<1x16xf32>
      tpu.vector_store %arg6[%parallel_loop3A_269, %parallel_loop3A_270], %parallel_loop3A_273 {strides = array<i32>} : memref<200x128xf32, #tpu.memory_space<vmem>>, vector<1x16xf32>,
      %parallel_loop3A_274 = arith.index_cast %parallel_loop3A_201 : i32 to index
      %parallel_loop3A_275 = arith.constant 96 : index
      %parallel_loop3A_276 = tpu.vector_load %arg6[%parallel_loop3A_274, %parallel_loop3A_275] {strides = array<i32>} : memref<200x128xf32, #tpu.memory_space<vmem>>, vector<1x16xf32>,
      %parallel_loop3A_277 = vector.shape_cast %parallel_loop3A_276 : vector<1x16xf32> to vector<16xf32>
      %parallel_loop3A_278 = arith.constant 11.3137083 : f32
      %parallel_loop3A_279 = vector.broadcast %parallel_loop3A_278 : f32 to vector<16xf32>
      %parallel_loop3A_280 = arith.mulf %parallel_loop3A_277, %parallel_loop3A_279 : vector<16xf32>
      %parallel_loop3A_281 = arith.index_cast %parallel_loop3A_201 : i32 to index
      %parallel_loop3A_282 = arith.constant 96 : index
      %parallel_loop3A_283 = tpu.vector_load %arg6[%parallel_loop3A_281, %parallel_loop3A_282] {strides = array<i32>} : memref<200x128xf32, #tpu.memory_space<vmem>>, vector<1x16xf32>,
      %parallel_loop3A_284 = vector.shape_cast %parallel_loop3A_283 : vector<1x16xf32> to vector<16xf32>
      %parallel_loop3A_285 = vector.shape_cast %parallel_loop3A_280 : vector<16xf32> to vector<1x16xf32>
      tpu.vector_store %arg6[%parallel_loop3A_281, %parallel_loop3A_282], %parallel_loop3A_285 {strides = array<i32>} : memref<200x128xf32, #tpu.memory_space<vmem>>, vector<1x16xf32>,
      %parallel_loop3A_286 = arith.index_cast %parallel_loop3A_201 : i32 to index
      %parallel_loop3A_287 = arith.constant 112 : index
      %parallel_loop3A_288 = tpu.vector_load %arg6[%parallel_loop3A_286, %parallel_loop3A_287] {strides = array<i32>} : memref<200x128xf32, #tpu.memory_space<vmem>>, vector<1x16xf32>,
      %parallel_loop3A_289 = vector.shape_cast %parallel_loop3A_288 : vector<1x16xf32> to vector<16xf32>
      %parallel_loop3A_290 = arith.constant 11.3137083 : f32
      %parallel_loop3A_291 = vector.broadcast %parallel_loop3A_290 : f32 to vector<16xf32>
      %parallel_loop3A_292 = arith.mulf %parallel_loop3A_289, %parallel_loop3A_291 : vector<16xf32>
      %parallel_loop3A_293 = arith.index_cast %parallel_loop3A_201 : i32 to index
      %parallel_loop3A_294 = arith.constant 112 : index
      %parallel_loop3A_295 = tpu.vector_load %arg6[%parallel_loop3A_293, %parallel_loop3A_294] {strides = array<i32>} : memref<200x128xf32, #tpu.memory_space<vmem>>, vector<1x16xf32>,
      %parallel_loop3A_296 = vector.shape_cast %parallel_loop3A_295 : vector<1x16xf32> to vector<16xf32>
      %parallel_loop3A_297 = vector.shape_cast %parallel_loop3A_292 : vector<16xf32> to vector<1x16xf32>
      tpu.vector_store %arg6[%parallel_loop3A_293, %parallel_loop3A_294], %parallel_loop3A_297 {strides = array<i32>} : memref<200x128xf32, #tpu.memory_space<vmem>>, vector<1x16xf32>,
    } {sc.loop_unroll_factor = 4 : i64, sc.parallel_access}
    %add3A_50 = arith.constant 0 : i32
    %add3A_51 = arith.addi %mul3A_2, %add3A_50 : i32
    %dma_start3A_52 = arith.constant 0 : i32
    %dma_start3A_53 = arith.constant 0 : i32
    %dma_start3A_54 = tpu.memref_slice %arg4[%add3A_51, %dma_start3A_52, %dma_start3A_53] : memref<1024x200x128xf32, #tpu.memory_space<hbm>> -> memref<1x200x128xf32, #tpu.memory_space<hbm>>
    %dma_start3A_55 = tpu.memref_squeeze %dma_start3A_54 : memref<1x200x128xf32, #tpu.memory_space<hbm>> -> memref<200x128xf32, #tpu.memory_space<hbm>>
    %dma_start3A_56 = arith.constant 0 : i32
    %dma_start3A_57 = arith.constant 0 : i32
    %dma_start3A_58 = tpu.memref_slice %arg4[%add3A_51, %dma_start3A_56, %dma_start3A_57] : memref<1024x200x128xf32, #tpu.memory_space<hbm>> -> memref<1x200x128xf32, #tpu.memory_space<hbm>>
    %dma_start3A_59 = tpu.memref_squeeze %dma_start3A_58 : memref<1x200x128xf32, #tpu.memory_space<hbm>> -> memref<200x128xf32, #tpu.memory_space<hbm>>
    tpu.enqueue_dma source(%arg6 : memref<200x128xf32, #tpu.memory_space<vmem>>) target(%dma_start3A_59 : memref<200x128xf32, #tpu.memory_space<hbm>>) target_semaphore(%arg14 : memref<!tpu.dma_semaphore, #tpu.memory_space<semaphore_mem>>)
    %dma_start3A_60 = arith.constant 2 : i32
    %dma_start3A_61 = arith.constant 0 : i32
    %dma_start3A_62 = arith.constant 0 : i32
    %dma_start3A_63 = tpu.memref_slice %arg8[%dma_start3A_61, %dma_start3A_62] : memref<200x128xf32, #tpu.memory_space<vmem>> -> memref<128x128xf32, #tpu.memory_space<vmem>>
    %dma_start3A_64 = arith.constant 0 : i32
    %dma_start3A_65 = tpu.memref_slice %arg5[%dma_start3A_60, %dma_start3A_64] : memref<32x200xi32, #tpu.memory_space<vmem>> -> memref<1x128xi32, #tpu.memory_space<vmem>>
    %dma_start3A_66 = tpu.memref_squeeze %dma_start3A_65 : memref<1x128xi32, #tpu.memory_space<vmem>> -> memref<128xi32, #tpu.memory_space<vmem>>
    %dma_start3A_67 = arith.constant 0 : i32
    %dma_start3A_68 = arith.constant 0 : i32
    %dma_start3A_69 = tpu.memref_slice %arg3[%dma_start3A_67, %dma_start3A_68] : memref<100000x128xf32, #tpu.memory_space<hbm>> -> memref<100000x128xf32, #tpu.memory_space<hbm>>
    tpu.enqueue_indirect_dma source(%dma_start3A_69 : memref<100000x128xf32, #tpu.memory_space<hbm>>) target(%dma_start3A_63 : memref<128x128xf32, #tpu.memory_space<vmem>>) offsets(%dma_start3A_66 : memref<128xi32, #tpu.memory_space<vmem>>) semaphore(%arg12 : memref<!tpu.dma_semaphore, #tpu.memory_space<semaphore_mem>>)
    %dma_start3A_70 = arith.constant 2 : i32
    %dma_start3A_71 = arith.constant 128 : i32
    %dma_start3A_72 = arith.constant 0 : i32
    %dma_start3A_73 = tpu.memref_slice %arg8[%dma_start3A_71, %dma_start3A_72] : memref<200x128xf32, #tpu.memory_space<vmem>> -> memref<72x128xf32, #tpu.memory_space<vmem>>
    %dma_start3A_74 = arith.constant 128 : i32
    %dma_start3A_75 = tpu.memref_slice %arg5[%dma_start3A_70, %dma_start3A_74] : memref<32x200xi32, #tpu.memory_space<vmem>> -> memref<1x72xi32, #tpu.memory_space<vmem>>
    %dma_start3A_76 = tpu.memref_squeeze %dma_start3A_75 : memref<1x72xi32, #tpu.memory_space<vmem>> -> memref<72xi32, #tpu.memory_space<vmem>>
    %dma_start3A_77 = arith.constant 0 : i32
    %dma_start3A_78 = arith.constant 0 : i32
    %dma_start3A_79 = tpu.memref_slice %arg3[%dma_start3A_77, %dma_start3A_78] : memref<100000x128xf32, #tpu.memory_space<hbm>> -> memref<100000x128xf32, #tpu.memory_space<hbm>>
    tpu.enqueue_indirect_dma source(%dma_start3A_79 : memref<100000x128xf32, #tpu.memory_space<hbm>>) target(%dma_start3A_73 : memref<72x128xf32, #tpu.memory_space<vmem>>) offsets(%dma_start3A_76 : memref<72xi32, #tpu.memory_space<vmem>>) semaphore(%arg12 : memref<!tpu.dma_semaphore, #tpu.memory_space<semaphore_mem>>)
    %dma_wait3A_80 = arith.constant 0 : i32
    %dma_wait3A_81 = arith.constant 0 : i32
    %dma_wait3A_82 = tpu.memref_slice %arg5[%dma_wait3A_80, %dma_wait3A_81] : memref<32x200xi32, #tpu.memory_space<vmem>> -> memref<1x200xi32, #tpu.memory_space<vmem>>
    %dma_wait3A_83 = tpu.memref_squeeze %dma_wait3A_82 : memref<1x200xi32, #tpu.memory_space<vmem>> -> memref<200xi32, #tpu.memory_space<vmem>>
    %dma_wait3A_84 = arith.constant 0 : i32
    %dma_wait3A_85 = arith.constant 0 : i32
    %dma_wait3A_86 = tpu.memref_slice %arg3[%dma_wait3A_84, %dma_wait3A_85] : memref<100000x128xf32, #tpu.memory_space<hbm>> -> memref<100000x128xf32, #tpu.memory_space<hbm>>
    tpu.wait_indirect_dma semaphore(%arg11 : memref<!tpu.dma_semaphore, #tpu.memory_space<semaphore_mem>>) src(%dma_wait3A_86 : memref<100000x128xf32, #tpu.memory_space<hbm>>) dst(%arg7 : memref<200x128xf32, #tpu.memory_space<vmem>>)
    %parallel_loop3A_87 = arith.constant 0 : i32
    %parallel_loop3A_88 = arith.constant 200 : i32
    %parallel_loop3A_89 = arith.constant 1 : i32
    scf.for %parallel_loop3A_201 = %parallel_loop3A_87 to %parallel_loop3A_88 step %parallel_loop3A_89  : i32 {
      %parallel_loop3A_202 = arith.index_cast %parallel_loop3A_201 : i32 to index
      %parallel_loop3A_203 = arith.constant 0 : index
      %parallel_loop3A_204 = tpu.vector_load %arg7[%parallel_loop3A_202, %parallel_loop3A_203] {strides = array<i32>} : memref<200x128xf32, #tpu.memory_space<vmem>>, vector<1x16xf32>,
      %parallel_loop3A_205 = vector.shape_cast %parallel_loop3A_204 : vector<1x16xf32> to vector<16xf32>
      %parallel_loop3A_206 = arith.constant 11.3137083 : f32
      %parallel_loop3A_207 = vector.broadcast %parallel_loop3A_206 : f32 to vector<16xf32>
      %parallel_loop3A_208 = arith.mulf %parallel_loop3A_205, %parallel_loop3A_207 : vector<16xf32>
      %parallel_loop3A_209 = arith.index_cast %parallel_loop3A_201 : i32 to index
      %parallel_loop3A_210 = arith.constant 0 : index
      %parallel_loop3A_211 = tpu.vector_load %arg7[%parallel_loop3A_209, %parallel_loop3A_210] {strides = array<i32>} : memref<200x128xf32, #tpu.memory_space<vmem>>, vector<1x16xf32>,
      %parallel_loop3A_212 = vector.shape_cast %parallel_loop3A_211 : vector<1x16xf32> to vector<16xf32>
      %parallel_loop3A_213 = vector.shape_cast %parallel_loop3A_208 : vector<16xf32> to vector<1x16xf32>
      tpu.vector_store %arg7[%parallel_loop3A_209, %parallel_loop3A_210], %parallel_loop3A_213 {strides = array<i32>} : memref<200x128xf32, #tpu.memory_space<vmem>>, vector<1x16xf32>,
      %parallel_loop3A_214 = arith.index_cast %parallel_loop3A_201 : i32 to index
      %parallel_loop3A_215 = arith.constant 16 : index
      %parallel_loop3A_216 = tpu.vector_load %arg7[%parallel_loop3A_214, %parallel_loop3A_215] {strides = array<i32>} : memref<200x128xf32, #tpu.memory_space<vmem>>, vector<1x16xf32>,
      %parallel_loop3A_217 = vector.shape_cast %parallel_loop3A_216 : vector<1x16xf32> to vector<16xf32>
      %parallel_loop3A_218 = arith.constant 11.3137083 : f32
      %parallel_loop3A_219 = vector.broadcast %parallel_loop3A_218 : f32 to vector<16xf32>
      %parallel_loop3A_220 = arith.mulf %parallel_loop3A_217, %parallel_loop3A_219 : vector<16xf32>
      %parallel_loop3A_221 = arith.index_cast %parallel_loop3A_201 : i32 to index
      %parallel_loop3A_222 = arith.constant 16 : index
      %parallel_loop3A_223 = tpu.vector_load %arg7[%parallel_loop3A_221, %parallel_loop3A_222] {strides = array<i32>} : memref<200x128xf32, #tpu.memory_space<vmem>>, vector<1x16xf32>,
      %parallel_loop3A_224 = vector.shape_cast %parallel_loop3A_223 : vector<1x16xf32> to vector<16xf32>
      %parallel_loop3A_225 = vector.shape_cast %parallel_loop3A_220 : vector<16xf32> to vector<1x16xf32>
      tpu.vector_store %arg7[%parallel_loop3A_221, %parallel_loop3A_222], %parallel_loop3A_225 {strides = array<i32>} : memref<200x128xf32, #tpu.memory_space<vmem>>, vector<1x16xf32>,
      %parallel_loop3A_226 = arith.index_cast %parallel_loop3A_201 : i32 to index
      %parallel_loop3A_227 = arith.constant 32 : index
      %parallel_loop3A_228 = tpu.vector_load %arg7[%parallel_loop3A_226, %parallel_loop3A_227] {strides = array<i32>} : memref<200x128xf32, #tpu.memory_space<vmem>>, vector<1x16xf32>,
      %parallel_loop3A_229 = vector.shape_cast %parallel_loop3A_228 : vector<1x16xf32> to vector<16xf32>
      %parallel_loop3A_230 = arith.constant 11.3137083 : f32
      %parallel_loop3A_231 = vector.broadcast %parallel_loop3A_230 : f32 to vector<16xf32>
      %parallel_loop3A_232 = arith.mulf %parallel_loop3A_229, %parallel_loop3A_231 : vector<16xf32>
      %parallel_loop3A_233 = arith.index_cast %parallel_loop3A_201 : i32 to index
      %parallel_loop3A_234 = arith.constant 32 : index
      %parallel_loop3A_235 = tpu.vector_load %arg7[%parallel_loop3A_233, %parallel_loop3A_234] {strides = array<i32>} : memref<200x128xf32, #tpu.memory_space<vmem>>, vector<1x16xf32>,
      %parallel_loop3A_236 = vector.shape_cast %parallel_loop3A_235 : vector<1x16xf32> to vector<16xf32>
      %parallel_loop3A_237 = vector.shape_cast %parallel_loop3A_232 : vector<16xf32> to vector<1x16xf32>
      tpu.vector_store %arg7[%parallel_loop3A_233, %parallel_loop3A_234], %parallel_loop3A_237 {strides = array<i32>} : memref<200x128xf32, #tpu.memory_space<vmem>>, vector<1x16xf32>,
      %parallel_loop3A_238 = arith.index_cast %parallel_loop3A_201 : i32 to index
      %parallel_loop3A_239 = arith.constant 48 : index
      %parallel_loop3A_240 = tpu.vector_load %arg7[%parallel_loop3A_238, %parallel_loop3A_239] {strides = array<i32>} : memref<200x128xf32, #tpu.memory_space<vmem>>, vector<1x16xf32>,
      %parallel_loop3A_241 = vector.shape_cast %parallel_loop3A_240 : vector<1x16xf32> to vector<16xf32>
      %parallel_loop3A_242 = arith.constant 11.3137083 : f32
      %parallel_loop3A_243 = vector.broadcast %parallel_loop3A_242 : f32 to vector<16xf32>
      %parallel_loop3A_244 = arith.mulf %parallel_loop3A_241, %parallel_loop3A_243 : vector<16xf32>
      %parallel_loop3A_245 = arith.index_cast %parallel_loop3A_201 : i32 to index
      %parallel_loop3A_246 = arith.constant 48 : index
      %parallel_loop3A_247 = tpu.vector_load %arg7[%parallel_loop3A_245, %parallel_loop3A_246] {strides = array<i32>} : memref<200x128xf32, #tpu.memory_space<vmem>>, vector<1x16xf32>,
      %parallel_loop3A_248 = vector.shape_cast %parallel_loop3A_247 : vector<1x16xf32> to vector<16xf32>
      %parallel_loop3A_249 = vector.shape_cast %parallel_loop3A_244 : vector<16xf32> to vector<1x16xf32>
      tpu.vector_store %arg7[%parallel_loop3A_245, %parallel_loop3A_246], %parallel_loop3A_249 {strides = array<i32>} : memref<200x128xf32, #tpu.memory_space<vmem>>, vector<1x16xf32>,
      %parallel_loop3A_250 = arith.index_cast %parallel_loop3A_201 : i32 to index
      %parallel_loop3A_251 = arith.constant 64 : index
      %parallel_loop3A_252 = tpu.vector_load %arg7[%parallel_loop3A_250, %parallel_loop3A_251] {strides = array<i32>} : memref<200x128xf32, #tpu.memory_space<vmem>>, vector<1x16xf32>,
      %parallel_loop3A_253 = vector.shape_cast %parallel_loop3A_252 : vector<1x16xf32> to vector<16xf32>
      %parallel_loop3A_254 = arith.constant 11.3137083 : f32
      %parallel_loop3A_255 = vector.broadcast %parallel_loop3A_254 : f32 to vector<16xf32>
      %parallel_loop3A_256 = arith.mulf %parallel_loop3A_253, %parallel_loop3A_255 : vector<16xf32>
      %parallel_loop3A_257 = arith.index_cast %parallel_loop3A_201 : i32 to index
      %parallel_loop3A_258 = arith.constant 64 : index
      %parallel_loop3A_259 = tpu.vector_load %arg7[%parallel_loop3A_257, %parallel_loop3A_258] {strides = array<i32>} : memref<200x128xf32, #tpu.memory_space<vmem>>, vector<1x16xf32>,
      %parallel_loop3A_260 = vector.shape_cast %parallel_loop3A_259 : vector<1x16xf32> to vector<16xf32>
      %parallel_loop3A_261 = vector.shape_cast %parallel_loop3A_256 : vector<16xf32> to vector<1x16xf32>
      tpu.vector_store %arg7[%parallel_loop3A_257, %parallel_loop3A_258], %parallel_loop3A_261 {strides = array<i32>} : memref<200x128xf32, #tpu.memory_space<vmem>>, vector<1x16xf32>,
      %parallel_loop3A_262 = arith.index_cast %parallel_loop3A_201 : i32 to index
      %parallel_loop3A_263 = arith.constant 80 : index
      %parallel_loop3A_264 = tpu.vector_load %arg7[%parallel_loop3A_262, %parallel_loop3A_263] {strides = array<i32>} : memref<200x128xf32, #tpu.memory_space<vmem>>, vector<1x16xf32>,
      %parallel_loop3A_265 = vector.shape_cast %parallel_loop3A_264 : vector<1x16xf32> to vector<16xf32>
      %parallel_loop3A_266 = arith.constant 11.3137083 : f32
      %parallel_loop3A_267 = vector.broadcast %parallel_loop3A_266 : f32 to vector<16xf32>
      %parallel_loop3A_268 = arith.mulf %parallel_loop3A_265, %parallel_loop3A_267 : vector<16xf32>
      %parallel_loop3A_269 = arith.index_cast %parallel_loop3A_201 : i32 to index
      %parallel_loop3A_270 = arith.constant 80 : index
      %parallel_loop3A_271 = tpu.vector_load %arg7[%parallel_loop3A_269, %parallel_loop3A_270] {strides = array<i32>} : memref<200x128xf32, #tpu.memory_space<vmem>>, vector<1x16xf32>,
      %parallel_loop3A_272 = vector.shape_cast %parallel_loop3A_271 : vector<1x16xf32> to vector<16xf32>
      %parallel_loop3A_273 = vector.shape_cast %parallel_loop3A_268 : vector<16xf32> to vector<1x16xf32>
      tpu.vector_store %arg7[%parallel_loop3A_269, %parallel_loop3A_270], %parallel_loop3A_273 {strides = array<i32>} : memref<200x128xf32, #tpu.memory_space<vmem>>, vector<1x16xf32>,
      %parallel_loop3A_274 = arith.index_cast %parallel_loop3A_201 : i32 to index
      %parallel_loop3A_275 = arith.constant 96 : index
      %parallel_loop3A_276 = tpu.vector_load %arg7[%parallel_loop3A_274, %parallel_loop3A_275] {strides = array<i32>} : memref<200x128xf32, #tpu.memory_space<vmem>>, vector<1x16xf32>,
      %parallel_loop3A_277 = vector.shape_cast %parallel_loop3A_276 : vector<1x16xf32> to vector<16xf32>
      %parallel_loop3A_278 = arith.constant 11.3137083 : f32
      %parallel_loop3A_279 = vector.broadcast %parallel_loop3A_278 : f32 to vector<16xf32>
      %parallel_loop3A_280 = arith.mulf %parallel_loop3A_277, %parallel_loop3A_279 : vector<16xf32>
      %parallel_loop3A_281 = arith.index_cast %parallel_loop3A_201 : i32 to index
      %parallel_loop3A_282 = arith.constant 96 : index
      %parallel_loop3A_283 = tpu.vector_load %arg7[%parallel_loop3A_281, %parallel_loop3A_282] {strides = array<i32>} : memref<200x128xf32, #tpu.memory_space<vmem>>, vector<1x16xf32>,
      %parallel_loop3A_284 = vector.shape_cast %parallel_loop3A_283 : vector<1x16xf32> to vector<16xf32>
      %parallel_loop3A_285 = vector.shape_cast %parallel_loop3A_280 : vector<16xf32> to vector<1x16xf32>
      tpu.vector_store %arg7[%parallel_loop3A_281, %parallel_loop3A_282], %parallel_loop3A_285 {strides = array<i32>} : memref<200x128xf32, #tpu.memory_space<vmem>>, vector<1x16xf32>,
      %parallel_loop3A_286 = arith.index_cast %parallel_loop3A_201 : i32 to index
      %parallel_loop3A_287 = arith.constant 112 : index
      %parallel_loop3A_288 = tpu.vector_load %arg7[%parallel_loop3A_286, %parallel_loop3A_287] {strides = array<i32>} : memref<200x128xf32, #tpu.memory_space<vmem>>, vector<1x16xf32>,
      %parallel_loop3A_289 = vector.shape_cast %parallel_loop3A_288 : vector<1x16xf32> to vector<16xf32>
      %parallel_loop3A_290 = arith.constant 11.3137083 : f32
      %parallel_loop3A_291 = vector.broadcast %parallel_loop3A_290 : f32 to vector<16xf32>
      %parallel_loop3A_292 = arith.mulf %parallel_loop3A_289, %parallel_loop3A_291 : vector<16xf32>
      %parallel_loop3A_293 = arith.index_cast %parallel_loop3A_201 : i32 to index
      %parallel_loop3A_294 = arith.constant 112 : index
      %parallel_loop3A_295 = tpu.vector_load %arg7[%parallel_loop3A_293, %parallel_loop3A_294] {strides = array<i32>} : memref<200x128xf32, #tpu.memory_space<vmem>>, vector<1x16xf32>,
      %parallel_loop3A_296 = vector.shape_cast %parallel_loop3A_295 : vector<1x16xf32> to vector<16xf32>
      %parallel_loop3A_297 = vector.shape_cast %parallel_loop3A_292 : vector<16xf32> to vector<1x16xf32>
      tpu.vector_store %arg7[%parallel_loop3A_293, %parallel_loop3A_294], %parallel_loop3A_297 {strides = array<i32>} : memref<200x128xf32, #tpu.memory_space<vmem>>, vector<1x16xf32>,
    } {sc.loop_unroll_factor = 4 : i64, sc.parallel_access}
    %add3A_90 = arith.constant 1 : i32
    %add3A_91 = arith.addi %mul3A_2, %add3A_90 : i32
    %dma_start3A_92 = arith.constant 0 : i32
    %dma_start3A_93 = arith.constant 0 : i32
    %dma_start3A_94 = tpu.memref_slice %arg4[%add3A_91, %dma_start3A_92, %dma_start3A_93] : memref<1024x200x128xf32, #tpu.memory_space<hbm>> -> memref<1x200x128xf32, #tpu.memory_space<hbm>>
    %dma_start3A_95 = tpu.memref_squeeze %dma_start3A_94 : memref<1x200x128xf32, #tpu.memory_space<hbm>> -> memref<200x128xf32, #tpu.memory_space<hbm>>
    %dma_start3A_96 = arith.constant 0 : i32
    %dma_start3A_97 = arith.constant 0 : i32
    %dma_start3A_98 = tpu.memref_slice %arg4[%add3A_91, %dma_start3A_96, %dma_start3A_97] : memref<1024x200x128xf32, #tpu.memory_space<hbm>> -> memref<1x200x128xf32, #tpu.memory_space<hbm>>
    %dma_start3A_99 = tpu.memref_squeeze %dma_start3A_98 : memref<1x200x128xf32, #tpu.memory_space<hbm>> -> memref<200x128xf32, #tpu.memory_space<hbm>>
    tpu.enqueue_dma source(%arg7 : memref<200x128xf32, #tpu.memory_space<vmem>>) target(%dma_start3A_99 : memref<200x128xf32, #tpu.memory_space<hbm>>) target_semaphore(%arg15 : memref<!tpu.dma_semaphore, #tpu.memory_space<semaphore_mem>>)
    %dma_start3A_100 = arith.constant 3 : i32
    %dma_start3A_101 = arith.constant 0 : i32
    %dma_start3A_102 = arith.constant 0 : i32
    %dma_start3A_103 = tpu.memref_slice %arg9[%dma_start3A_101, %dma_start3A_102] : memref<200x128xf32, #tpu.memory_space<vmem>> -> memref<128x128xf32, #tpu.memory_space<vmem>>
    %dma_start3A_104 = arith.constant 0 : i32
    %dma_start3A_105 = tpu.memref_slice %arg5[%dma_start3A_100, %dma_start3A_104] : memref<32x200xi32, #tpu.memory_space<vmem>> -> memref<1x128xi32, #tpu.memory_space<vmem>>
    %dma_start3A_106 = tpu.memref_squeeze %dma_start3A_105 : memref<1x128xi32, #tpu.memory_space<vmem>> -> memref<128xi32, #tpu.memory_space<vmem>>
    %dma_start3A_107 = arith.constant 0 : i32
    %dma_start3A_108 = arith.constant 0 : i32
    %dma_start3A_109 = tpu.memref_slice %arg3[%dma_start3A_107, %dma_start3A_108] : memref<100000x128xf32, #tpu.memory_space<hbm>> -> memref<100000x128xf32, #tpu.memory_space<hbm>>
    tpu.enqueue_indirect_dma source(%dma_start3A_109 : memref<100000x128xf32, #tpu.memory_space<hbm>>) target(%dma_start3A_103 : memref<128x128xf32, #tpu.memory_space<vmem>>) offsets(%dma_start3A_106 : memref<128xi32, #tpu.memory_space<vmem>>) semaphore(%arg13 : memref<!tpu.dma_semaphore, #tpu.memory_space<semaphore_mem>>)
    %dma_start3A_110 = arith.constant 3 : i32
    %dma_start3A_111 = arith.constant 128 : i32
    %dma_start3A_112 = arith.constant 0 : i32
    %dma_start3A_113 = tpu.memref_slice %arg9[%dma_start3A_111, %dma_start3A_112] : memref<200x128xf32, #tpu.memory_space<vmem>> -> memref<72x128xf32, #tpu.memory_space<vmem>>
    %dma_start3A_114 = arith.constant 128 : i32
    %dma_start3A_115 = tpu.memref_slice %arg5[%dma_start3A_110, %dma_start3A_114] : memref<32x200xi32, #tpu.memory_space<vmem>> -> memref<1x72xi32, #tpu.memory_space<vmem>>
    %dma_start3A_116 = tpu.memref_squeeze %dma_start3A_115 : memref<1x72xi32, #tpu.memory_space<vmem>> -> memref<72xi32, #tpu.memory_space<vmem>>
    %dma_start3A_117 = arith.constant 0 : i32
    %dma_start3A_118 = arith.constant 0 : i32
    %dma_start3A_119 = tpu.memref_slice %arg3[%dma_start3A_117, %dma_start3A_118] : memref<100000x128xf32, #tpu.memory_space<hbm>> -> memref<100000x128xf32, #tpu.memory_space<hbm>>
    tpu.enqueue_indirect_dma source(%dma_start3A_119 : memref<100000x128xf32, #tpu.memory_space<hbm>>) target(%dma_start3A_113 : memref<72x128xf32, #tpu.memory_space<vmem>>) offsets(%dma_start3A_116 : memref<72xi32, #tpu.memory_space<vmem>>) semaphore(%arg13 : memref<!tpu.dma_semaphore, #tpu.memory_space<semaphore_mem>>)
    %scan3A = arith.constant 0 : i32
    %scan3A_120 = arith.constant 0 : i32
    %scan3A_121 = arith.constant 7 : i32
    %scan3A_122 = arith.addi %scan3A_120, %scan3A_121 : i32
    %scan3A_123 = arith.constant 1 : i32
    scf.for %scan3A_201 = %scan3A_120 to %scan3A_122 step %scan3A_123  : i32 {
      %mul3A_202 = arith.constant 4 : i32
      %mul3A_203 = arith.muli %scan3A_201, %mul3A_202 : i32
      %add3A_204 = arith.constant 2 : i32
      %add3A_205 = arith.addi %add3A_204, %mul3A_203 : i32
      %add3A_206 = arith.constant 0 : i32
      %add3A_207 = arith.addi %add3A_205, %add3A_206 : i32
      %dma_wait3A_208 = arith.constant 0 : i32
      %dma_wait3A_209 = arith.constant 0 : i32
      %dma_wait3A_210 = tpu.memref_slice %arg5[%dma_wait3A_208, %dma_wait3A_209] : memref<32x200xi32, #tpu.memory_space<vmem>> -> memref<1x200xi32, #tpu.memory_space<vmem>>
      %dma_wait3A_211 = tpu.memref_squeeze %dma_wait3A_210 : memref<1x200xi32, #tpu.memory_space<vmem>> -> memref<200xi32, #tpu.memory_space<vmem>>
      %dma_wait3A_212 = arith.constant 0 : i32
      %dma_wait3A_213 = arith.constant 0 : i32
      %dma_wait3A_214 = tpu.memref_slice %arg3[%dma_wait3A_212, %dma_wait3A_213] : memref<100000x128xf32, #tpu.memory_space<hbm>> -> memref<100000x128xf32, #tpu.memory_space<hbm>>
      tpu.wait_indirect_dma semaphore(%arg12 : memref<!tpu.dma_semaphore, #tpu.memory_space<semaphore_mem>>) src(%dma_wait3A_214 : memref<100000x128xf32, #tpu.memory_space<hbm>>) dst(%arg8 : memref<200x128xf32, #tpu.memory_space<vmem>>)
      %parallel_loop3A_215 = arith.constant 0 : i32
      %parallel_loop3A_216 = arith.constant 200 : i32
      %parallel_loop3A_217 = arith.constant 1 : i32
      scf.for %parallel_loop3A_406 = %parallel_loop3A_215 to %parallel_loop3A_216 step %parallel_loop3A_217  : i32 {
        %parallel_loop3A_407 = arith.index_cast %parallel_loop3A_406 : i32 to index
        %parallel_loop3A_408 = arith.constant 0 : index
        %parallel_loop3A_409 = tpu.vector_load %arg8[%parallel_loop3A_407, %parallel_loop3A_408] {strides = array<i32>} : memref<200x128xf32, #tpu.memory_space<vmem>>, vector<1x16xf32>,
        %parallel_loop3A_410 = vector.shape_cast %parallel_loop3A_409 : vector<1x16xf32> to vector<16xf32>
        %parallel_loop3A_411 = arith.constant 11.3137083 : f32
        %parallel_loop3A_412 = vector.broadcast %parallel_loop3A_411 : f32 to vector<16xf32>
        %parallel_loop3A_413 = arith.mulf %parallel_loop3A_410, %parallel_loop3A_412 : vector<16xf32>
        %parallel_loop3A_414 = arith.index_cast %parallel_loop3A_406 : i32 to index
        %parallel_loop3A_415 = arith.constant 0 : index
        %parallel_loop3A_416 = tpu.vector_load %arg8[%parallel_loop3A_414, %parallel_loop3A_415] {strides = array<i32>} : memref<200x128xf32, #tpu.memory_space<vmem>>, vector<1x16xf32>,
        %parallel_loop3A_417 = vector.shape_cast %parallel_loop3A_416 : vector<1x16xf32> to vector<16xf32>
        %parallel_loop3A_418 = vector.shape_cast %parallel_loop3A_413 : vector<16xf32> to vector<1x16xf32>
        tpu.vector_store %arg8[%parallel_loop3A_414, %parallel_loop3A_415], %parallel_loop3A_418 {strides = array<i32>} : memref<200x128xf32, #tpu.memory_space<vmem>>, vector<1x16xf32>,
        %parallel_loop3A_419 = arith.index_cast %parallel_loop3A_406 : i32 to index
        %parallel_loop3A_420 = arith.constant 16 : index
        %parallel_loop3A_421 = tpu.vector_load %arg8[%parallel_loop3A_419, %parallel_loop3A_420] {strides = array<i32>} : memref<200x128xf32, #tpu.memory_space<vmem>>, vector<1x16xf32>,
        %parallel_loop3A_422 = vector.shape_cast %parallel_loop3A_421 : vector<1x16xf32> to vector<16xf32>
        %parallel_loop3A_423 = arith.constant 11.3137083 : f32
        %parallel_loop3A_424 = vector.broadcast %parallel_loop3A_423 : f32 to vector<16xf32>
        %parallel_loop3A_425 = arith.mulf %parallel_loop3A_422, %parallel_loop3A_424 : vector<16xf32>
        %parallel_loop3A_426 = arith.index_cast %parallel_loop3A_406 : i32 to index
        %parallel_loop3A_427 = arith.constant 16 : index
        %parallel_loop3A_428 = tpu.vector_load %arg8[%parallel_loop3A_426, %parallel_loop3A_427] {strides = array<i32>} : memref<200x128xf32, #tpu.memory_space<vmem>>, vector<1x16xf32>,
        %parallel_loop3A_429 = vector.shape_cast %parallel_loop3A_428 : vector<1x16xf32> to vector<16xf32>
        %parallel_loop3A_430 = vector.shape_cast %parallel_loop3A_425 : vector<16xf32> to vector<1x16xf32>
        tpu.vector_store %arg8[%parallel_loop3A_426, %parallel_loop3A_427], %parallel_loop3A_430 {strides = array<i32>} : memref<200x128xf32, #tpu.memory_space<vmem>>, vector<1x16xf32>,
        %parallel_loop3A_431 = arith.index_cast %parallel_loop3A_406 : i32 to index
        %parallel_loop3A_432 = arith.constant 32 : index
        %parallel_loop3A_433 = tpu.vector_load %arg8[%parallel_loop3A_431, %parallel_loop3A_432] {strides = array<i32>} : memref<200x128xf32, #tpu.memory_space<vmem>>, vector<1x16xf32>,
        %parallel_loop3A_434 = vector.shape_cast %parallel_loop3A_433 : vector<1x16xf32> to vector<16xf32>
        %parallel_loop3A_435 = arith.constant 11.3137083 : f32
        %parallel_loop3A_436 = vector.broadcast %parallel_loop3A_435 : f32 to vector<16xf32>
        %parallel_loop3A_437 = arith.mulf %parallel_loop3A_434, %parallel_loop3A_436 : vector<16xf32>
        %parallel_loop3A_438 = arith.index_cast %parallel_loop3A_406 : i32 to index
        %parallel_loop3A_439 = arith.constant 32 : index
        %parallel_loop3A_440 = tpu.vector_load %arg8[%parallel_loop3A_438, %parallel_loop3A_439] {strides = array<i32>} : memref<200x128xf32, #tpu.memory_space<vmem>>, vector<1x16xf32>,
        %parallel_loop3A_441 = vector.shape_cast %parallel_loop3A_440 : vector<1x16xf32> to vector<16xf32>
        %parallel_loop3A_442 = vector.shape_cast %parallel_loop3A_437 : vector<16xf32> to vector<1x16xf32>
        tpu.vector_store %arg8[%parallel_loop3A_438, %parallel_loop3A_439], %parallel_loop3A_442 {strides = array<i32>} : memref<200x128xf32, #tpu.memory_space<vmem>>, vector<1x16xf32>,
        %parallel_loop3A_443 = arith.index_cast %parallel_loop3A_406 : i32 to index
        %parallel_loop3A_444 = arith.constant 48 : index
        %parallel_loop3A_445 = tpu.vector_load %arg8[%parallel_loop3A_443, %parallel_loop3A_444] {strides = array<i32>} : memref<200x128xf32, #tpu.memory_space<vmem>>, vector<1x16xf32>,
        %parallel_loop3A_446 = vector.shape_cast %parallel_loop3A_445 : vector<1x16xf32> to vector<16xf32>
        %parallel_loop3A_447 = arith.constant 11.3137083 : f32
        %parallel_loop3A_448 = vector.broadcast %parallel_loop3A_447 : f32 to vector<16xf32>
        %parallel_loop3A_449 = arith.mulf %parallel_loop3A_446, %parallel_loop3A_448 : vector<16xf32>
        %parallel_loop3A_450 = arith.index_cast %parallel_loop3A_406 : i32 to index
        %parallel_loop3A_451 = arith.constant 48 : index
        %parallel_loop3A_452 = tpu.vector_load %arg8[%parallel_loop3A_450, %parallel_loop3A_451] {strides = array<i32>} : memref<200x128xf32, #tpu.memory_space<vmem>>, vector<1x16xf32>,
        %parallel_loop3A_453 = vector.shape_cast %parallel_loop3A_452 : vector<1x16xf32> to vector<16xf32>
        %parallel_loop3A_454 = vector.shape_cast %parallel_loop3A_449 : vector<16xf32> to vector<1x16xf32>
        tpu.vector_store %arg8[%parallel_loop3A_450, %parallel_loop3A_451], %parallel_loop3A_454 {strides = array<i32>} : memref<200x128xf32, #tpu.memory_space<vmem>>, vector<1x16xf32>,
        %parallel_loop3A_455 = arith.index_cast %parallel_loop3A_406 : i32 to index
        %parallel_loop3A_456 = arith.constant 64 : index
        %parallel_loop3A_457 = tpu.vector_load %arg8[%parallel_loop3A_455, %parallel_loop3A_456] {strides = array<i32>} : memref<200x128xf32, #tpu.memory_space<vmem>>, vector<1x16xf32>,
        %parallel_loop3A_458 = vector.shape_cast %parallel_loop3A_457 : vector<1x16xf32> to vector<16xf32>
        %parallel_loop3A_459 = arith.constant 11.3137083 : f32
        %parallel_loop3A_460 = vector.broadcast %parallel_loop3A_459 : f32 to vector<16xf32>
        %parallel_loop3A_461 = arith.mulf %parallel_loop3A_458, %parallel_loop3A_460 : vector<16xf32>
        %parallel_loop3A_462 = arith.index_cast %parallel_loop3A_406 : i32 to index
        %parallel_loop3A_463 = arith.constant 64 : index
        %parallel_loop3A_464 = tpu.vector_load %arg8[%parallel_loop3A_462, %parallel_loop3A_463] {strides = array<i32>} : memref<200x128xf32, #tpu.memory_space<vmem>>, vector<1x16xf32>,
        %parallel_loop3A_465 = vector.shape_cast %parallel_loop3A_464 : vector<1x16xf32> to vector<16xf32>
        %parallel_loop3A_466 = vector.shape_cast %parallel_loop3A_461 : vector<16xf32> to vector<1x16xf32>
        tpu.vector_store %arg8[%parallel_loop3A_462, %parallel_loop3A_463], %parallel_loop3A_466 {strides = array<i32>} : memref<200x128xf32, #tpu.memory_space<vmem>>, vector<1x16xf32>,
        %parallel_loop3A_467 = arith.index_cast %parallel_loop3A_406 : i32 to index
        %parallel_loop3A_468 = arith.constant 80 : index
        %parallel_loop3A_469 = tpu.vector_load %arg8[%parallel_loop3A_467, %parallel_loop3A_468] {strides = array<i32>} : memref<200x128xf32, #tpu.memory_space<vmem>>, vector<1x16xf32>,
        %parallel_loop3A_470 = vector.shape_cast %parallel_loop3A_469 : vector<1x16xf32> to vector<16xf32>
        %parallel_loop3A_471 = arith.constant 11.3137083 : f32
        %parallel_loop3A_472 = vector.broadcast %parallel_loop3A_471 : f32 to vector<16xf32>
        %parallel_loop3A_473 = arith.mulf %parallel_loop3A_470, %parallel_loop3A_472 : vector<16xf32>
        %parallel_loop3A_474 = arith.index_cast %parallel_loop3A_406 : i32 to index
        %parallel_loop3A_475 = arith.constant 80 : index
        %parallel_loop3A_476 = tpu.vector_load %arg8[%parallel_loop3A_474, %parallel_loop3A_475] {strides = array<i32>} : memref<200x128xf32, #tpu.memory_space<vmem>>, vector<1x16xf32>,
        %parallel_loop3A_477 = vector.shape_cast %parallel_loop3A_476 : vector<1x16xf32> to vector<16xf32>
        %parallel_loop3A_478 = vector.shape_cast %parallel_loop3A_473 : vector<16xf32> to vector<1x16xf32>
        tpu.vector_store %arg8[%parallel_loop3A_474, %parallel_loop3A_475], %parallel_loop3A_478 {strides = array<i32>} : memref<200x128xf32, #tpu.memory_space<vmem>>, vector<1x16xf32>,
        %parallel_loop3A_479 = arith.index_cast %parallel_loop3A_406 : i32 to index
        %parallel_loop3A_480 = arith.constant 96 : index
        %parallel_loop3A_481 = tpu.vector_load %arg8[%parallel_loop3A_479, %parallel_loop3A_480] {strides = array<i32>} : memref<200x128xf32, #tpu.memory_space<vmem>>, vector<1x16xf32>,
        %parallel_loop3A_482 = vector.shape_cast %parallel_loop3A_481 : vector<1x16xf32> to vector<16xf32>
        %parallel_loop3A_483 = arith.constant 11.3137083 : f32
        %parallel_loop3A_484 = vector.broadcast %parallel_loop3A_483 : f32 to vector<16xf32>
        %parallel_loop3A_485 = arith.mulf %parallel_loop3A_482, %parallel_loop3A_484 : vector<16xf32>
        %parallel_loop3A_486 = arith.index_cast %parallel_loop3A_406 : i32 to index
        %parallel_loop3A_487 = arith.constant 96 : index
        %parallel_loop3A_488 = tpu.vector_load %arg8[%parallel_loop3A_486, %parallel_loop3A_487] {strides = array<i32>} : memref<200x128xf32, #tpu.memory_space<vmem>>, vector<1x16xf32>,
        %parallel_loop3A_489 = vector.shape_cast %parallel_loop3A_488 : vector<1x16xf32> to vector<16xf32>
        %parallel_loop3A_490 = vector.shape_cast %parallel_loop3A_485 : vector<16xf32> to vector<1x16xf32>
        tpu.vector_store %arg8[%parallel_loop3A_486, %parallel_loop3A_487], %parallel_loop3A_490 {strides = array<i32>} : memref<200x128xf32, #tpu.memory_space<vmem>>, vector<1x16xf32>,
        %parallel_loop3A_491 = arith.index_cast %parallel_loop3A_406 : i32 to index
        %parallel_loop3A_492 = arith.constant 112 : index
        %parallel_loop3A_493 = tpu.vector_load %arg8[%parallel_loop3A_491, %parallel_loop3A_492] {strides = array<i32>} : memref<200x128xf32, #tpu.memory_space<vmem>>, vector<1x16xf32>,
        %parallel_loop3A_494 = vector.shape_cast %parallel_loop3A_493 : vector<1x16xf32> to vector<16xf32>
        %parallel_loop3A_495 = arith.constant 11.3137083 : f32
        %parallel_loop3A_496 = vector.broadcast %parallel_loop3A_495 : f32 to vector<16xf32>
        %parallel_loop3A_497 = arith.mulf %parallel_loop3A_494, %parallel_loop3A_496 : vector<16xf32>
        %parallel_loop3A_498 = arith.index_cast %parallel_loop3A_406 : i32 to index
        %parallel_loop3A_499 = arith.constant 112 : index
        %parallel_loop3A_500 = tpu.vector_load %arg8[%parallel_loop3A_498, %parallel_loop3A_499] {strides = array<i32>} : memref<200x128xf32, #tpu.memory_space<vmem>>, vector<1x16xf32>,
        %parallel_loop3A_501 = vector.shape_cast %parallel_loop3A_500 : vector<1x16xf32> to vector<16xf32>
        %parallel_loop3A_502 = vector.shape_cast %parallel_loop3A_497 : vector<16xf32> to vector<1x16xf32>
        tpu.vector_store %arg8[%parallel_loop3A_498, %parallel_loop3A_499], %parallel_loop3A_502 {strides = array<i32>} : memref<200x128xf32, #tpu.memory_space<vmem>>, vector<1x16xf32>,
      } {sc.loop_unroll_factor = 4 : i64, sc.parallel_access}
      %add3A_218 = arith.addi %mul3A_2, %add3A_207 : i32
      %dma_start3A_219 = arith.constant 0 : i32
      %dma_start3A_220 = arith.constant 0 : i32
      %dma_start3A_221 = tpu.memref_slice %arg4[%add3A_218, %dma_start3A_219, %dma_start3A_220] : memref<1024x200x128xf32, #tpu.memory_space<hbm>> -> memref<1x200x128xf32, #tpu.memory_space<hbm>>
      %dma_start3A_222 = tpu.memref_squeeze %dma_start3A_221 : memref<1x200x128xf32, #tpu.memory_space<hbm>> -> memref<200x128xf32, #tpu.memory_space<hbm>>
      %dma_start3A_223 = arith.constant 0 : i32
      %dma_start3A_224 = arith.constant 0 : i32
      %dma_start3A_225 = tpu.memref_slice %arg4[%add3A_218, %dma_start3A_223, %dma_start3A_224] : memref<1024x200x128xf32, #tpu.memory_space<hbm>> -> memref<1x200x128xf32, #tpu.memory_space<hbm>>
      %dma_start3A_226 = tpu.memref_squeeze %dma_start3A_225 : memref<1x200x128xf32, #tpu.memory_space<hbm>> -> memref<200x128xf32, #tpu.memory_space<hbm>>
      tpu.enqueue_dma source(%arg8 : memref<200x128xf32, #tpu.memory_space<vmem>>) target(%dma_start3A_226 : memref<200x128xf32, #tpu.memory_space<hbm>>) target_semaphore(%arg16 : memref<!tpu.dma_semaphore, #tpu.memory_space<semaphore_mem>>)
      %dma_wait3A_227 = arith.constant 0 : i32
      %dma_wait3A_228 = arith.constant 0 : i32
      %dma_wait3A_229 = arith.constant 0 : i32
      %dma_wait3A_230 = tpu.memref_slice %arg4[%dma_wait3A_227, %dma_wait3A_228, %dma_wait3A_229] : memref<1024x200x128xf32, #tpu.memory_space<hbm>> -> memref<1x200x128xf32, #tpu.memory_space<hbm>>
      %dma_wait3A_231 = tpu.memref_squeeze %dma_wait3A_230 : memref<1x200x128xf32, #tpu.memory_space<hbm>> -> memref<200x128xf32, #tpu.memory_space<hbm>>
      %dma_wait3A_232 = arith.constant 0 : i32
      %dma_wait3A_233 = arith.constant 0 : i32
      %dma_wait3A_234 = tpu.memref_slice %arg4[%dma_wait3A_227, %dma_wait3A_232, %dma_wait3A_233] : memref<1024x200x128xf32, #tpu.memory_space<hbm>> -> memref<1x200x128xf32, #tpu.memory_space<hbm>>
      %dma_wait3A_235 = tpu.memref_squeeze %dma_wait3A_234 : memref<1x200x128xf32, #tpu.memory_space<hbm>> -> memref<200x128xf32, #tpu.memory_space<hbm>>
      tpu.wait_dma2 semaphore(%arg14 : memref<!tpu.dma_semaphore, #tpu.memory_space<semaphore_mem>>) src(%arg6 : memref<200x128xf32, #tpu.memory_space<vmem>>) dst(%dma_wait3A_235 : memref<200x128xf32, #tpu.memory_space<hbm>>)
      %add3A_236 = arith.constant 2 : i32
      %add3A_237 = arith.addi %add3A_207, %add3A_236 : i32
      %dma_start3A_238 = arith.constant 0 : i32
      %dma_start3A_239 = arith.constant 0 : i32
      %dma_start3A_240 = tpu.memref_slice %arg6[%dma_start3A_238, %dma_start3A_239] : memref<200x128xf32, #tpu.memory_space<vmem>> -> memref<128x128xf32, #tpu.memory_space<vmem>>
      %dma_start3A_241 = arith.constant 0 : i32
      %dma_start3A_242 = tpu.memref_slice %arg5[%add3A_237, %dma_start3A_241] : memref<32x200xi32, #tpu.memory_space<vmem>> -> memref<1x128xi32, #tpu.memory_space<vmem>>
      %dma_start3A_243 = tpu.memref_squeeze %dma_start3A_242 : memref<1x128xi32, #tpu.memory_space<vmem>> -> memref<128xi32, #tpu.memory_space<vmem>>
      %dma_start3A_244 = arith.constant 0 : i32
      %dma_start3A_245 = arith.constant 0 : i32
      %dma_start3A_246 = tpu.memref_slice %arg3[%dma_start3A_244, %dma_start3A_245] : memref<100000x128xf32, #tpu.memory_space<hbm>> -> memref<100000x128xf32, #tpu.memory_space<hbm>>
      tpu.enqueue_indirect_dma source(%dma_start3A_246 : memref<100000x128xf32, #tpu.memory_space<hbm>>) target(%dma_start3A_240 : memref<128x128xf32, #tpu.memory_space<vmem>>) offsets(%dma_start3A_243 : memref<128xi32, #tpu.memory_space<vmem>>) semaphore(%arg10 : memref<!tpu.dma_semaphore, #tpu.memory_space<semaphore_mem>>)
      %dma_start3A_247 = arith.constant 128 : i32
      %dma_start3A_248 = arith.constant 0 : i32
      %dma_start3A_249 = tpu.memref_slice %arg6[%dma_start3A_247, %dma_start3A_248] : memref<200x128xf32, #tpu.memory_space<vmem>> -> memref<72x128xf32, #tpu.memory_space<vmem>>
      %dma_start3A_250 = arith.constant 128 : i32
      %dma_start3A_251 = tpu.memref_slice %arg5[%add3A_237, %dma_start3A_250] : memref<32x200xi32, #tpu.memory_space<vmem>> -> memref<1x72xi32, #tpu.memory_space<vmem>>
      %dma_start3A_252 = tpu.memref_squeeze %dma_start3A_251 : memref<1x72xi32, #tpu.memory_space<vmem>> -> memref<72xi32, #tpu.memory_space<vmem>>
      %dma_start3A_253 = arith.constant 0 : i32
      %dma_start3A_254 = arith.constant 0 : i32
      %dma_start3A_255 = tpu.memref_slice %arg3[%dma_start3A_253, %dma_start3A_254] : memref<100000x128xf32, #tpu.memory_space<hbm>> -> memref<100000x128xf32, #tpu.memory_space<hbm>>
      tpu.enqueue_indirect_dma source(%dma_start3A_255 : memref<100000x128xf32, #tpu.memory_space<hbm>>) target(%dma_start3A_249 : memref<72x128xf32, #tpu.memory_space<vmem>>) offsets(%dma_start3A_252 : memref<72xi32, #tpu.memory_space<vmem>>) semaphore(%arg10 : memref<!tpu.dma_semaphore, #tpu.memory_space<semaphore_mem>>)
      %add3A_256 = arith.constant 1 : i32
      %add3A_257 = arith.addi %add3A_205, %add3A_256 : i32
      %dma_wait3A_258 = arith.constant 0 : i32
      %dma_wait3A_259 = arith.constant 0 : i32
      %dma_wait3A_260 = tpu.memref_slice %arg5[%dma_wait3A_258, %dma_wait3A_259] : memref<32x200xi32, #tpu.memory_space<vmem>> -> memref<1x200xi32, #tpu.memory_space<vmem>>
      %dma_wait3A_261 = tpu.memref_squeeze %dma_wait3A_260 : memref<1x200xi32, #tpu.memory_space<vmem>> -> memref<200xi32, #tpu.memory_space<vmem>>
      %dma_wait3A_262 = arith.constant 0 : i32
      %dma_wait3A_263 = arith.constant 0 : i32
      %dma_wait3A_264 = tpu.memref_slice %arg3[%dma_wait3A_262, %dma_wait3A_263] : memref<100000x128xf32, #tpu.memory_space<hbm>> -> memref<100000x128xf32, #tpu.memory_space<hbm>>
      tpu.wait_indirect_dma semaphore(%arg13 : memref<!tpu.dma_semaphore, #tpu.memory_space<semaphore_mem>>) src(%dma_wait3A_264 : memref<100000x128xf32, #tpu.memory_space<hbm>>) dst(%arg9 : memref<200x128xf32, #tpu.memory_space<vmem>>)
      %parallel_loop3A_265 = arith.constant 0 : i32
      %parallel_loop3A_266 = arith.constant 200 : i32
      %parallel_loop3A_267 = arith.constant 1 : i32
      scf.for %parallel_loop3A_406 = %parallel_loop3A_265 to %parallel_loop3A_266 step %parallel_loop3A_267  : i32 {
        %parallel_loop3A_407 = arith.index_cast %parallel_loop3A_406 : i32 to index
        %parallel_loop3A_408 = arith.constant 0 : index
        %parallel_loop3A_409 = tpu.vector_load %arg9[%parallel_loop3A_407, %parallel_loop3A_408] {strides = array<i32>} : memref<200x128xf32, #tpu.memory_space<vmem>>, vector<1x16xf32>,
        %parallel_loop3A_410 = vector.shape_cast %parallel_loop3A_409 : vector<1x16xf32> to vector<16xf32>
        %parallel_loop3A_411 = arith.constant 11.3137083 : f32
        %parallel_loop3A_412 = vector.broadcast %parallel_loop3A_411 : f32 to vector<16xf32>
        %parallel_loop3A_413 = arith.mulf %parallel_loop3A_410, %parallel_loop3A_412 : vector<16xf32>
        %parallel_loop3A_414 = arith.index_cast %parallel_loop3A_406 : i32 to index
        %parallel_loop3A_415 = arith.constant 0 : index
        %parallel_loop3A_416 = tpu.vector_load %arg9[%parallel_loop3A_414, %parallel_loop3A_415] {strides = array<i32>} : memref<200x128xf32, #tpu.memory_space<vmem>>, vector<1x16xf32>,
        %parallel_loop3A_417 = vector.shape_cast %parallel_loop3A_416 : vector<1x16xf32> to vector<16xf32>
        %parallel_loop3A_418 = vector.shape_cast %parallel_loop3A_413 : vector<16xf32> to vector<1x16xf32>
        tpu.vector_store %arg9[%parallel_loop3A_414, %parallel_loop3A_415], %parallel_loop3A_418 {strides = array<i32>} : memref<200x128xf32, #tpu.memory_space<vmem>>, vector<1x16xf32>,
        %parallel_loop3A_419 = arith.index_cast %parallel_loop3A_406 : i32 to index
        %parallel_loop3A_420 = arith.constant 16 : index
        %parallel_loop3A_421 = tpu.vector_load %arg9[%parallel_loop3A_419, %parallel_loop3A_420] {strides = array<i32>} : memref<200x128xf32, #tpu.memory_space<vmem>>, vector<1x16xf32>,
        %parallel_loop3A_422 = vector.shape_cast %parallel_loop3A_421 : vector<1x16xf32> to vector<16xf32>
        %parallel_loop3A_423 = arith.constant 11.3137083 : f32
        %parallel_loop3A_424 = vector.broadcast %parallel_loop3A_423 : f32 to vector<16xf32>
        %parallel_loop3A_425 = arith.mulf %parallel_loop3A_422, %parallel_loop3A_424 : vector<16xf32>
        %parallel_loop3A_426 = arith.index_cast %parallel_loop3A_406 : i32 to index
        %parallel_loop3A_427 = arith.constant 16 : index
        %parallel_loop3A_428 = tpu.vector_load %arg9[%parallel_loop3A_426, %parallel_loop3A_427] {strides = array<i32>} : memref<200x128xf32, #tpu.memory_space<vmem>>, vector<1x16xf32>,
        %parallel_loop3A_429 = vector.shape_cast %parallel_loop3A_428 : vector<1x16xf32> to vector<16xf32>
        %parallel_loop3A_430 = vector.shape_cast %parallel_loop3A_425 : vector<16xf32> to vector<1x16xf32>
        tpu.vector_store %arg9[%parallel_loop3A_426, %parallel_loop3A_427], %parallel_loop3A_430 {strides = array<i32>} : memref<200x128xf32, #tpu.memory_space<vmem>>, vector<1x16xf32>,
        %parallel_loop3A_431 = arith.index_cast %parallel_loop3A_406 : i32 to index
        %parallel_loop3A_432 = arith.constant 32 : index
        %parallel_loop3A_433 = tpu.vector_load %arg9[%parallel_loop3A_431, %parallel_loop3A_432] {strides = array<i32>} : memref<200x128xf32, #tpu.memory_space<vmem>>, vector<1x16xf32>,
        %parallel_loop3A_434 = vector.shape_cast %parallel_loop3A_433 : vector<1x16xf32> to vector<16xf32>
        %parallel_loop3A_435 = arith.constant 11.3137083 : f32
        %parallel_loop3A_436 = vector.broadcast %parallel_loop3A_435 : f32 to vector<16xf32>
        %parallel_loop3A_437 = arith.mulf %parallel_loop3A_434, %parallel_loop3A_436 : vector<16xf32>
        %parallel_loop3A_438 = arith.index_cast %parallel_loop3A_406 : i32 to index
        %parallel_loop3A_439 = arith.constant 32 : index
        %parallel_loop3A_440 = tpu.vector_load %arg9[%parallel_loop3A_438, %parallel_loop3A_439] {strides = array<i32>} : memref<200x128xf32, #tpu.memory_space<vmem>>, vector<1x16xf32>,
        %parallel_loop3A_441 = vector.shape_cast %parallel_loop3A_440 : vector<1x16xf32> to vector<16xf32>
        %parallel_loop3A_442 = vector.shape_cast %parallel_loop3A_437 : vector<16xf32> to vector<1x16xf32>
        tpu.vector_store %arg9[%parallel_loop3A_438, %parallel_loop3A_439], %parallel_loop3A_442 {strides = array<i32>} : memref<200x128xf32, #tpu.memory_space<vmem>>, vector<1x16xf32>,
        %parallel_loop3A_443 = arith.index_cast %parallel_loop3A_406 : i32 to index
        %parallel_loop3A_444 = arith.constant 48 : index
        %parallel_loop3A_445 = tpu.vector_load %arg9[%parallel_loop3A_443, %parallel_loop3A_444] {strides = array<i32>} : memref<200x128xf32, #tpu.memory_space<vmem>>, vector<1x16xf32>,
        %parallel_loop3A_446 = vector.shape_cast %parallel_loop3A_445 : vector<1x16xf32> to vector<16xf32>
        %parallel_loop3A_447 = arith.constant 11.3137083 : f32
        %parallel_loop3A_448 = vector.broadcast %parallel_loop3A_447 : f32 to vector<16xf32>
        %parallel_loop3A_449 = arith.mulf %parallel_loop3A_446, %parallel_loop3A_448 : vector<16xf32>
        %parallel_loop3A_450 = arith.index_cast %parallel_loop3A_406 : i32 to index
        %parallel_loop3A_451 = arith.constant 48 : index
        %parallel_loop3A_452 = tpu.vector_load %arg9[%parallel_loop3A_450, %parallel_loop3A_451] {strides = array<i32>} : memref<200x128xf32, #tpu.memory_space<vmem>>, vector<1x16xf32>,
        %parallel_loop3A_453 = vector.shape_cast %parallel_loop3A_452 : vector<1x16xf32> to vector<16xf32>
        %parallel_loop3A_454 = vector.shape_cast %parallel_loop3A_449 : vector<16xf32> to vector<1x16xf32>
        tpu.vector_store %arg9[%parallel_loop3A_450, %parallel_loop3A_451], %parallel_loop3A_454 {strides = array<i32>} : memref<200x128xf32, #tpu.memory_space<vmem>>, vector<1x16xf32>,
        %parallel_loop3A_455 = arith.index_cast %parallel_loop3A_406 : i32 to index
        %parallel_loop3A_456 = arith.constant 64 : index
        %parallel_loop3A_457 = tpu.vector_load %arg9[%parallel_loop3A_455, %parallel_loop3A_456] {strides = array<i32>} : memref<200x128xf32, #tpu.memory_space<vmem>>, vector<1x16xf32>,
        %parallel_loop3A_458 = vector.shape_cast %parallel_loop3A_457 : vector<1x16xf32> to vector<16xf32>
        %parallel_loop3A_459 = arith.constant 11.3137083 : f32
        %parallel_loop3A_460 = vector.broadcast %parallel_loop3A_459 : f32 to vector<16xf32>
        %parallel_loop3A_461 = arith.mulf %parallel_loop3A_458, %parallel_loop3A_460 : vector<16xf32>
        %parallel_loop3A_462 = arith.index_cast %parallel_loop3A_406 : i32 to index
        %parallel_loop3A_463 = arith.constant 64 : index
        %parallel_loop3A_464 = tpu.vector_load %arg9[%parallel_loop3A_462, %parallel_loop3A_463] {strides = array<i32>} : memref<200x128xf32, #tpu.memory_space<vmem>>, vector<1x16xf32>,
        %parallel_loop3A_465 = vector.shape_cast %parallel_loop3A_464 : vector<1x16xf32> to vector<16xf32>
        %parallel_loop3A_466 = vector.shape_cast %parallel_loop3A_461 : vector<16xf32> to vector<1x16xf32>
        tpu.vector_store %arg9[%parallel_loop3A_462, %parallel_loop3A_463], %parallel_loop3A_466 {strides = array<i32>} : memref<200x128xf32, #tpu.memory_space<vmem>>, vector<1x16xf32>,
        %parallel_loop3A_467 = arith.index_cast %parallel_loop3A_406 : i32 to index
        %parallel_loop3A_468 = arith.constant 80 : index
        %parallel_loop3A_469 = tpu.vector_load %arg9[%parallel_loop3A_467, %parallel_loop3A_468] {strides = array<i32>} : memref<200x128xf32, #tpu.memory_space<vmem>>, vector<1x16xf32>,
        %parallel_loop3A_470 = vector.shape_cast %parallel_loop3A_469 : vector<1x16xf32> to vector<16xf32>
        %parallel_loop3A_471 = arith.constant 11.3137083 : f32
        %parallel_loop3A_472 = vector.broadcast %parallel_loop3A_471 : f32 to vector<16xf32>
        %parallel_loop3A_473 = arith.mulf %parallel_loop3A_470, %parallel_loop3A_472 : vector<16xf32>
        %parallel_loop3A_474 = arith.index_cast %parallel_loop3A_406 : i32 to index
        %parallel_loop3A_475 = arith.constant 80 : index
        %parallel_loop3A_476 = tpu.vector_load %arg9[%parallel_loop3A_474, %parallel_loop3A_475] {strides = array<i32>} : memref<200x128xf32, #tpu.memory_space<vmem>>, vector<1x16xf32>,
        %parallel_loop3A_477 = vector.shape_cast %parallel_loop3A_476 : vector<1x16xf32> to vector<16xf32>
        %parallel_loop3A_478 = vector.shape_cast %parallel_loop3A_473 : vector<16xf32> to vector<1x16xf32>
        tpu.vector_store %arg9[%parallel_loop3A_474, %parallel_loop3A_475], %parallel_loop3A_478 {strides = array<i32>} : memref<200x128xf32, #tpu.memory_space<vmem>>, vector<1x16xf32>,
        %parallel_loop3A_479 = arith.index_cast %parallel_loop3A_406 : i32 to index
        %parallel_loop3A_480 = arith.constant 96 : index
        %parallel_loop3A_481 = tpu.vector_load %arg9[%parallel_loop3A_479, %parallel_loop3A_480] {strides = array<i32>} : memref<200x128xf32, #tpu.memory_space<vmem>>, vector<1x16xf32>,
        %parallel_loop3A_482 = vector.shape_cast %parallel_loop3A_481 : vector<1x16xf32> to vector<16xf32>
        %parallel_loop3A_483 = arith.constant 11.3137083 : f32
        %parallel_loop3A_484 = vector.broadcast %parallel_loop3A_483 : f32 to vector<16xf32>
        %parallel_loop3A_485 = arith.mulf %parallel_loop3A_482, %parallel_loop3A_484 : vector<16xf32>
        %parallel_loop3A_486 = arith.index_cast %parallel_loop3A_406 : i32 to index
        %parallel_loop3A_487 = arith.constant 96 : index
        %parallel_loop3A_488 = tpu.vector_load %arg9[%parallel_loop3A_486, %parallel_loop3A_487] {strides = array<i32>} : memref<200x128xf32, #tpu.memory_space<vmem>>, vector<1x16xf32>,
        %parallel_loop3A_489 = vector.shape_cast %parallel_loop3A_488 : vector<1x16xf32> to vector<16xf32>
        %parallel_loop3A_490 = vector.shape_cast %parallel_loop3A_485 : vector<16xf32> to vector<1x16xf32>
        tpu.vector_store %arg9[%parallel_loop3A_486, %parallel_loop3A_487], %parallel_loop3A_490 {strides = array<i32>} : memref<200x128xf32, #tpu.memory_space<vmem>>, vector<1x16xf32>,
        %parallel_loop3A_491 = arith.index_cast %parallel_loop3A_406 : i32 to index
        %parallel_loop3A_492 = arith.constant 112 : index
        %parallel_loop3A_493 = tpu.vector_load %arg9[%parallel_loop3A_491, %parallel_loop3A_492] {strides = array<i32>} : memref<200x128xf32, #tpu.memory_space<vmem>>, vector<1x16xf32>,
        %parallel_loop3A_494 = vector.shape_cast %parallel_loop3A_493 : vector<1x16xf32> to vector<16xf32>
        %parallel_loop3A_495 = arith.constant 11.3137083 : f32
        %parallel_loop3A_496 = vector.broadcast %parallel_loop3A_495 : f32 to vector<16xf32>
        %parallel_loop3A_497 = arith.mulf %parallel_loop3A_494, %parallel_loop3A_496 : vector<16xf32>
        %parallel_loop3A_498 = arith.index_cast %parallel_loop3A_406 : i32 to index
        %parallel_loop3A_499 = arith.constant 112 : index
        %parallel_loop3A_500 = tpu.vector_load %arg9[%parallel_loop3A_498, %parallel_loop3A_499] {strides = array<i32>} : memref<200x128xf32, #tpu.memory_space<vmem>>, vector<1x16xf32>,
        %parallel_loop3A_501 = vector.shape_cast %parallel_loop3A_500 : vector<1x16xf32> to vector<16xf32>
        %parallel_loop3A_502 = vector.shape_cast %parallel_loop3A_497 : vector<16xf32> to vector<1x16xf32>
        tpu.vector_store %arg9[%parallel_loop3A_498, %parallel_loop3A_499], %parallel_loop3A_502 {strides = array<i32>} : memref<200x128xf32, #tpu.memory_space<vmem>>, vector<1x16xf32>,
      } {sc.loop_unroll_factor = 4 : i64, sc.parallel_access}
      %add3A_268 = arith.addi %mul3A_2, %add3A_257 : i32
      %dma_start3A_269 = arith.constant 0 : i32
      %dma_start3A_270 = arith.constant 0 : i32
      %dma_start3A_271 = tpu.memref_slice %arg4[%add3A_268, %dma_start3A_269, %dma_start3A_270] : memref<1024x200x128xf32, #tpu.memory_space<hbm>> -> memref<1x200x128xf32, #tpu.memory_space<hbm>>
      %dma_start3A_272 = tpu.memref_squeeze %dma_start3A_271 : memref<1x200x128xf32, #tpu.memory_space<hbm>> -> memref<200x128xf32, #tpu.memory_space<hbm>>
      %dma_start3A_273 = arith.constant 0 : i32
      %dma_start3A_274 = arith.constant 0 : i32
      %dma_start3A_275 = tpu.memref_slice %arg4[%add3A_268, %dma_start3A_273, %dma_start3A_274] : memref<1024x200x128xf32, #tpu.memory_space<hbm>> -> memref<1x200x128xf32, #tpu.memory_space<hbm>>
      %dma_start3A_276 = tpu.memref_squeeze %dma_start3A_275 : memref<1x200x128xf32, #tpu.memory_space<hbm>> -> memref<200x128xf32, #tpu.memory_space<hbm>>
      tpu.enqueue_dma source(%arg9 : memref<200x128xf32, #tpu.memory_space<vmem>>) target(%dma_start3A_276 : memref<200x128xf32, #tpu.memory_space<hbm>>) target_semaphore(%arg17 : memref<!tpu.dma_semaphore, #tpu.memory_space<semaphore_mem>>)
      %dma_wait3A_277 = arith.constant 0 : i32
      %dma_wait3A_278 = arith.constant 0 : i32
      %dma_wait3A_279 = arith.constant 0 : i32
      %dma_wait3A_280 = tpu.memref_slice %arg4[%dma_wait3A_277, %dma_wait3A_278, %dma_wait3A_279] : memref<1024x200x128xf32, #tpu.memory_space<hbm>> -> memref<1x200x128xf32, #tpu.memory_space<hbm>>
      %dma_wait3A_281 = tpu.memref_squeeze %dma_wait3A_280 : memref<1x200x128xf32, #tpu.memory_space<hbm>> -> memref<200x128xf32, #tpu.memory_space<hbm>>
      %dma_wait3A_282 = arith.constant 0 : i32
      %dma_wait3A_283 = arith.constant 0 : i32
      %dma_wait3A_284 = tpu.memref_slice %arg4[%dma_wait3A_277, %dma_wait3A_282, %dma_wait3A_283] : memref<1024x200x128xf32, #tpu.memory_space<hbm>> -> memref<1x200x128xf32, #tpu.memory_space<hbm>>
      %dma_wait3A_285 = tpu.memref_squeeze %dma_wait3A_284 : memref<1x200x128xf32, #tpu.memory_space<hbm>> -> memref<200x128xf32, #tpu.memory_space<hbm>>
      tpu.wait_dma2 semaphore(%arg15 : memref<!tpu.dma_semaphore, #tpu.memory_space<semaphore_mem>>) src(%arg7 : memref<200x128xf32, #tpu.memory_space<vmem>>) dst(%dma_wait3A_285 : memref<200x128xf32, #tpu.memory_space<hbm>>)
      %add3A_286 = arith.constant 2 : i32
      %add3A_287 = arith.addi %add3A_257, %add3A_286 : i32
      %dma_start3A_288 = arith.constant 0 : i32
      %dma_start3A_289 = arith.constant 0 : i32
      %dma_start3A_290 = tpu.memref_slice %arg7[%dma_start3A_288, %dma_start3A_289] : memref<200x128xf32, #tpu.memory_space<vmem>> -> memref<128x128xf32, #tpu.memory_space<vmem>>
      %dma_start3A_291 = arith.constant 0 : i32
      %dma_start3A_292 = tpu.memref_slice %arg5[%add3A_287, %dma_start3A_291] : memref<32x200xi32, #tpu.memory_space<vmem>> -> memref<1x128xi32, #tpu.memory_space<vmem>>
      %dma_start3A_293 = tpu.memref_squeeze %dma_start3A_292 : memref<1x128xi32, #tpu.memory_space<vmem>> -> memref<128xi32, #tpu.memory_space<vmem>>
      %dma_start3A_294 = arith.constant 0 : i32
      %dma_start3A_295 = arith.constant 0 : i32
      %dma_start3A_296 = tpu.memref_slice %arg3[%dma_start3A_294, %dma_start3A_295] : memref<100000x128xf32, #tpu.memory_space<hbm>> -> memref<100000x128xf32, #tpu.memory_space<hbm>>
      tpu.enqueue_indirect_dma source(%dma_start3A_296 : memref<100000x128xf32, #tpu.memory_space<hbm>>) target(%dma_start3A_290 : memref<128x128xf32, #tpu.memory_space<vmem>>) offsets(%dma_start3A_293 : memref<128xi32, #tpu.memory_space<vmem>>) semaphore(%arg11 : memref<!tpu.dma_semaphore, #tpu.memory_space<semaphore_mem>>)
      %dma_start3A_297 = arith.constant 128 : i32
      %dma_start3A_298 = arith.constant 0 : i32
      %dma_start3A_299 = tpu.memref_slice %arg7[%dma_start3A_297, %dma_start3A_298] : memref<200x128xf32, #tpu.memory_space<vmem>> -> memref<72x128xf32, #tpu.memory_space<vmem>>
      %dma_start3A_300 = arith.constant 128 : i32
      %dma_start3A_301 = tpu.memref_slice %arg5[%add3A_287, %dma_start3A_300] : memref<32x200xi32, #tpu.memory_space<vmem>> -> memref<1x72xi32, #tpu.memory_space<vmem>>
      %dma_start3A_302 = tpu.memref_squeeze %dma_start3A_301 : memref<1x72xi32, #tpu.memory_space<vmem>> -> memref<72xi32, #tpu.memory_space<vmem>>
      %dma_start3A_303 = arith.constant 0 : i32
      %dma_start3A_304 = arith.constant 0 : i32
      %dma_start3A_305 = tpu.memref_slice %arg3[%dma_start3A_303, %dma_start3A_304] : memref<100000x128xf32, #tpu.memory_space<hbm>> -> memref<100000x128xf32, #tpu.memory_space<hbm>>
      tpu.enqueue_indirect_dma source(%dma_start3A_305 : memref<100000x128xf32, #tpu.memory_space<hbm>>) target(%dma_start3A_299 : memref<72x128xf32, #tpu.memory_space<vmem>>) offsets(%dma_start3A_302 : memref<72xi32, #tpu.memory_space<vmem>>) semaphore(%arg11 : memref<!tpu.dma_semaphore, #tpu.memory_space<semaphore_mem>>)
      %add3A_306 = arith.constant 2 : i32
      %add3A_307 = arith.addi %add3A_205, %add3A_306 : i32
      %dma_wait3A_308 = arith.constant 0 : i32
      %dma_wait3A_309 = arith.constant 0 : i32
      %dma_wait3A_310 = tpu.memref_slice %arg5[%dma_wait3A_308, %dma_wait3A_309] : memref<32x200xi32, #tpu.memory_space<vmem>> -> memref<1x200xi32, #tpu.memory_space<vmem>>
      %dma_wait3A_311 = tpu.memref_squeeze %dma_wait3A_310 : memref<1x200xi32, #tpu.memory_space<vmem>> -> memref<200xi32, #tpu.memory_space<vmem>>
      %dma_wait3A_312 = arith.constant 0 : i32
      %dma_wait3A_313 = arith.constant 0 : i32
      %dma_wait3A_314 = tpu.memref_slice %arg3[%dma_wait3A_312, %dma_wait3A_313] : memref<100000x128xf32, #tpu.memory_space<hbm>> -> memref<100000x128xf32, #tpu.memory_space<hbm>>
      tpu.wait_indirect_dma semaphore(%arg10 : memref<!tpu.dma_semaphore, #tpu.memory_space<semaphore_mem>>) src(%dma_wait3A_314 : memref<100000x128xf32, #tpu.memory_space<hbm>>) dst(%arg6 : memref<200x128xf32, #tpu.memory_space<vmem>>)
      %parallel_loop3A_315 = arith.constant 0 : i32
      %parallel_loop3A_316 = arith.constant 200 : i32
      %parallel_loop3A_317 = arith.constant 1 : i32
      scf.for %parallel_loop3A_406 = %parallel_loop3A_315 to %parallel_loop3A_316 step %parallel_loop3A_317  : i32 {
        %parallel_loop3A_407 = arith.index_cast %parallel_loop3A_406 : i32 to index
        %parallel_loop3A_408 = arith.constant 0 : index
        %parallel_loop3A_409 = tpu.vector_load %arg6[%parallel_loop3A_407, %parallel_loop3A_408] {strides = array<i32>} : memref<200x128xf32, #tpu.memory_space<vmem>>, vector<1x16xf32>,
        %parallel_loop3A_410 = vector.shape_cast %parallel_loop3A_409 : vector<1x16xf32> to vector<16xf32>
        %parallel_loop3A_411 = arith.constant 11.3137083 : f32
        %parallel_loop3A_412 = vector.broadcast %parallel_loop3A_411 : f32 to vector<16xf32>
        %parallel_loop3A_413 = arith.mulf %parallel_loop3A_410, %parallel_loop3A_412 : vector<16xf32>
        %parallel_loop3A_414 = arith.index_cast %parallel_loop3A_406 : i32 to index
        %parallel_loop3A_415 = arith.constant 0 : index
        %parallel_loop3A_416 = tpu.vector_load %arg6[%parallel_loop3A_414, %parallel_loop3A_415] {strides = array<i32>} : memref<200x128xf32, #tpu.memory_space<vmem>>, vector<1x16xf32>,
        %parallel_loop3A_417 = vector.shape_cast %parallel_loop3A_416 : vector<1x16xf32> to vector<16xf32>
        %parallel_loop3A_418 = vector.shape_cast %parallel_loop3A_413 : vector<16xf32> to vector<1x16xf32>
        tpu.vector_store %arg6[%parallel_loop3A_414, %parallel_loop3A_415], %parallel_loop3A_418 {strides = array<i32>} : memref<200x128xf32, #tpu.memory_space<vmem>>, vector<1x16xf32>,
        %parallel_loop3A_419 = arith.index_cast %parallel_loop3A_406 : i32 to index
        %parallel_loop3A_420 = arith.constant 16 : index
        %parallel_loop3A_421 = tpu.vector_load %arg6[%parallel_loop3A_419, %parallel_loop3A_420] {strides = array<i32>} : memref<200x128xf32, #tpu.memory_space<vmem>>, vector<1x16xf32>,
        %parallel_loop3A_422 = vector.shape_cast %parallel_loop3A_421 : vector<1x16xf32> to vector<16xf32>
        %parallel_loop3A_423 = arith.constant 11.3137083 : f32
        %parallel_loop3A_424 = vector.broadcast %parallel_loop3A_423 : f32 to vector<16xf32>
        %parallel_loop3A_425 = arith.mulf %parallel_loop3A_422, %parallel_loop3A_424 : vector<16xf32>
        %parallel_loop3A_426 = arith.index_cast %parallel_loop3A_406 : i32 to index
        %parallel_loop3A_427 = arith.constant 16 : index
        %parallel_loop3A_428 = tpu.vector_load %arg6[%parallel_loop3A_426, %parallel_loop3A_427] {strides = array<i32>} : memref<200x128xf32, #tpu.memory_space<vmem>>, vector<1x16xf32>,
        %parallel_loop3A_429 = vector.shape_cast %parallel_loop3A_428 : vector<1x16xf32> to vector<16xf32>
        %parallel_loop3A_430 = vector.shape_cast %parallel_loop3A_425 : vector<16xf32> to vector<1x16xf32>
        tpu.vector_store %arg6[%parallel_loop3A_426, %parallel_loop3A_427], %parallel_loop3A_430 {strides = array<i32>} : memref<200x128xf32, #tpu.memory_space<vmem>>, vector<1x16xf32>,
        %parallel_loop3A_431 = arith.index_cast %parallel_loop3A_406 : i32 to index
        %parallel_loop3A_432 = arith.constant 32 : index
        %parallel_loop3A_433 = tpu.vector_load %arg6[%parallel_loop3A_431, %parallel_loop3A_432] {strides = array<i32>} : memref<200x128xf32, #tpu.memory_space<vmem>>, vector<1x16xf32>,
        %parallel_loop3A_434 = vector.shape_cast %parallel_loop3A_433 : vector<1x16xf32> to vector<16xf32>
        %parallel_loop3A_435 = arith.constant 11.3137083 : f32
        %parallel_loop3A_436 = vector.broadcast %parallel_loop3A_435 : f32 to vector<16xf32>
        %parallel_loop3A_437 = arith.mulf %parallel_loop3A_434, %parallel_loop3A_436 : vector<16xf32>
        %parallel_loop3A_438 = arith.index_cast %parallel_loop3A_406 : i32 to index
        %parallel_loop3A_439 = arith.constant 32 : index
        %parallel_loop3A_440 = tpu.vector_load %arg6[%parallel_loop3A_438, %parallel_loop3A_439] {strides = array<i32>} : memref<200x128xf32, #tpu.memory_space<vmem>>, vector<1x16xf32>,
        %parallel_loop3A_441 = vector.shape_cast %parallel_loop3A_440 : vector<1x16xf32> to vector<16xf32>
        %parallel_loop3A_442 = vector.shape_cast %parallel_loop3A_437 : vector<16xf32> to vector<1x16xf32>
        tpu.vector_store %arg6[%parallel_loop3A_438, %parallel_loop3A_439], %parallel_loop3A_442 {strides = array<i32>} : memref<200x128xf32, #tpu.memory_space<vmem>>, vector<1x16xf32>,
        %parallel_loop3A_443 = arith.index_cast %parallel_loop3A_406 : i32 to index
        %parallel_loop3A_444 = arith.constant 48 : index
        %parallel_loop3A_445 = tpu.vector_load %arg6[%parallel_loop3A_443, %parallel_loop3A_444] {strides = array<i32>} : memref<200x128xf32, #tpu.memory_space<vmem>>, vector<1x16xf32>,
        %parallel_loop3A_446 = vector.shape_cast %parallel_loop3A_445 : vector<1x16xf32> to vector<16xf32>
        %parallel_loop3A_447 = arith.constant 11.3137083 : f32
        %parallel_loop3A_448 = vector.broadcast %parallel_loop3A_447 : f32 to vector<16xf32>
        %parallel_loop3A_449 = arith.mulf %parallel_loop3A_446, %parallel_loop3A_448 : vector<16xf32>
        %parallel_loop3A_450 = arith.index_cast %parallel_loop3A_406 : i32 to index
        %parallel_loop3A_451 = arith.constant 48 : index
        %parallel_loop3A_452 = tpu.vector_load %arg6[%parallel_loop3A_450, %parallel_loop3A_451] {strides = array<i32>} : memref<200x128xf32, #tpu.memory_space<vmem>>, vector<1x16xf32>,
        %parallel_loop3A_453 = vector.shape_cast %parallel_loop3A_452 : vector<1x16xf32> to vector<16xf32>
        %parallel_loop3A_454 = vector.shape_cast %parallel_loop3A_449 : vector<16xf32> to vector<1x16xf32>
        tpu.vector_store %arg6[%parallel_loop3A_450, %parallel_loop3A_451], %parallel_loop3A_454 {strides = array<i32>} : memref<200x128xf32, #tpu.memory_space<vmem>>, vector<1x16xf32>,
        %parallel_loop3A_455 = arith.index_cast %parallel_loop3A_406 : i32 to index
        %parallel_loop3A_456 = arith.constant 64 : index
        %parallel_loop3A_457 = tpu.vector_load %arg6[%parallel_loop3A_455, %parallel_loop3A_456] {strides = array<i32>} : memref<200x128xf32, #tpu.memory_space<vmem>>, vector<1x16xf32>,
        %parallel_loop3A_458 = vector.shape_cast %parallel_loop3A_457 : vector<1x16xf32> to vector<16xf32>
        %parallel_loop3A_459 = arith.constant 11.3137083 : f32
        %parallel_loop3A_460 = vector.broadcast %parallel_loop3A_459 : f32 to vector<16xf32>
        %parallel_loop3A_461 = arith.mulf %parallel_loop3A_458, %parallel_loop3A_460 : vector<16xf32>
        %parallel_loop3A_462 = arith.index_cast %parallel_loop3A_406 : i32 to index
        %parallel_loop3A_463 = arith.constant 64 : index
        %parallel_loop3A_464 = tpu.vector_load %arg6[%parallel_loop3A_462, %parallel_loop3A_463] {strides = array<i32>} : memref<200x128xf32, #tpu.memory_space<vmem>>, vector<1x16xf32>,
        %parallel_loop3A_465 = vector.shape_cast %parallel_loop3A_464 : vector<1x16xf32> to vector<16xf32>
        %parallel_loop3A_466 = vector.shape_cast %parallel_loop3A_461 : vector<16xf32> to vector<1x16xf32>
        tpu.vector_store %arg6[%parallel_loop3A_462, %parallel_loop3A_463], %parallel_loop3A_466 {strides = array<i32>} : memref<200x128xf32, #tpu.memory_space<vmem>>, vector<1x16xf32>,
        %parallel_loop3A_467 = arith.index_cast %parallel_loop3A_406 : i32 to index
        %parallel_loop3A_468 = arith.constant 80 : index
        %parallel_loop3A_469 = tpu.vector_load %arg6[%parallel_loop3A_467, %parallel_loop3A_468] {strides = array<i32>} : memref<200x128xf32, #tpu.memory_space<vmem>>, vector<1x16xf32>,
        %parallel_loop3A_470 = vector.shape_cast %parallel_loop3A_469 : vector<1x16xf32> to vector<16xf32>
        %parallel_loop3A_471 = arith.constant 11.3137083 : f32
        %parallel_loop3A_472 = vector.broadcast %parallel_loop3A_471 : f32 to vector<16xf32>
        %parallel_loop3A_473 = arith.mulf %parallel_loop3A_470, %parallel_loop3A_472 : vector<16xf32>
        %parallel_loop3A_474 = arith.index_cast %parallel_loop3A_406 : i32 to index
        %parallel_loop3A_475 = arith.constant 80 : index
        %parallel_loop3A_476 = tpu.vector_load %arg6[%parallel_loop3A_474, %parallel_loop3A_475] {strides = array<i32>} : memref<200x128xf32, #tpu.memory_space<vmem>>, vector<1x16xf32>,
        %parallel_loop3A_477 = vector.shape_cast %parallel_loop3A_476 : vector<1x16xf32> to vector<16xf32>
        %parallel_loop3A_478 = vector.shape_cast %parallel_loop3A_473 : vector<16xf32> to vector<1x16xf32>
        tpu.vector_store %arg6[%parallel_loop3A_474, %parallel_loop3A_475], %parallel_loop3A_478 {strides = array<i32>} : memref<200x128xf32, #tpu.memory_space<vmem>>, vector<1x16xf32>,
        %parallel_loop3A_479 = arith.index_cast %parallel_loop3A_406 : i32 to index
        %parallel_loop3A_480 = arith.constant 96 : index
        %parallel_loop3A_481 = tpu.vector_load %arg6[%parallel_loop3A_479, %parallel_loop3A_480] {strides = array<i32>} : memref<200x128xf32, #tpu.memory_space<vmem>>, vector<1x16xf32>,
        %parallel_loop3A_482 = vector.shape_cast %parallel_loop3A_481 : vector<1x16xf32> to vector<16xf32>
        %parallel_loop3A_483 = arith.constant 11.3137083 : f32
        %parallel_loop3A_484 = vector.broadcast %parallel_loop3A_483 : f32 to vector<16xf32>
        %parallel_loop3A_485 = arith.mulf %parallel_loop3A_482, %parallel_loop3A_484 : vector<16xf32>
        %parallel_loop3A_486 = arith.index_cast %parallel_loop3A_406 : i32 to index
        %parallel_loop3A_487 = arith.constant 96 : index
        %parallel_loop3A_488 = tpu.vector_load %arg6[%parallel_loop3A_486, %parallel_loop3A_487] {strides = array<i32>} : memref<200x128xf32, #tpu.memory_space<vmem>>, vector<1x16xf32>,
        %parallel_loop3A_489 = vector.shape_cast %parallel_loop3A_488 : vector<1x16xf32> to vector<16xf32>
        %parallel_loop3A_490 = vector.shape_cast %parallel_loop3A_485 : vector<16xf32> to vector<1x16xf32>
        tpu.vector_store %arg6[%parallel_loop3A_486, %parallel_loop3A_487], %parallel_loop3A_490 {strides = array<i32>} : memref<200x128xf32, #tpu.memory_space<vmem>>, vector<1x16xf32>,
        %parallel_loop3A_491 = arith.index_cast %parallel_loop3A_406 : i32 to index
        %parallel_loop3A_492 = arith.constant 112 : index
        %parallel_loop3A_493 = tpu.vector_load %arg6[%parallel_loop3A_491, %parallel_loop3A_492] {strides = array<i32>} : memref<200x128xf32, #tpu.memory_space<vmem>>, vector<1x16xf32>,
        %parallel_loop3A_494 = vector.shape_cast %parallel_loop3A_493 : vector<1x16xf32> to vector<16xf32>
        %parallel_loop3A_495 = arith.constant 11.3137083 : f32
        %parallel_loop3A_496 = vector.broadcast %parallel_loop3A_495 : f32 to vector<16xf32>
        %parallel_loop3A_497 = arith.mulf %parallel_loop3A_494, %parallel_loop3A_496 : vector<16xf32>
        %parallel_loop3A_498 = arith.index_cast %parallel_loop3A_406 : i32 to index
        %parallel_loop3A_499 = arith.constant 112 : index
        %parallel_loop3A_500 = tpu.vector_load %arg6[%parallel_loop3A_498, %parallel_loop3A_499] {strides = array<i32>} : memref<200x128xf32, #tpu.memory_space<vmem>>, vector<1x16xf32>,
        %parallel_loop3A_501 = vector.shape_cast %parallel_loop3A_500 : vector<1x16xf32> to vector<16xf32>
        %parallel_loop3A_502 = vector.shape_cast %parallel_loop3A_497 : vector<16xf32> to vector<1x16xf32>
        tpu.vector_store %arg6[%parallel_loop3A_498, %parallel_loop3A_499], %parallel_loop3A_502 {strides = array<i32>} : memref<200x128xf32, #tpu.memory_space<vmem>>, vector<1x16xf32>,
      } {sc.loop_unroll_factor = 4 : i64, sc.parallel_access}
      %add3A_318 = arith.addi %mul3A_2, %add3A_307 : i32
      %dma_start3A_319 = arith.constant 0 : i32
      %dma_start3A_320 = arith.constant 0 : i32
      %dma_start3A_321 = tpu.memref_slice %arg4[%add3A_318, %dma_start3A_319, %dma_start3A_320] : memref<1024x200x128xf32, #tpu.memory_space<hbm>> -> memref<1x200x128xf32, #tpu.memory_space<hbm>>
      %dma_start3A_322 = tpu.memref_squeeze %dma_start3A_321 : memref<1x200x128xf32, #tpu.memory_space<hbm>> -> memref<200x128xf32, #tpu.memory_space<hbm>>
      %dma_start3A_323 = arith.constant 0 : i32
      %dma_start3A_324 = arith.constant 0 : i32
      %dma_start3A_325 = tpu.memref_slice %arg4[%add3A_318, %dma_start3A_323, %dma_start3A_324] : memref<1024x200x128xf32, #tpu.memory_space<hbm>> -> memref<1x200x128xf32, #tpu.memory_space<hbm>>
      %dma_start3A_326 = tpu.memref_squeeze %dma_start3A_325 : memref<1x200x128xf32, #tpu.memory_space<hbm>> -> memref<200x128xf32, #tpu.memory_space<hbm>>
      tpu.enqueue_dma source(%arg6 : memref<200x128xf32, #tpu.memory_space<vmem>>) target(%dma_start3A_326 : memref<200x128xf32, #tpu.memory_space<hbm>>) target_semaphore(%arg14 : memref<!tpu.dma_semaphore, #tpu.memory_space<semaphore_mem>>)
      %dma_wait3A_327 = arith.constant 0 : i32
      %dma_wait3A_328 = arith.constant 0 : i32
      %dma_wait3A_329 = arith.constant 0 : i32
      %dma_wait3A_330 = tpu.memref_slice %arg4[%dma_wait3A_327, %dma_wait3A_328, %dma_wait3A_329] : memref<1024x200x128xf32, #tpu.memory_space<hbm>> -> memref<1x200x128xf32, #tpu.memory_space<hbm>>
      %dma_wait3A_331 = tpu.memref_squeeze %dma_wait3A_330 : memref<1x200x128xf32, #tpu.memory_space<hbm>> -> memref<200x128xf32, #tpu.memory_space<hbm>>
      %dma_wait3A_332 = arith.constant 0 : i32
      %dma_wait3A_333 = arith.constant 0 : i32
      %dma_wait3A_334 = tpu.memref_slice %arg4[%dma_wait3A_327, %dma_wait3A_332, %dma_wait3A_333] : memref<1024x200x128xf32, #tpu.memory_space<hbm>> -> memref<1x200x128xf32, #tpu.memory_space<hbm>>
      %dma_wait3A_335 = tpu.memref_squeeze %dma_wait3A_334 : memref<1x200x128xf32, #tpu.memory_space<hbm>> -> memref<200x128xf32, #tpu.memory_space<hbm>>
      tpu.wait_dma2 semaphore(%arg16 : memref<!tpu.dma_semaphore, #tpu.memory_space<semaphore_mem>>) src(%arg8 : memref<200x128xf32, #tpu.memory_space<vmem>>) dst(%dma_wait3A_335 : memref<200x128xf32, #tpu.memory_space<hbm>>)
      %add3A_336 = arith.constant 2 : i32
      %add3A_337 = arith.addi %add3A_307, %add3A_336 : i32
      %dma_start3A_338 = arith.constant 0 : i32
      %dma_start3A_339 = arith.constant 0 : i32
      %dma_start3A_340 = tpu.memref_slice %arg8[%dma_start3A_338, %dma_start3A_339] : memref<200x128xf32, #tpu.memory_space<vmem>> -> memref<128x128xf32, #tpu.memory_space<vmem>>
      %dma_start3A_341 = arith.constant 0 : i32
      %dma_start3A_342 = tpu.memref_slice %arg5[%add3A_337, %dma_start3A_341] : memref<32x200xi32, #tpu.memory_space<vmem>> -> memref<1x128xi32, #tpu.memory_space<vmem>>
      %dma_start3A_343 = tpu.memref_squeeze %dma_start3A_342 : memref<1x128xi32, #tpu.memory_space<vmem>> -> memref<128xi32, #tpu.memory_space<vmem>>
      %dma_start3A_344 = arith.constant 0 : i32
      %dma_start3A_345 = arith.constant 0 : i32
      %dma_start3A_346 = tpu.memref_slice %arg3[%dma_start3A_344, %dma_start3A_345] : memref<100000x128xf32, #tpu.memory_space<hbm>> -> memref<100000x128xf32, #tpu.memory_space<hbm>>
      tpu.enqueue_indirect_dma source(%dma_start3A_346 : memref<100000x128xf32, #tpu.memory_space<hbm>>) target(%dma_start3A_340 : memref<128x128xf32, #tpu.memory_space<vmem>>) offsets(%dma_start3A_343 : memref<128xi32, #tpu.memory_space<vmem>>) semaphore(%arg12 : memref<!tpu.dma_semaphore, #tpu.memory_space<semaphore_mem>>)
      %dma_start3A_347 = arith.constant 128 : i32
      %dma_start3A_348 = arith.constant 0 : i32
      %dma_start3A_349 = tpu.memref_slice %arg8[%dma_start3A_347, %dma_start3A_348] : memref<200x128xf32, #tpu.memory_space<vmem>> -> memref<72x128xf32, #tpu.memory_space<vmem>>
      %dma_start3A_350 = arith.constant 128 : i32
      %dma_start3A_351 = tpu.memref_slice %arg5[%add3A_337, %dma_start3A_350] : memref<32x200xi32, #tpu.memory_space<vmem>> -> memref<1x72xi32, #tpu.memory_space<vmem>>
      %dma_start3A_352 = tpu.memref_squeeze %dma_start3A_351 : memref<1x72xi32, #tpu.memory_space<vmem>> -> memref<72xi32, #tpu.memory_space<vmem>>
      %dma_start3A_353 = arith.constant 0 : i32
      %dma_start3A_354 = arith.constant 0 : i32
      %dma_start3A_355 = tpu.memref_slice %arg3[%dma_start3A_353, %dma_start3A_354] : memref<100000x128xf32, #tpu.memory_space<hbm>> -> memref<100000x128xf32, #tpu.memory_space<hbm>>
      tpu.enqueue_indirect_dma source(%dma_start3A_355 : memref<100000x128xf32, #tpu.memory_space<hbm>>) target(%dma_start3A_349 : memref<72x128xf32, #tpu.memory_space<vmem>>) offsets(%dma_start3A_352 : memref<72xi32, #tpu.memory_space<vmem>>) semaphore(%arg12 : memref<!tpu.dma_semaphore, #tpu.memory_space<semaphore_mem>>)
      %add3A_356 = arith.constant 3 : i32
      %add3A_357 = arith.addi %add3A_205, %add3A_356 : i32
      %dma_wait3A_358 = arith.constant 0 : i32
      %dma_wait3A_359 = arith.constant 0 : i32
      %dma_wait3A_360 = tpu.memref_slice %arg5[%dma_wait3A_358, %dma_wait3A_359] : memref<32x200xi32, #tpu.memory_space<vmem>> -> memref<1x200xi32, #tpu.memory_space<vmem>>
      %dma_wait3A_361 = tpu.memref_squeeze %dma_wait3A_360 : memref<1x200xi32, #tpu.memory_space<vmem>> -> memref<200xi32, #tpu.memory_space<vmem>>
      %dma_wait3A_362 = arith.constant 0 : i32
      %dma_wait3A_363 = arith.constant 0 : i32
      %dma_wait3A_364 = tpu.memref_slice %arg3[%dma_wait3A_362, %dma_wait3A_363] : memref<100000x128xf32, #tpu.memory_space<hbm>> -> memref<100000x128xf32, #tpu.memory_space<hbm>>
      tpu.wait_indirect_dma semaphore(%arg11 : memref<!tpu.dma_semaphore, #tpu.memory_space<semaphore_mem>>) src(%dma_wait3A_364 : memref<100000x128xf32, #tpu.memory_space<hbm>>) dst(%arg7 : memref<200x128xf32, #tpu.memory_space<vmem>>)
      %parallel_loop3A_365 = arith.constant 0 : i32
      %parallel_loop3A_366 = arith.constant 200 : i32
      %parallel_loop3A_367 = arith.constant 1 : i32
      scf.for %parallel_loop3A_406 = %parallel_loop3A_365 to %parallel_loop3A_366 step %parallel_loop3A_367  : i32 {
        %parallel_loop3A_407 = arith.index_cast %parallel_loop3A_406 : i32 to index
        %parallel_loop3A_408 = arith.constant 0 : index
        %parallel_loop3A_409 = tpu.vector_load %arg7[%parallel_loop3A_407, %parallel_loop3A_408] {strides = array<i32>} : memref<200x128xf32, #tpu.memory_space<vmem>>, vector<1x16xf32>,
        %parallel_loop3A_410 = vector.shape_cast %parallel_loop3A_409 : vector<1x16xf32> to vector<16xf32>
        %parallel_loop3A_411 = arith.constant 11.3137083 : f32
        %parallel_loop3A_412 = vector.broadcast %parallel_loop3A_411 : f32 to vector<16xf32>
        %parallel_loop3A_413 = arith.mulf %parallel_loop3A_410, %parallel_loop3A_412 : vector<16xf32>
        %parallel_loop3A_414 = arith.index_cast %parallel_loop3A_406 : i32 to index
        %parallel_loop3A_415 = arith.constant 0 : index
        %parallel_loop3A_416 = tpu.vector_load %arg7[%parallel_loop3A_414, %parallel_loop3A_415] {strides = array<i32>} : memref<200x128xf32, #tpu.memory_space<vmem>>, vector<1x16xf32>,
        %parallel_loop3A_417 = vector.shape_cast %parallel_loop3A_416 : vector<1x16xf32> to vector<16xf32>
        %parallel_loop3A_418 = vector.shape_cast %parallel_loop3A_413 : vector<16xf32> to vector<1x16xf32>
        tpu.vector_store %arg7[%parallel_loop3A_414, %parallel_loop3A_415], %parallel_loop3A_418 {strides = array<i32>} : memref<200x128xf32, #tpu.memory_space<vmem>>, vector<1x16xf32>,
        %parallel_loop3A_419 = arith.index_cast %parallel_loop3A_406 : i32 to index
        %parallel_loop3A_420 = arith.constant 16 : index
        %parallel_loop3A_421 = tpu.vector_load %arg7[%parallel_loop3A_419, %parallel_loop3A_420] {strides = array<i32>} : memref<200x128xf32, #tpu.memory_space<vmem>>, vector<1x16xf32>,
        %parallel_loop3A_422 = vector.shape_cast %parallel_loop3A_421 : vector<1x16xf32> to vector<16xf32>
        %parallel_loop3A_423 = arith.constant 11.3137083 : f32
        %parallel_loop3A_424 = vector.broadcast %parallel_loop3A_423 : f32 to vector<16xf32>
        %parallel_loop3A_425 = arith.mulf %parallel_loop3A_422, %parallel_loop3A_424 : vector<16xf32>
        %parallel_loop3A_426 = arith.index_cast %parallel_loop3A_406 : i32 to index
        %parallel_loop3A_427 = arith.constant 16 : index
        %parallel_loop3A_428 = tpu.vector_load %arg7[%parallel_loop3A_426, %parallel_loop3A_427] {strides = array<i32>} : memref<200x128xf32, #tpu.memory_space<vmem>>, vector<1x16xf32>,
        %parallel_loop3A_429 = vector.shape_cast %parallel_loop3A_428 : vector<1x16xf32> to vector<16xf32>
        %parallel_loop3A_430 = vector.shape_cast %parallel_loop3A_425 : vector<16xf32> to vector<1x16xf32>
        tpu.vector_store %arg7[%parallel_loop3A_426, %parallel_loop3A_427], %parallel_loop3A_430 {strides = array<i32>} : memref<200x128xf32, #tpu.memory_space<vmem>>, vector<1x16xf32>,
        %parallel_loop3A_431 = arith.index_cast %parallel_loop3A_406 : i32 to index
        %parallel_loop3A_432 = arith.constant 32 : index
        %parallel_loop3A_433 = tpu.vector_load %arg7[%parallel_loop3A_431, %parallel_loop3A_432] {strides = array<i32>} : memref<200x128xf32, #tpu.memory_space<vmem>>, vector<1x16xf32>,
        %parallel_loop3A_434 = vector.shape_cast %parallel_loop3A_433 : vector<1x16xf32> to vector<16xf32>
        %parallel_loop3A_435 = arith.constant 11.3137083 : f32
        %parallel_loop3A_436 = vector.broadcast %parallel_loop3A_435 : f32 to vector<16xf32>
        %parallel_loop3A_437 = arith.mulf %parallel_loop3A_434, %parallel_loop3A_436 : vector<16xf32>
        %parallel_loop3A_438 = arith.index_cast %parallel_loop3A_406 : i32 to index
        %parallel_loop3A_439 = arith.constant 32 : index
        %parallel_loop3A_440 = tpu.vector_load %arg7[%parallel_loop3A_438, %parallel_loop3A_439] {strides = array<i32>} : memref<200x128xf32, #tpu.memory_space<vmem>>, vector<1x16xf32>,
        %parallel_loop3A_441 = vector.shape_cast %parallel_loop3A_440 : vector<1x16xf32> to vector<16xf32>
        %parallel_loop3A_442 = vector.shape_cast %parallel_loop3A_437 : vector<16xf32> to vector<1x16xf32>
        tpu.vector_store %arg7[%parallel_loop3A_438, %parallel_loop3A_439], %parallel_loop3A_442 {strides = array<i32>} : memref<200x128xf32, #tpu.memory_space<vmem>>, vector<1x16xf32>,
        %parallel_loop3A_443 = arith.index_cast %parallel_loop3A_406 : i32 to index
        %parallel_loop3A_444 = arith.constant 48 : index
        %parallel_loop3A_445 = tpu.vector_load %arg7[%parallel_loop3A_443, %parallel_loop3A_444] {strides = array<i32>} : memref<200x128xf32, #tpu.memory_space<vmem>>, vector<1x16xf32>,
        %parallel_loop3A_446 = vector.shape_cast %parallel_loop3A_445 : vector<1x16xf32> to vector<16xf32>
        %parallel_loop3A_447 = arith.constant 11.3137083 : f32
        %parallel_loop3A_448 = vector.broadcast %parallel_loop3A_447 : f32 to vector<16xf32>
        %parallel_loop3A_449 = arith.mulf %parallel_loop3A_446, %parallel_loop3A_448 : vector<16xf32>
        %parallel_loop3A_450 = arith.index_cast %parallel_loop3A_406 : i32 to index
        %parallel_loop3A_451 = arith.constant 48 : index
        %parallel_loop3A_452 = tpu.vector_load %arg7[%parallel_loop3A_450, %parallel_loop3A_451] {strides = array<i32>} : memref<200x128xf32, #tpu.memory_space<vmem>>, vector<1x16xf32>,
        %parallel_loop3A_453 = vector.shape_cast %parallel_loop3A_452 : vector<1x16xf32> to vector<16xf32>
        %parallel_loop3A_454 = vector.shape_cast %parallel_loop3A_449 : vector<16xf32> to vector<1x16xf32>
        tpu.vector_store %arg7[%parallel_loop3A_450, %parallel_loop3A_451], %parallel_loop3A_454 {strides = array<i32>} : memref<200x128xf32, #tpu.memory_space<vmem>>, vector<1x16xf32>,
        %parallel_loop3A_455 = arith.index_cast %parallel_loop3A_406 : i32 to index
        %parallel_loop3A_456 = arith.constant 64 : index
        %parallel_loop3A_457 = tpu.vector_load %arg7[%parallel_loop3A_455, %parallel_loop3A_456] {strides = array<i32>} : memref<200x128xf32, #tpu.memory_space<vmem>>, vector<1x16xf32>,
        %parallel_loop3A_458 = vector.shape_cast %parallel_loop3A_457 : vector<1x16xf32> to vector<16xf32>
        %parallel_loop3A_459 = arith.constant 11.3137083 : f32
        %parallel_loop3A_460 = vector.broadcast %parallel_loop3A_459 : f32 to vector<16xf32>
        %parallel_loop3A_461 = arith.mulf %parallel_loop3A_458, %parallel_loop3A_460 : vector<16xf32>
        %parallel_loop3A_462 = arith.index_cast %parallel_loop3A_406 : i32 to index
        %parallel_loop3A_463 = arith.constant 64 : index
        %parallel_loop3A_464 = tpu.vector_load %arg7[%parallel_loop3A_462, %parallel_loop3A_463] {strides = array<i32>} : memref<200x128xf32, #tpu.memory_space<vmem>>, vector<1x16xf32>,
        %parallel_loop3A_465 = vector.shape_cast %parallel_loop3A_464 : vector<1x16xf32> to vector<16xf32>
        %parallel_loop3A_466 = vector.shape_cast %parallel_loop3A_461 : vector<16xf32> to vector<1x16xf32>
        tpu.vector_store %arg7[%parallel_loop3A_462, %parallel_loop3A_463], %parallel_loop3A_466 {strides = array<i32>} : memref<200x128xf32, #tpu.memory_space<vmem>>, vector<1x16xf32>,
        %parallel_loop3A_467 = arith.index_cast %parallel_loop3A_406 : i32 to index
        %parallel_loop3A_468 = arith.constant 80 : index
        %parallel_loop3A_469 = tpu.vector_load %arg7[%parallel_loop3A_467, %parallel_loop3A_468] {strides = array<i32>} : memref<200x128xf32, #tpu.memory_space<vmem>>, vector<1x16xf32>,
        %parallel_loop3A_470 = vector.shape_cast %parallel_loop3A_469 : vector<1x16xf32> to vector<16xf32>
        %parallel_loop3A_471 = arith.constant 11.3137083 : f32
        %parallel_loop3A_472 = vector.broadcast %parallel_loop3A_471 : f32 to vector<16xf32>
        %parallel_loop3A_473 = arith.mulf %parallel_loop3A_470, %parallel_loop3A_472 : vector<16xf32>
        %parallel_loop3A_474 = arith.index_cast %parallel_loop3A_406 : i32 to index
        %parallel_loop3A_475 = arith.constant 80 : index
        %parallel_loop3A_476 = tpu.vector_load %arg7[%parallel_loop3A_474, %parallel_loop3A_475] {strides = array<i32>} : memref<200x128xf32, #tpu.memory_space<vmem>>, vector<1x16xf32>,
        %parallel_loop3A_477 = vector.shape_cast %parallel_loop3A_476 : vector<1x16xf32> to vector<16xf32>
        %parallel_loop3A_478 = vector.shape_cast %parallel_loop3A_473 : vector<16xf32> to vector<1x16xf32>
        tpu.vector_store %arg7[%parallel_loop3A_474, %parallel_loop3A_475], %parallel_loop3A_478 {strides = array<i32>} : memref<200x128xf32, #tpu.memory_space<vmem>>, vector<1x16xf32>,
        %parallel_loop3A_479 = arith.index_cast %parallel_loop3A_406 : i32 to index
        %parallel_loop3A_480 = arith.constant 96 : index
        %parallel_loop3A_481 = tpu.vector_load %arg7[%parallel_loop3A_479, %parallel_loop3A_480] {strides = array<i32>} : memref<200x128xf32, #tpu.memory_space<vmem>>, vector<1x16xf32>,
        %parallel_loop3A_482 = vector.shape_cast %parallel_loop3A_481 : vector<1x16xf32> to vector<16xf32>
        %parallel_loop3A_483 = arith.constant 11.3137083 : f32
        %parallel_loop3A_484 = vector.broadcast %parallel_loop3A_483 : f32 to vector<16xf32>
        %parallel_loop3A_485 = arith.mulf %parallel_loop3A_482, %parallel_loop3A_484 : vector<16xf32>
        %parallel_loop3A_486 = arith.index_cast %parallel_loop3A_406 : i32 to index
        %parallel_loop3A_487 = arith.constant 96 : index
        %parallel_loop3A_488 = tpu.vector_load %arg7[%parallel_loop3A_486, %parallel_loop3A_487] {strides = array<i32>} : memref<200x128xf32, #tpu.memory_space<vmem>>, vector<1x16xf32>,
        %parallel_loop3A_489 = vector.shape_cast %parallel_loop3A_488 : vector<1x16xf32> to vector<16xf32>
        %parallel_loop3A_490 = vector.shape_cast %parallel_loop3A_485 : vector<16xf32> to vector<1x16xf32>
        tpu.vector_store %arg7[%parallel_loop3A_486, %parallel_loop3A_487], %parallel_loop3A_490 {strides = array<i32>} : memref<200x128xf32, #tpu.memory_space<vmem>>, vector<1x16xf32>,
        %parallel_loop3A_491 = arith.index_cast %parallel_loop3A_406 : i32 to index
        %parallel_loop3A_492 = arith.constant 112 : index
        %parallel_loop3A_493 = tpu.vector_load %arg7[%parallel_loop3A_491, %parallel_loop3A_492] {strides = array<i32>} : memref<200x128xf32, #tpu.memory_space<vmem>>, vector<1x16xf32>,
        %parallel_loop3A_494 = vector.shape_cast %parallel_loop3A_493 : vector<1x16xf32> to vector<16xf32>
        %parallel_loop3A_495 = arith.constant 11.3137083 : f32
        %parallel_loop3A_496 = vector.broadcast %parallel_loop3A_495 : f32 to vector<16xf32>
        %parallel_loop3A_497 = arith.mulf %parallel_loop3A_494, %parallel_loop3A_496 : vector<16xf32>
        %parallel_loop3A_498 = arith.index_cast %parallel_loop3A_406 : i32 to index
        %parallel_loop3A_499 = arith.constant 112 : index
        %parallel_loop3A_500 = tpu.vector_load %arg7[%parallel_loop3A_498, %parallel_loop3A_499] {strides = array<i32>} : memref<200x128xf32, #tpu.memory_space<vmem>>, vector<1x16xf32>,
        %parallel_loop3A_501 = vector.shape_cast %parallel_loop3A_500 : vector<1x16xf32> to vector<16xf32>
        %parallel_loop3A_502 = vector.shape_cast %parallel_loop3A_497 : vector<16xf32> to vector<1x16xf32>
        tpu.vector_store %arg7[%parallel_loop3A_498, %parallel_loop3A_499], %parallel_loop3A_502 {strides = array<i32>} : memref<200x128xf32, #tpu.memory_space<vmem>>, vector<1x16xf32>,
      } {sc.loop_unroll_factor = 4 : i64, sc.parallel_access}
      %add3A_368 = arith.addi %mul3A_2, %add3A_357 : i32
      %dma_start3A_369 = arith.constant 0 : i32
      %dma_start3A_370 = arith.constant 0 : i32
      %dma_start3A_371 = tpu.memref_slice %arg4[%add3A_368, %dma_start3A_369, %dma_start3A_370] : memref<1024x200x128xf32, #tpu.memory_space<hbm>> -> memref<1x200x128xf32, #tpu.memory_space<hbm>>
      %dma_start3A_372 = tpu.memref_squeeze %dma_start3A_371 : memref<1x200x128xf32, #tpu.memory_space<hbm>> -> memref<200x128xf32, #tpu.memory_space<hbm>>
      %dma_start3A_373 = arith.constant 0 : i32
      %dma_start3A_374 = arith.constant 0 : i32
      %dma_start3A_375 = tpu.memref_slice %arg4[%add3A_368, %dma_start3A_373, %dma_start3A_374] : memref<1024x200x128xf32, #tpu.memory_space<hbm>> -> memref<1x200x128xf32, #tpu.memory_space<hbm>>
      %dma_start3A_376 = tpu.memref_squeeze %dma_start3A_375 : memref<1x200x128xf32, #tpu.memory_space<hbm>> -> memref<200x128xf32, #tpu.memory_space<hbm>>
      tpu.enqueue_dma source(%arg7 : memref<200x128xf32, #tpu.memory_space<vmem>>) target(%dma_start3A_376 : memref<200x128xf32, #tpu.memory_space<hbm>>) target_semaphore(%arg15 : memref<!tpu.dma_semaphore, #tpu.memory_space<semaphore_mem>>)
      %dma_wait3A_377 = arith.constant 0 : i32
      %dma_wait3A_378 = arith.constant 0 : i32
      %dma_wait3A_379 = arith.constant 0 : i32
      %dma_wait3A_380 = tpu.memref_slice %arg4[%dma_wait3A_377, %dma_wait3A_378, %dma_wait3A_379] : memref<1024x200x128xf32, #tpu.memory_space<hbm>> -> memref<1x200x128xf32, #tpu.memory_space<hbm>>
      %dma_wait3A_381 = tpu.memref_squeeze %dma_wait3A_380 : memref<1x200x128xf32, #tpu.memory_space<hbm>> -> memref<200x128xf32, #tpu.memory_space<hbm>>
      %dma_wait3A_382 = arith.constant 0 : i32
      %dma_wait3A_383 = arith.constant 0 : i32
      %dma_wait3A_384 = tpu.memref_slice %arg4[%dma_wait3A_377, %dma_wait3A_382, %dma_wait3A_383] : memref<1024x200x128xf32, #tpu.memory_space<hbm>> -> memref<1x200x128xf32, #tpu.memory_space<hbm>>
      %dma_wait3A_385 = tpu.memref_squeeze %dma_wait3A_384 : memref<1x200x128xf32, #tpu.memory_space<hbm>> -> memref<200x128xf32, #tpu.memory_space<hbm>>
      tpu.wait_dma2 semaphore(%arg17 : memref<!tpu.dma_semaphore, #tpu.memory_space<semaphore_mem>>) src(%arg9 : memref<200x128xf32, #tpu.memory_space<vmem>>) dst(%dma_wait3A_385 : memref<200x128xf32, #tpu.memory_space<hbm>>)
      %add3A_386 = arith.constant 2 : i32
      %add3A_387 = arith.addi %add3A_357, %add3A_386 : i32
      %dma_start3A_388 = arith.constant 0 : i32
      %dma_start3A_389 = arith.constant 0 : i32
      %dma_start3A_390 = tpu.memref_slice %arg9[%dma_start3A_388, %dma_start3A_389] : memref<200x128xf32, #tpu.memory_space<vmem>> -> memref<128x128xf32, #tpu.memory_space<vmem>>
      %dma_start3A_391 = arith.constant 0 : i32
      %dma_start3A_392 = tpu.memref_slice %arg5[%add3A_387, %dma_start3A_391] : memref<32x200xi32, #tpu.memory_space<vmem>> -> memref<1x128xi32, #tpu.memory_space<vmem>>
      %dma_start3A_393 = tpu.memref_squeeze %dma_start3A_392 : memref<1x128xi32, #tpu.memory_space<vmem>> -> memref<128xi32, #tpu.memory_space<vmem>>
      %dma_start3A_394 = arith.constant 0 : i32
      %dma_start3A_395 = arith.constant 0 : i32
      %dma_start3A_396 = tpu.memref_slice %arg3[%dma_start3A_394, %dma_start3A_395] : memref<100000x128xf32, #tpu.memory_space<hbm>> -> memref<100000x128xf32, #tpu.memory_space<hbm>>
      tpu.enqueue_indirect_dma source(%dma_start3A_396 : memref<100000x128xf32, #tpu.memory_space<hbm>>) target(%dma_start3A_390 : memref<128x128xf32, #tpu.memory_space<vmem>>) offsets(%dma_start3A_393 : memref<128xi32, #tpu.memory_space<vmem>>) semaphore(%arg13 : memref<!tpu.dma_semaphore, #tpu.memory_space<semaphore_mem>>)
      %dma_start3A_397 = arith.constant 128 : i32
      %dma_start3A_398 = arith.constant 0 : i32
      %dma_start3A_399 = tpu.memref_slice %arg9[%dma_start3A_397, %dma_start3A_398] : memref<200x128xf32, #tpu.memory_space<vmem>> -> memref<72x128xf32, #tpu.memory_space<vmem>>
      %dma_start3A_400 = arith.constant 128 : i32
      %dma_start3A_401 = tpu.memref_slice %arg5[%add3A_387, %dma_start3A_400] : memref<32x200xi32, #tpu.memory_space<vmem>> -> memref<1x72xi32, #tpu.memory_space<vmem>>
      %dma_start3A_402 = tpu.memref_squeeze %dma_start3A_401 : memref<1x72xi32, #tpu.memory_space<vmem>> -> memref<72xi32, #tpu.memory_space<vmem>>
      %dma_start3A_403 = arith.constant 0 : i32
      %dma_start3A_404 = arith.constant 0 : i32
      %dma_start3A_405 = tpu.memref_slice %arg3[%dma_start3A_403, %dma_start3A_404] : memref<100000x128xf32, #tpu.memory_space<hbm>> -> memref<100000x128xf32, #tpu.memory_space<hbm>>
      tpu.enqueue_indirect_dma source(%dma_start3A_405 : memref<100000x128xf32, #tpu.memory_space<hbm>>) target(%dma_start3A_399 : memref<72x128xf32, #tpu.memory_space<vmem>>) offsets(%dma_start3A_402 : memref<72xi32, #tpu.memory_space<vmem>>) semaphore(%arg13 : memref<!tpu.dma_semaphore, #tpu.memory_space<semaphore_mem>>)
    }
    %scan3A_124 = arith.constant 7 : i32
    %dma_wait3A_125 = arith.constant 0 : i32
    %dma_wait3A_126 = arith.constant 0 : i32
    %dma_wait3A_127 = tpu.memref_slice %arg5[%dma_wait3A_125, %dma_wait3A_126] : memref<32x200xi32, #tpu.memory_space<vmem>> -> memref<1x200xi32, #tpu.memory_space<vmem>>
    %dma_wait3A_128 = tpu.memref_squeeze %dma_wait3A_127 : memref<1x200xi32, #tpu.memory_space<vmem>> -> memref<200xi32, #tpu.memory_space<vmem>>
    %dma_wait3A_129 = arith.constant 0 : i32
    %dma_wait3A_130 = arith.constant 0 : i32
    %dma_wait3A_131 = tpu.memref_slice %arg3[%dma_wait3A_129, %dma_wait3A_130] : memref<100000x128xf32, #tpu.memory_space<hbm>> -> memref<100000x128xf32, #tpu.memory_space<hbm>>
    tpu.wait_indirect_dma semaphore(%arg12 : memref<!tpu.dma_semaphore, #tpu.memory_space<semaphore_mem>>) src(%dma_wait3A_131 : memref<100000x128xf32, #tpu.memory_space<hbm>>) dst(%arg8 : memref<200x128xf32, #tpu.memory_space<vmem>>)
    %parallel_loop3A_132 = arith.constant 0 : i32
    %parallel_loop3A_133 = arith.constant 200 : i32
    %parallel_loop3A_134 = arith.constant 1 : i32
    scf.for %parallel_loop3A_201 = %parallel_loop3A_132 to %parallel_loop3A_133 step %parallel_loop3A_134  : i32 {
      %parallel_loop3A_202 = arith.index_cast %parallel_loop3A_201 : i32 to index
      %parallel_loop3A_203 = arith.constant 0 : index
      %parallel_loop3A_204 = tpu.vector_load %arg8[%parallel_loop3A_202, %parallel_loop3A_203] {strides = array<i32>} : memref<200x128xf32, #tpu.memory_space<vmem>>, vector<1x16xf32>,
      %parallel_loop3A_205 = vector.shape_cast %parallel_loop3A_204 : vector<1x16xf32> to vector<16xf32>
      %parallel_loop3A_206 = arith.constant 11.3137083 : f32
      %parallel_loop3A_207 = vector.broadcast %parallel_loop3A_206 : f32 to vector<16xf32>
      %parallel_loop3A_208 = arith.mulf %parallel_loop3A_205, %parallel_loop3A_207 : vector<16xf32>
      %parallel_loop3A_209 = arith.index_cast %parallel_loop3A_201 : i32 to index
      %parallel_loop3A_210 = arith.constant 0 : index
      %parallel_loop3A_211 = tpu.vector_load %arg8[%parallel_loop3A_209, %parallel_loop3A_210] {strides = array<i32>} : memref<200x128xf32, #tpu.memory_space<vmem>>, vector<1x16xf32>,
      %parallel_loop3A_212 = vector.shape_cast %parallel_loop3A_211 : vector<1x16xf32> to vector<16xf32>
      %parallel_loop3A_213 = vector.shape_cast %parallel_loop3A_208 : vector<16xf32> to vector<1x16xf32>
      tpu.vector_store %arg8[%parallel_loop3A_209, %parallel_loop3A_210], %parallel_loop3A_213 {strides = array<i32>} : memref<200x128xf32, #tpu.memory_space<vmem>>, vector<1x16xf32>,
      %parallel_loop3A_214 = arith.index_cast %parallel_loop3A_201 : i32 to index
      %parallel_loop3A_215 = arith.constant 16 : index
      %parallel_loop3A_216 = tpu.vector_load %arg8[%parallel_loop3A_214, %parallel_loop3A_215] {strides = array<i32>} : memref<200x128xf32, #tpu.memory_space<vmem>>, vector<1x16xf32>,
      %parallel_loop3A_217 = vector.shape_cast %parallel_loop3A_216 : vector<1x16xf32> to vector<16xf32>
      %parallel_loop3A_218 = arith.constant 11.3137083 : f32
      %parallel_loop3A_219 = vector.broadcast %parallel_loop3A_218 : f32 to vector<16xf32>
      %parallel_loop3A_220 = arith.mulf %parallel_loop3A_217, %parallel_loop3A_219 : vector<16xf32>
      %parallel_loop3A_221 = arith.index_cast %parallel_loop3A_201 : i32 to index
      %parallel_loop3A_222 = arith.constant 16 : index
      %parallel_loop3A_223 = tpu.vector_load %arg8[%parallel_loop3A_221, %parallel_loop3A_222] {strides = array<i32>} : memref<200x128xf32, #tpu.memory_space<vmem>>, vector<1x16xf32>,
      %parallel_loop3A_224 = vector.shape_cast %parallel_loop3A_223 : vector<1x16xf32> to vector<16xf32>
      %parallel_loop3A_225 = vector.shape_cast %parallel_loop3A_220 : vector<16xf32> to vector<1x16xf32>
      tpu.vector_store %arg8[%parallel_loop3A_221, %parallel_loop3A_222], %parallel_loop3A_225 {strides = array<i32>} : memref<200x128xf32, #tpu.memory_space<vmem>>, vector<1x16xf32>,
      %parallel_loop3A_226 = arith.index_cast %parallel_loop3A_201 : i32 to index
      %parallel_loop3A_227 = arith.constant 32 : index
      %parallel_loop3A_228 = tpu.vector_load %arg8[%parallel_loop3A_226, %parallel_loop3A_227] {strides = array<i32>} : memref<200x128xf32, #tpu.memory_space<vmem>>, vector<1x16xf32>,
      %parallel_loop3A_229 = vector.shape_cast %parallel_loop3A_228 : vector<1x16xf32> to vector<16xf32>
      %parallel_loop3A_230 = arith.constant 11.3137083 : f32
      %parallel_loop3A_231 = vector.broadcast %parallel_loop3A_230 : f32 to vector<16xf32>
      %parallel_loop3A_232 = arith.mulf %parallel_loop3A_229, %parallel_loop3A_231 : vector<16xf32>
      %parallel_loop3A_233 = arith.index_cast %parallel_loop3A_201 : i32 to index
      %parallel_loop3A_234 = arith.constant 32 : index
      %parallel_loop3A_235 = tpu.vector_load %arg8[%parallel_loop3A_233, %parallel_loop3A_234] {strides = array<i32>} : memref<200x128xf32, #tpu.memory_space<vmem>>, vector<1x16xf32>,
      %parallel_loop3A_236 = vector.shape_cast %parallel_loop3A_235 : vector<1x16xf32> to vector<16xf32>
      %parallel_loop3A_237 = vector.shape_cast %parallel_loop3A_232 : vector<16xf32> to vector<1x16xf32>
      tpu.vector_store %arg8[%parallel_loop3A_233, %parallel_loop3A_234], %parallel_loop3A_237 {strides = array<i32>} : memref<200x128xf32, #tpu.memory_space<vmem>>, vector<1x16xf32>,
      %parallel_loop3A_238 = arith.index_cast %parallel_loop3A_201 : i32 to index
      %parallel_loop3A_239 = arith.constant 48 : index
      %parallel_loop3A_240 = tpu.vector_load %arg8[%parallel_loop3A_238, %parallel_loop3A_239] {strides = array<i32>} : memref<200x128xf32, #tpu.memory_space<vmem>>, vector<1x16xf32>,
      %parallel_loop3A_241 = vector.shape_cast %parallel_loop3A_240 : vector<1x16xf32> to vector<16xf32>
      %parallel_loop3A_242 = arith.constant 11.3137083 : f32
      %parallel_loop3A_243 = vector.broadcast %parallel_loop3A_242 : f32 to vector<16xf32>
      %parallel_loop3A_244 = arith.mulf %parallel_loop3A_241, %parallel_loop3A_243 : vector<16xf32>
      %parallel_loop3A_245 = arith.index_cast %parallel_loop3A_201 : i32 to index
      %parallel_loop3A_246 = arith.constant 48 : index
      %parallel_loop3A_247 = tpu.vector_load %arg8[%parallel_loop3A_245, %parallel_loop3A_246] {strides = array<i32>} : memref<200x128xf32, #tpu.memory_space<vmem>>, vector<1x16xf32>,
      %parallel_loop3A_248 = vector.shape_cast %parallel_loop3A_247 : vector<1x16xf32> to vector<16xf32>
      %parallel_loop3A_249 = vector.shape_cast %parallel_loop3A_244 : vector<16xf32> to vector<1x16xf32>
      tpu.vector_store %arg8[%parallel_loop3A_245, %parallel_loop3A_246], %parallel_loop3A_249 {strides = array<i32>} : memref<200x128xf32, #tpu.memory_space<vmem>>, vector<1x16xf32>,
      %parallel_loop3A_250 = arith.index_cast %parallel_loop3A_201 : i32 to index
      %parallel_loop3A_251 = arith.constant 64 : index
      %parallel_loop3A_252 = tpu.vector_load %arg8[%parallel_loop3A_250, %parallel_loop3A_251] {strides = array<i32>} : memref<200x128xf32, #tpu.memory_space<vmem>>, vector<1x16xf32>,
      %parallel_loop3A_253 = vector.shape_cast %parallel_loop3A_252 : vector<1x16xf32> to vector<16xf32>
      %parallel_loop3A_254 = arith.constant 11.3137083 : f32
      %parallel_loop3A_255 = vector.broadcast %parallel_loop3A_254 : f32 to vector<16xf32>
      %parallel_loop3A_256 = arith.mulf %parallel_loop3A_253, %parallel_loop3A_255 : vector<16xf32>
      %parallel_loop3A_257 = arith.index_cast %parallel_loop3A_201 : i32 to index
      %parallel_loop3A_258 = arith.constant 64 : index
      %parallel_loop3A_259 = tpu.vector_load %arg8[%parallel_loop3A_257, %parallel_loop3A_258] {strides = array<i32>} : memref<200x128xf32, #tpu.memory_space<vmem>>, vector<1x16xf32>,
      %parallel_loop3A_260 = vector.shape_cast %parallel_loop3A_259 : vector<1x16xf32> to vector<16xf32>
      %parallel_loop3A_261 = vector.shape_cast %parallel_loop3A_256 : vector<16xf32> to vector<1x16xf32>
      tpu.vector_store %arg8[%parallel_loop3A_257, %parallel_loop3A_258], %parallel_loop3A_261 {strides = array<i32>} : memref<200x128xf32, #tpu.memory_space<vmem>>, vector<1x16xf32>,
      %parallel_loop3A_262 = arith.index_cast %parallel_loop3A_201 : i32 to index
      %parallel_loop3A_263 = arith.constant 80 : index
      %parallel_loop3A_264 = tpu.vector_load %arg8[%parallel_loop3A_262, %parallel_loop3A_263] {strides = array<i32>} : memref<200x128xf32, #tpu.memory_space<vmem>>, vector<1x16xf32>,
      %parallel_loop3A_265 = vector.shape_cast %parallel_loop3A_264 : vector<1x16xf32> to vector<16xf32>
      %parallel_loop3A_266 = arith.constant 11.3137083 : f32
      %parallel_loop3A_267 = vector.broadcast %parallel_loop3A_266 : f32 to vector<16xf32>
      %parallel_loop3A_268 = arith.mulf %parallel_loop3A_265, %parallel_loop3A_267 : vector<16xf32>
      %parallel_loop3A_269 = arith.index_cast %parallel_loop3A_201 : i32 to index
      %parallel_loop3A_270 = arith.constant 80 : index
      %parallel_loop3A_271 = tpu.vector_load %arg8[%parallel_loop3A_269, %parallel_loop3A_270] {strides = array<i32>} : memref<200x128xf32, #tpu.memory_space<vmem>>, vector<1x16xf32>,
      %parallel_loop3A_272 = vector.shape_cast %parallel_loop3A_271 : vector<1x16xf32> to vector<16xf32>
      %parallel_loop3A_273 = vector.shape_cast %parallel_loop3A_268 : vector<16xf32> to vector<1x16xf32>
      tpu.vector_store %arg8[%parallel_loop3A_269, %parallel_loop3A_270], %parallel_loop3A_273 {strides = array<i32>} : memref<200x128xf32, #tpu.memory_space<vmem>>, vector<1x16xf32>,
      %parallel_loop3A_274 = arith.index_cast %parallel_loop3A_201 : i32 to index
      %parallel_loop3A_275 = arith.constant 96 : index
      %parallel_loop3A_276 = tpu.vector_load %arg8[%parallel_loop3A_274, %parallel_loop3A_275] {strides = array<i32>} : memref<200x128xf32, #tpu.memory_space<vmem>>, vector<1x16xf32>,
      %parallel_loop3A_277 = vector.shape_cast %parallel_loop3A_276 : vector<1x16xf32> to vector<16xf32>
      %parallel_loop3A_278 = arith.constant 11.3137083 : f32
      %parallel_loop3A_279 = vector.broadcast %parallel_loop3A_278 : f32 to vector<16xf32>
      %parallel_loop3A_280 = arith.mulf %parallel_loop3A_277, %parallel_loop3A_279 : vector<16xf32>
      %parallel_loop3A_281 = arith.index_cast %parallel_loop3A_201 : i32 to index
      %parallel_loop3A_282 = arith.constant 96 : index
      %parallel_loop3A_283 = tpu.vector_load %arg8[%parallel_loop3A_281, %parallel_loop3A_282] {strides = array<i32>} : memref<200x128xf32, #tpu.memory_space<vmem>>, vector<1x16xf32>,
      %parallel_loop3A_284 = vector.shape_cast %parallel_loop3A_283 : vector<1x16xf32> to vector<16xf32>
      %parallel_loop3A_285 = vector.shape_cast %parallel_loop3A_280 : vector<16xf32> to vector<1x16xf32>
      tpu.vector_store %arg8[%parallel_loop3A_281, %parallel_loop3A_282], %parallel_loop3A_285 {strides = array<i32>} : memref<200x128xf32, #tpu.memory_space<vmem>>, vector<1x16xf32>,
      %parallel_loop3A_286 = arith.index_cast %parallel_loop3A_201 : i32 to index
      %parallel_loop3A_287 = arith.constant 112 : index
      %parallel_loop3A_288 = tpu.vector_load %arg8[%parallel_loop3A_286, %parallel_loop3A_287] {strides = array<i32>} : memref<200x128xf32, #tpu.memory_space<vmem>>, vector<1x16xf32>,
      %parallel_loop3A_289 = vector.shape_cast %parallel_loop3A_288 : vector<1x16xf32> to vector<16xf32>
      %parallel_loop3A_290 = arith.constant 11.3137083 : f32
      %parallel_loop3A_291 = vector.broadcast %parallel_loop3A_290 : f32 to vector<16xf32>
      %parallel_loop3A_292 = arith.mulf %parallel_loop3A_289, %parallel_loop3A_291 : vector<16xf32>
      %parallel_loop3A_293 = arith.index_cast %parallel_loop3A_201 : i32 to index
      %parallel_loop3A_294 = arith.constant 112 : index
      %parallel_loop3A_295 = tpu.vector_load %arg8[%parallel_loop3A_293, %parallel_loop3A_294] {strides = array<i32>} : memref<200x128xf32, #tpu.memory_space<vmem>>, vector<1x16xf32>,
      %parallel_loop3A_296 = vector.shape_cast %parallel_loop3A_295 : vector<1x16xf32> to vector<16xf32>
      %parallel_loop3A_297 = vector.shape_cast %parallel_loop3A_292 : vector<16xf32> to vector<1x16xf32>
      tpu.vector_store %arg8[%parallel_loop3A_293, %parallel_loop3A_294], %parallel_loop3A_297 {strides = array<i32>} : memref<200x128xf32, #tpu.memory_space<vmem>>, vector<1x16xf32>,
    } {sc.loop_unroll_factor = 4 : i64, sc.parallel_access}
    %add3A_135 = arith.constant 30 : i32
    %add3A_136 = arith.addi %mul3A_2, %add3A_135 : i32
    %dma_start3A_137 = arith.constant 0 : i32
    %dma_start3A_138 = arith.constant 0 : i32
    %dma_start3A_139 = tpu.memref_slice %arg4[%add3A_136, %dma_start3A_137, %dma_start3A_138] : memref<1024x200x128xf32, #tpu.memory_space<hbm>> -> memref<1x200x128xf32, #tpu.memory_space<hbm>>
    %dma_start3A_140 = tpu.memref_squeeze %dma_start3A_139 : memref<1x200x128xf32, #tpu.memory_space<hbm>> -> memref<200x128xf32, #tpu.memory_space<hbm>>
    %dma_start3A_141 = arith.constant 0 : i32
    %dma_start3A_142 = arith.constant 0 : i32
    %dma_start3A_143 = tpu.memref_slice %arg4[%add3A_136, %dma_start3A_141, %dma_start3A_142] : memref<1024x200x128xf32, #tpu.memory_space<hbm>> -> memref<1x200x128xf32, #tpu.memory_space<hbm>>
    %dma_start3A_144 = tpu.memref_squeeze %dma_start3A_143 : memref<1x200x128xf32, #tpu.memory_space<hbm>> -> memref<200x128xf32, #tpu.memory_space<hbm>>
    tpu.enqueue_dma source(%arg8 : memref<200x128xf32, #tpu.memory_space<vmem>>) target(%dma_start3A_144 : memref<200x128xf32, #tpu.memory_space<hbm>>) target_semaphore(%arg16 : memref<!tpu.dma_semaphore, #tpu.memory_space<semaphore_mem>>)
    %dma_wait3A_145 = arith.constant 0 : i32
    %dma_wait3A_146 = arith.constant 0 : i32
    %dma_wait3A_147 = tpu.memref_slice %arg5[%dma_wait3A_145, %dma_wait3A_146] : memref<32x200xi32, #tpu.memory_space<vmem>> -> memref<1x200xi32, #tpu.memory_space<vmem>>
    %dma_wait3A_148 = tpu.memref_squeeze %dma_wait3A_147 : memref<1x200xi32, #tpu.memory_space<vmem>> -> memref<200xi32, #tpu.memory_space<vmem>>
    %dma_wait3A_149 = arith.constant 0 : i32
    %dma_wait3A_150 = arith.constant 0 : i32
    %dma_wait3A_151 = tpu.memref_slice %arg3[%dma_wait3A_149, %dma_wait3A_150] : memref<100000x128xf32, #tpu.memory_space<hbm>> -> memref<100000x128xf32, #tpu.memory_space<hbm>>
    tpu.wait_indirect_dma semaphore(%arg13 : memref<!tpu.dma_semaphore, #tpu.memory_space<semaphore_mem>>) src(%dma_wait3A_151 : memref<100000x128xf32, #tpu.memory_space<hbm>>) dst(%arg9 : memref<200x128xf32, #tpu.memory_space<vmem>>)
    %parallel_loop3A_152 = arith.constant 0 : i32
    %parallel_loop3A_153 = arith.constant 200 : i32
    %parallel_loop3A_154 = arith.constant 1 : i32
    scf.for %parallel_loop3A_201 = %parallel_loop3A_152 to %parallel_loop3A_153 step %parallel_loop3A_154  : i32 {
      %parallel_loop3A_202 = arith.index_cast %parallel_loop3A_201 : i32 to index
      %parallel_loop3A_203 = arith.constant 0 : index
      %parallel_loop3A_204 = tpu.vector_load %arg9[%parallel_loop3A_202, %parallel_loop3A_203] {strides = array<i32>} : memref<200x128xf32, #tpu.memory_space<vmem>>, vector<1x16xf32>,
      %parallel_loop3A_205 = vector.shape_cast %parallel_loop3A_204 : vector<1x16xf32> to vector<16xf32>
      %parallel_loop3A_206 = arith.constant 11.3137083 : f32
      %parallel_loop3A_207 = vector.broadcast %parallel_loop3A_206 : f32 to vector<16xf32>
      %parallel_loop3A_208 = arith.mulf %parallel_loop3A_205, %parallel_loop3A_207 : vector<16xf32>
      %parallel_loop3A_209 = arith.index_cast %parallel_loop3A_201 : i32 to index
      %parallel_loop3A_210 = arith.constant 0 : index
      %parallel_loop3A_211 = tpu.vector_load %arg9[%parallel_loop3A_209, %parallel_loop3A_210] {strides = array<i32>} : memref<200x128xf32, #tpu.memory_space<vmem>>, vector<1x16xf32>,
      %parallel_loop3A_212 = vector.shape_cast %parallel_loop3A_211 : vector<1x16xf32> to vector<16xf32>
      %parallel_loop3A_213 = vector.shape_cast %parallel_loop3A_208 : vector<16xf32> to vector<1x16xf32>
      tpu.vector_store %arg9[%parallel_loop3A_209, %parallel_loop3A_210], %parallel_loop3A_213 {strides = array<i32>} : memref<200x128xf32, #tpu.memory_space<vmem>>, vector<1x16xf32>,
      %parallel_loop3A_214 = arith.index_cast %parallel_loop3A_201 : i32 to index
      %parallel_loop3A_215 = arith.constant 16 : index
      %parallel_loop3A_216 = tpu.vector_load %arg9[%parallel_loop3A_214, %parallel_loop3A_215] {strides = array<i32>} : memref<200x128xf32, #tpu.memory_space<vmem>>, vector<1x16xf32>,
      %parallel_loop3A_217 = vector.shape_cast %parallel_loop3A_216 : vector<1x16xf32> to vector<16xf32>
      %parallel_loop3A_218 = arith.constant 11.3137083 : f32
      %parallel_loop3A_219 = vector.broadcast %parallel_loop3A_218 : f32 to vector<16xf32>
      %parallel_loop3A_220 = arith.mulf %parallel_loop3A_217, %parallel_loop3A_219 : vector<16xf32>
      %parallel_loop3A_221 = arith.index_cast %parallel_loop3A_201 : i32 to index
      %parallel_loop3A_222 = arith.constant 16 : index
      %parallel_loop3A_223 = tpu.vector_load %arg9[%parallel_loop3A_221, %parallel_loop3A_222] {strides = array<i32>} : memref<200x128xf32, #tpu.memory_space<vmem>>, vector<1x16xf32>,
      %parallel_loop3A_224 = vector.shape_cast %parallel_loop3A_223 : vector<1x16xf32> to vector<16xf32>
      %parallel_loop3A_225 = vector.shape_cast %parallel_loop3A_220 : vector<16xf32> to vector<1x16xf32>
      tpu.vector_store %arg9[%parallel_loop3A_221, %parallel_loop3A_222], %parallel_loop3A_225 {strides = array<i32>} : memref<200x128xf32, #tpu.memory_space<vmem>>, vector<1x16xf32>,
      %parallel_loop3A_226 = arith.index_cast %parallel_loop3A_201 : i32 to index
      %parallel_loop3A_227 = arith.constant 32 : index
      %parallel_loop3A_228 = tpu.vector_load %arg9[%parallel_loop3A_226, %parallel_loop3A_227] {strides = array<i32>} : memref<200x128xf32, #tpu.memory_space<vmem>>, vector<1x16xf32>,
      %parallel_loop3A_229 = vector.shape_cast %parallel_loop3A_228 : vector<1x16xf32> to vector<16xf32>
      %parallel_loop3A_230 = arith.constant 11.3137083 : f32
      %parallel_loop3A_231 = vector.broadcast %parallel_loop3A_230 : f32 to vector<16xf32>
      %parallel_loop3A_232 = arith.mulf %parallel_loop3A_229, %parallel_loop3A_231 : vector<16xf32>
      %parallel_loop3A_233 = arith.index_cast %parallel_loop3A_201 : i32 to index
      %parallel_loop3A_234 = arith.constant 32 : index
      %parallel_loop3A_235 = tpu.vector_load %arg9[%parallel_loop3A_233, %parallel_loop3A_234] {strides = array<i32>} : memref<200x128xf32, #tpu.memory_space<vmem>>, vector<1x16xf32>,
      %parallel_loop3A_236 = vector.shape_cast %parallel_loop3A_235 : vector<1x16xf32> to vector<16xf32>
      %parallel_loop3A_237 = vector.shape_cast %parallel_loop3A_232 : vector<16xf32> to vector<1x16xf32>
      tpu.vector_store %arg9[%parallel_loop3A_233, %parallel_loop3A_234], %parallel_loop3A_237 {strides = array<i32>} : memref<200x128xf32, #tpu.memory_space<vmem>>, vector<1x16xf32>,
      %parallel_loop3A_238 = arith.index_cast %parallel_loop3A_201 : i32 to index
      %parallel_loop3A_239 = arith.constant 48 : index
      %parallel_loop3A_240 = tpu.vector_load %arg9[%parallel_loop3A_238, %parallel_loop3A_239] {strides = array<i32>} : memref<200x128xf32, #tpu.memory_space<vmem>>, vector<1x16xf32>,
      %parallel_loop3A_241 = vector.shape_cast %parallel_loop3A_240 : vector<1x16xf32> to vector<16xf32>
      %parallel_loop3A_242 = arith.constant 11.3137083 : f32
      %parallel_loop3A_243 = vector.broadcast %parallel_loop3A_242 : f32 to vector<16xf32>
      %parallel_loop3A_244 = arith.mulf %parallel_loop3A_241, %parallel_loop3A_243 : vector<16xf32>
      %parallel_loop3A_245 = arith.index_cast %parallel_loop3A_201 : i32 to index
      %parallel_loop3A_246 = arith.constant 48 : index
      %parallel_loop3A_247 = tpu.vector_load %arg9[%parallel_loop3A_245, %parallel_loop3A_246] {strides = array<i32>} : memref<200x128xf32, #tpu.memory_space<vmem>>, vector<1x16xf32>,
      %parallel_loop3A_248 = vector.shape_cast %parallel_loop3A_247 : vector<1x16xf32> to vector<16xf32>
      %parallel_loop3A_249 = vector.shape_cast %parallel_loop3A_244 : vector<16xf32> to vector<1x16xf32>
      tpu.vector_store %arg9[%parallel_loop3A_245, %parallel_loop3A_246], %parallel_loop3A_249 {strides = array<i32>} : memref<200x128xf32, #tpu.memory_space<vmem>>, vector<1x16xf32>,
      %parallel_loop3A_250 = arith.index_cast %parallel_loop3A_201 : i32 to index
      %parallel_loop3A_251 = arith.constant 64 : index
      %parallel_loop3A_252 = tpu.vector_load %arg9[%parallel_loop3A_250, %parallel_loop3A_251] {strides = array<i32>} : memref<200x128xf32, #tpu.memory_space<vmem>>, vector<1x16xf32>,
      %parallel_loop3A_253 = vector.shape_cast %parallel_loop3A_252 : vector<1x16xf32> to vector<16xf32>
      %parallel_loop3A_254 = arith.constant 11.3137083 : f32
      %parallel_loop3A_255 = vector.broadcast %parallel_loop3A_254 : f32 to vector<16xf32>
      %parallel_loop3A_256 = arith.mulf %parallel_loop3A_253, %parallel_loop3A_255 : vector<16xf32>
      %parallel_loop3A_257 = arith.index_cast %parallel_loop3A_201 : i32 to index
      %parallel_loop3A_258 = arith.constant 64 : index
      %parallel_loop3A_259 = tpu.vector_load %arg9[%parallel_loop3A_257, %parallel_loop3A_258] {strides = array<i32>} : memref<200x128xf32, #tpu.memory_space<vmem>>, vector<1x16xf32>,
      %parallel_loop3A_260 = vector.shape_cast %parallel_loop3A_259 : vector<1x16xf32> to vector<16xf32>
      %parallel_loop3A_261 = vector.shape_cast %parallel_loop3A_256 : vector<16xf32> to vector<1x16xf32>
      tpu.vector_store %arg9[%parallel_loop3A_257, %parallel_loop3A_258], %parallel_loop3A_261 {strides = array<i32>} : memref<200x128xf32, #tpu.memory_space<vmem>>, vector<1x16xf32>,
      %parallel_loop3A_262 = arith.index_cast %parallel_loop3A_201 : i32 to index
      %parallel_loop3A_263 = arith.constant 80 : index
      %parallel_loop3A_264 = tpu.vector_load %arg9[%parallel_loop3A_262, %parallel_loop3A_263] {strides = array<i32>} : memref<200x128xf32, #tpu.memory_space<vmem>>, vector<1x16xf32>,
      %parallel_loop3A_265 = vector.shape_cast %parallel_loop3A_264 : vector<1x16xf32> to vector<16xf32>
      %parallel_loop3A_266 = arith.constant 11.3137083 : f32
      %parallel_loop3A_267 = vector.broadcast %parallel_loop3A_266 : f32 to vector<16xf32>
      %parallel_loop3A_268 = arith.mulf %parallel_loop3A_265, %parallel_loop3A_267 : vector<16xf32>
      %parallel_loop3A_269 = arith.index_cast %parallel_loop3A_201 : i32 to index
      %parallel_loop3A_270 = arith.constant 80 : index
      %parallel_loop3A_271 = tpu.vector_load %arg9[%parallel_loop3A_269, %parallel_loop3A_270] {strides = array<i32>} : memref<200x128xf32, #tpu.memory_space<vmem>>, vector<1x16xf32>,
      %parallel_loop3A_272 = vector.shape_cast %parallel_loop3A_271 : vector<1x16xf32> to vector<16xf32>
      %parallel_loop3A_273 = vector.shape_cast %parallel_loop3A_268 : vector<16xf32> to vector<1x16xf32>
      tpu.vector_store %arg9[%parallel_loop3A_269, %parallel_loop3A_270], %parallel_loop3A_273 {strides = array<i32>} : memref<200x128xf32, #tpu.memory_space<vmem>>, vector<1x16xf32>,
      %parallel_loop3A_274 = arith.index_cast %parallel_loop3A_201 : i32 to index
      %parallel_loop3A_275 = arith.constant 96 : index
      %parallel_loop3A_276 = tpu.vector_load %arg9[%parallel_loop3A_274, %parallel_loop3A_275] {strides = array<i32>} : memref<200x128xf32, #tpu.memory_space<vmem>>, vector<1x16xf32>,
      %parallel_loop3A_277 = vector.shape_cast %parallel_loop3A_276 : vector<1x16xf32> to vector<16xf32>
      %parallel_loop3A_278 = arith.constant 11.3137083 : f32
      %parallel_loop3A_279 = vector.broadcast %parallel_loop3A_278 : f32 to vector<16xf32>
      %parallel_loop3A_280 = arith.mulf %parallel_loop3A_277, %parallel_loop3A_279 : vector<16xf32>
      %parallel_loop3A_281 = arith.index_cast %parallel_loop3A_201 : i32 to index
      %parallel_loop3A_282 = arith.constant 96 : index
      %parallel_loop3A_283 = tpu.vector_load %arg9[%parallel_loop3A_281, %parallel_loop3A_282] {strides = array<i32>} : memref<200x128xf32, #tpu.memory_space<vmem>>, vector<1x16xf32>,
      %parallel_loop3A_284 = vector.shape_cast %parallel_loop3A_283 : vector<1x16xf32> to vector<16xf32>
      %parallel_loop3A_285 = vector.shape_cast %parallel_loop3A_280 : vector<16xf32> to vector<1x16xf32>
      tpu.vector_store %arg9[%parallel_loop3A_281, %parallel_loop3A_282], %parallel_loop3A_285 {strides = array<i32>} : memref<200x128xf32, #tpu.memory_space<vmem>>, vector<1x16xf32>,
      %parallel_loop3A_286 = arith.index_cast %parallel_loop3A_201 : i32 to index
      %parallel_loop3A_287 = arith.constant 112 : index
      %parallel_loop3A_288 = tpu.vector_load %arg9[%parallel_loop3A_286, %parallel_loop3A_287] {strides = array<i32>} : memref<200x128xf32, #tpu.memory_space<vmem>>, vector<1x16xf32>,
      %parallel_loop3A_289 = vector.shape_cast %parallel_loop3A_288 : vector<1x16xf32> to vector<16xf32>
      %parallel_loop3A_290 = arith.constant 11.3137083 : f32
      %parallel_loop3A_291 = vector.broadcast %parallel_loop3A_290 : f32 to vector<16xf32>
      %parallel_loop3A_292 = arith.mulf %parallel_loop3A_289, %parallel_loop3A_291 : vector<16xf32>
      %parallel_loop3A_293 = arith.index_cast %parallel_loop3A_201 : i32 to index
      %parallel_loop3A_294 = arith.constant 112 : index
      %parallel_loop3A_295 = tpu.vector_load %arg9[%parallel_loop3A_293, %parallel_loop3A_294] {strides = array<i32>} : memref<200x128xf32, #tpu.memory_space<vmem>>, vector<1x16xf32>,
      %parallel_loop3A_296 = vector.shape_cast %parallel_loop3A_295 : vector<1x16xf32> to vector<16xf32>
      %parallel_loop3A_297 = vector.shape_cast %parallel_loop3A_292 : vector<16xf32> to vector<1x16xf32>
      tpu.vector_store %arg9[%parallel_loop3A_293, %parallel_loop3A_294], %parallel_loop3A_297 {strides = array<i32>} : memref<200x128xf32, #tpu.memory_space<vmem>>, vector<1x16xf32>,
    } {sc.loop_unroll_factor = 4 : i64, sc.parallel_access}
    %add3A_155 = arith.constant 31 : i32
    %add3A_156 = arith.addi %mul3A_2, %add3A_155 : i32
    %dma_start3A_157 = arith.constant 0 : i32
    %dma_start3A_158 = arith.constant 0 : i32
    %dma_start3A_159 = tpu.memref_slice %arg4[%add3A_156, %dma_start3A_157, %dma_start3A_158] : memref<1024x200x128xf32, #tpu.memory_space<hbm>> -> memref<1x200x128xf32, #tpu.memory_space<hbm>>
    %dma_start3A_160 = tpu.memref_squeeze %dma_start3A_159 : memref<1x200x128xf32, #tpu.memory_space<hbm>> -> memref<200x128xf32, #tpu.memory_space<hbm>>
    %dma_start3A_161 = arith.constant 0 : i32
    %dma_start3A_162 = arith.constant 0 : i32
    %dma_start3A_163 = tpu.memref_slice %arg4[%add3A_156, %dma_start3A_161, %dma_start3A_162] : memref<1024x200x128xf32, #tpu.memory_space<hbm>> -> memref<1x200x128xf32, #tpu.memory_space<hbm>>
    %dma_start3A_164 = tpu.memref_squeeze %dma_start3A_163 : memref<1x200x128xf32, #tpu.memory_space<hbm>> -> memref<200x128xf32, #tpu.memory_space<hbm>>
    tpu.enqueue_dma source(%arg9 : memref<200x128xf32, #tpu.memory_space<vmem>>) target(%dma_start3A_164 : memref<200x128xf32, #tpu.memory_space<hbm>>) target_semaphore(%arg17 : memref<!tpu.dma_semaphore, #tpu.memory_space<semaphore_mem>>)
    %dma_wait3A_165 = arith.constant 0 : i32
    %dma_wait3A_166 = arith.constant 0 : i32
    %dma_wait3A_167 = arith.constant 0 : i32
    %dma_wait3A_168 = tpu.memref_slice %arg4[%dma_wait3A_165, %dma_wait3A_166, %dma_wait3A_167] : memref<1024x200x128xf32, #tpu.memory_space<hbm>> -> memref<1x200x128xf32, #tpu.memory_space<hbm>>
    %dma_wait3A_169 = tpu.memref_squeeze %dma_wait3A_168 : memref<1x200x128xf32, #tpu.memory_space<hbm>> -> memref<200x128xf32, #tpu.memory_space<hbm>>
    %dma_wait3A_170 = arith.constant 0 : i32
    %dma_wait3A_171 = arith.constant 0 : i32
    %dma_wait3A_172 = tpu.memref_slice %arg4[%dma_wait3A_165, %dma_wait3A_170, %dma_wait3A_171] : memref<1024x200x128xf32, #tpu.memory_space<hbm>> -> memref<1x200x128xf32, #tpu.memory_space<hbm>>
    %dma_wait3A_173 = tpu.memref_squeeze %dma_wait3A_172 : memref<1x200x128xf32, #tpu.memory_space<hbm>> -> memref<200x128xf32, #tpu.memory_space<hbm>>
    tpu.wait_dma2 semaphore(%arg14 : memref<!tpu.dma_semaphore, #tpu.memory_space<semaphore_mem>>) src(%arg6 : memref<200x128xf32, #tpu.memory_space<vmem>>) dst(%dma_wait3A_173 : memref<200x128xf32, #tpu.memory_space<hbm>>)
    %dma_wait3A_174 = arith.constant 0 : i32
    %dma_wait3A_175 = arith.constant 0 : i32
    %dma_wait3A_176 = arith.constant 0 : i32
    %dma_wait3A_177 = tpu.memref_slice %arg4[%dma_wait3A_174, %dma_wait3A_175, %dma_wait3A_176] : memref<1024x200x128xf32, #tpu.memory_space<hbm>> -> memref<1x200x128xf32, #tpu.memory_space<hbm>>
    %dma_wait3A_178 = tpu.memref_squeeze %dma_wait3A_177 : memref<1x200x128xf32, #tpu.memory_space<hbm>> -> memref<200x128xf32, #tpu.memory_space<hbm>>
    %dma_wait3A_179 = arith.constant 0 : i32
    %dma_wait3A_180 = arith.constant 0 : i32
    %dma_wait3A_181 = tpu.memref_slice %arg4[%dma_wait3A_174, %dma_wait3A_179, %dma_wait3A_180] : memref<1024x200x128xf32, #tpu.memory_space<hbm>> -> memref<1x200x128xf32, #tpu.memory_space<hbm>>
    %dma_wait3A_182 = tpu.memref_squeeze %dma_wait3A_181 : memref<1x200x128xf32, #tpu.memory_space<hbm>> -> memref<200x128xf32, #tpu.memory_space<hbm>>
    tpu.wait_dma2 semaphore(%arg15 : memref<!tpu.dma_semaphore, #tpu.memory_space<semaphore_mem>>) src(%arg7 : memref<200x128xf32, #tpu.memory_space<vmem>>) dst(%dma_wait3A_182 : memref<200x128xf32, #tpu.memory_space<hbm>>)
    %dma_wait3A_183 = arith.constant 0 : i32
    %dma_wait3A_184 = arith.constant 0 : i32
    %dma_wait3A_185 = arith.constant 0 : i32
    %dma_wait3A_186 = tpu.memref_slice %arg4[%dma_wait3A_183, %dma_wait3A_184, %dma_wait3A_185] : memref<1024x200x128xf32, #tpu.memory_space<hbm>> -> memref<1x200x128xf32, #tpu.memory_space<hbm>>
    %dma_wait3A_187 = tpu.memref_squeeze %dma_wait3A_186 : memref<1x200x128xf32, #tpu.memory_space<hbm>> -> memref<200x128xf32, #tpu.memory_space<hbm>>
    %dma_wait3A_188 = arith.constant 0 : i32
    %dma_wait3A_189 = arith.constant 0 : i32
    %dma_wait3A_190 = tpu.memref_slice %arg4[%dma_wait3A_183, %dma_wait3A_188, %dma_wait3A_189] : memref<1024x200x128xf32, #tpu.memory_space<hbm>> -> memref<1x200x128xf32, #tpu.memory_space<hbm>>
    %dma_wait3A_191 = tpu.memref_squeeze %dma_wait3A_190 : memref<1x200x128xf32, #tpu.memory_space<hbm>> -> memref<200x128xf32, #tpu.memory_space<hbm>>
    tpu.wait_dma2 semaphore(%arg16 : memref<!tpu.dma_semaphore, #tpu.memory_space<semaphore_mem>>) src(%arg8 : memref<200x128xf32, #tpu.memory_space<vmem>>) dst(%dma_wait3A_191 : memref<200x128xf32, #tpu.memory_space<hbm>>)
    %dma_wait3A_192 = arith.constant 0 : i32
    %dma_wait3A_193 = arith.constant 0 : i32
    %dma_wait3A_194 = arith.constant 0 : i32
    %dma_wait3A_195 = tpu.memref_slice %arg4[%dma_wait3A_192, %dma_wait3A_193, %dma_wait3A_194] : memref<1024x200x128xf32, #tpu.memory_space<hbm>> -> memref<1x200x128xf32, #tpu.memory_space<hbm>>
    %dma_wait3A_196 = tpu.memref_squeeze %dma_wait3A_195 : memref<1x200x128xf32, #tpu.memory_space<hbm>> -> memref<200x128xf32, #tpu.memory_space<hbm>>
    %dma_wait3A_197 = arith.constant 0 : i32
    %dma_wait3A_198 = arith.constant 0 : i32
    %dma_wait3A_199 = tpu.memref_slice %arg4[%dma_wait3A_192, %dma_wait3A_197, %dma_wait3A_198] : memref<1024x200x128xf32, #tpu.memory_space<hbm>> -> memref<1x200x128xf32, #tpu.memory_space<hbm>>
    %dma_wait3A_200 = tpu.memref_squeeze %dma_wait3A_199 : memref<1x200x128xf32, #tpu.memory_space<hbm>> -> memref<200x128xf32, #tpu.memory_space<hbm>>
    tpu.wait_dma2 semaphore(%arg17 : memref<!tpu.dma_semaphore, #tpu.memory_space<semaphore_mem>>) src(%arg9 : memref<200x128xf32, #tpu.memory_space<vmem>>) dst(%dma_wait3A_200 : memref<200x128xf32, #tpu.memory_space<hbm>>)
    return
  }
}

</mosaic_0001>

<sc_bundles>
// kernel: kernel.3.cloned.1.call-start
scs
__scs_entry_jumppad:
0x0: {  	(pc) =	sbr.rel $0x88, $3  }
0x1: {  	(tag) =	ssettag $0x0;
	lr =	simm.s32 $0x1  }
0x2: {  	[smem:$0x3F9F] =	sst lr;
	_ =	strace $0xD0000000  }
0x3: {  	_ = 	snop  }
0x4: {  	_ = 	snop  }
0x5: {  	_ = 	snop  }
0x6: {  	_ = 	snop  }
0x7: {  	_ = 	snop  }
__scs_overlays_trampoline_lowered:
0x8: {  	[smem:$0x3FAE] =	sst s0  }
0x9: {  	[smem:$0x3FAF] =	sst s1  }
0xa: {  	[smem:$0x3FB0] =	sst s2  }
0xb: {  	[smem:$0x3FB1] =	sst s3  }
0xc: {  	[smem:$0x3FB2] =	sst s4  }
0xd: {  	[smem:$0x3FB3] =	sst s5  }
0xe: {  	[smem:$0x3FB4] =	sst s6  }
0xf: {  	[smem:$0x3FB5] =	sst s7  }
0x10: {  	[smem:$0x3FB6] =	sst s8  }
0x11: {  	[smem:$0x3FB7] =	sst s9;
	s0 =	simm.s32 @!p0 $0x0  }
0x12: {  	s1 =	sld [smem:$0x3F9D];
	s0 =	simm.s32 @p0 $0x1  }
0x13: {  	[smem:$0x3FB8] =	sst s0;
	s0 =	simm.s32 @!p1 $0x0  }
0x14: {  	s2 =	sld [smem:$0x3F9C];
	s0 =	simm.s32 @p1 $0x1  }
0x15: {  	[smem:$0x3FB9] =	sst s0;
	s0 =	simm.s32 @!p2 $0x0  }
0x16: {  	s3 =	sld [smem:$0x3FDB];
	s0 =	simm.s32 @p2 $0x1  }
0x17: {  	s4 =	simm.s32 $0x1BF5;
	[smem:$0x3FBB] =	sst s0  }
0x18: {  	s0 =	sld [smem:$0x3F9E];
	_ =	swait.ge [sflag:s4], $0x0  }
0x19: {  	s7 =	sld [smem:$0x3F9F]  }
0x1a: {  	s8 =	sadd.s32 $0xFFFFE003, lr  }
0x1b: {  	s9 =	sadd.s32 $0xFFFFFEF7, lr;
	s5 =	simm.s32 $0xFFFFFFFF;
	p2 =	slt.u32 s8, $0xFFFFF086  }
0x1c: {  	p1 =	slt.u32 s9, $0xF7A;
	s5 =	simm.s32 @!p2 $0x0  }
0x1d: {  	s5 =	simm.s32 @p1 $0x1;
	p0 =	seq.s32 s7, s2  }
0x1e: {  	s7 =	smul.u32 @!p0 $0xF7A, s2;
	p2 =	seq.s32 @!p0 s5, $0x0  }
0x1f: {  	s9 =	smul.u32 $0xF7A, s1;
	s8 =	simm.s32 @!p0 $0x1BF5;
	p2 =	por !p2, p0  }
0x20: {  	[sflag:s8] =	ssyncset.s32 @!p0 $0xFFFFF086;
	s6 =	sadd.s32 @!p0 s3, s7;
	s7 =	simm.s32 @!p0 $0x108  }
0x21: {  	s3 =	sadd.s32 s3, s9;
	s6 =	sadd.s32 @!p0 $0x88, s6;
	s7 =	simm.s32 @p2 $0x1082  }
0x22: {  	[simem:s7], [sflag:s8] =	dma.local @!p0 [hbm:s6], $0xF7A  }
0x23: {  	s9 =	sor.u32 $0xD0000000, s2;
	s6 =	simm.s32 $0x108;
	_ =	swait.ge @!p0 [sflag:s8], $0x0  }
0x24: {  	s3 =	sadd.s32 $0x88, s3;
	s6 =	simm.s32 @!p1 $0x1082;
	[sflag:s4] =	ssyncset.s32 $0xFFFFF086  }
0x25: {  	[simem:s6], [sflag:s4] =	dma.local [hbm:s3], $0xF7A  }
0x26: {  	[smem:$0x3F9F] =	sst s1;
	(tag) =	ssettag s2;
	_ =	strace s9  }
0x27: {  	s1 =	sld [smem:$0x3FAF]  }
0x28: {  	s2 =	sld [smem:$0x3FB0]  }
0x29: {  	s4 =	sld [smem:$0x3FB2]  }
0x2a: {  	p0 =	seq.s32 s5, $0x0;
	s5 =	sld [smem:$0x3FB3]  }
0x2b: {  	s6 =	sld [smem:$0x3FB4]  }
0x2c: {  	s7 =	sld [smem:$0x3FB5]  }
0x2d: {  	s3 =	simm.s32 $0x108;
	s8 =	sld [smem:$0x3FB6]  }
0x2e: {  	s3 =	simm.s32 @!p0 $0x1082;
	s9 =	sld [smem:$0x3FB7]  }
0x2f: {  	lr =	sadd.s32 s0, s3;
	s0 =	sld [smem:$0x3FAE]  }
0x30: {  	s3 =	sld [smem:$0x3FB1]  }
0x31: {  	[smem:$0x3FBA] =	sst s10  }
0x32: {  	s10 =	sld [smem:$0x3FB8];
	_ =	sdelay $0x3  }
0x33: {  	p0 =	seq.s32 s10, $0x1;
	s10 =	sld [smem:$0x3FBA];
	_ =	sdelay $0x3  }
0x34: {  	[smem:$0x3FBA] =	sst s10  }
0x35: {  	s10 =	sld [smem:$0x3FB9];
	_ =	sdelay $0x3  }
0x36: {  	p1 =	seq.s32 s10, $0x1;
	s10 =	sld [smem:$0x3FBA];
	_ =	sdelay $0x3  }
0x37: {  	[smem:$0x3FBA] =	sst s10  }
0x38: {  	s10 =	sld [smem:$0x3FBB]  }
0x39: {  	_ = 	snop;
	(pc) =	sbr.ind lr, $3  }
0x3a: {  	_ = 	snop  }
0x3b: {  	_ = 	snop  }
0x3c: {  	p2 =	seq.s32 s10, $0x1;
	s10 =	sld [smem:$0x3FBA]  }
0x3d: {  	_ =	shalt  }
0x3e: {  	_ =	shalt  }
0x3f: {  	_ =	shalt  }
0x40: {  	_ =	shalt  }
0x41: {  	_ =	shalt  }
0x42: {  	_ =	shalt  }
0x43: {  	_ =	shalt  }
0x44: {  	_ =	shalt  }
0x45: {  	_ =	shalt  }
0x46: {  	_ =	shalt  }
0x47: {  	_ =	shalt  }
0x48: {  	_ =	shalt  }
0x49: {  	_ =	shalt  }
0x4a: {  	_ =	shalt  }
0x4b: {  	_ =	shalt  }
0x4c: {  	_ =	shalt  }
0x4d: {  	_ =	shalt  }
0x4e: {  	_ =	shalt  }
0x4f: {  	_ =	shalt  }
0x50: {  	_ =	shalt  }
0x51: {  	_ =	shalt  }
0x52: {  	_ =	shalt  }
0x53: {  	_ =	shalt  }
0x54: {  	_ =	shalt  }
0x55: {  	_ =	shalt  }
0x56: {  	_ =	shalt  }
0x57: {  	_ =	shalt  }
0x58: {  	_ =	shalt  }
0x59: {  	_ =	shalt  }
0x5a: {  	_ =	shalt  }
0x5b: {  	_ =	shalt  }
0x5c: {  	_ =	shalt  }
0x5d: {  	_ =	shalt  }
0x5e: {  	_ =	shalt  }
0x5f: {  	_ =	shalt  }
0x60: {  	_ =	shalt  }
0x61: {  	_ =	shalt  }
0x62: {  	_ =	shalt  }
0x63: {  	_ =	shalt  }
0x64: {  	_ =	shalt  }
0x65: {  	_ =	shalt  }
0x66: {  	_ =	shalt  }
0x67: {  	_ =	shalt  }
0x68: {  	_ =	shalt  }
0x69: {  	_ =	shalt  }
0x6a: {  	_ =	shalt  }
0x6b: {  	_ =	shalt  }
0x6c: {  	_ =	shalt  }
0x6d: {  	_ =	shalt  }
0x6e: {  	_ =	shalt  }
0x6f: {  	_ =	shalt  }
0x70: {  	_ =	shalt  }
0x71: {  	_ =	shalt  }
0x72: {  	_ =	shalt  }
0x73: {  	_ =	shalt  }
0x74: {  	_ =	shalt  }
0x75: {  	_ =	shalt  }
0x76: {  	_ =	shalt  }
0x77: {  	_ =	shalt  }
0x78: {  	_ =	shalt  }
0x79: {  	_ =	shalt  }
0x7a: {  	_ =	shalt  }
0x7b: {  	_ =	shalt  }
0x7c: {  	_ =	shalt  }
0x7d: {  	_ =	shalt  }
0x7e: {  	_ =	shalt  }
0x7f: {  	_ =	shalt  }
0x80: {  	_ =	shalt  }
0x81: {  	_ =	shalt  }
0x82: {  	_ =	shalt  }
0x83: {  	_ =	shalt  }
0x84: {  	_ =	shalt  }
0x85: {  	_ =	shalt  }
0x86: {  	_ =	shalt  }
0x87: {  	_ =	shalt  }
.Lfunc_end0:
.L_simem_size_0:
called_computation_lowered:
.L_overlay_start_0:
0x88: {  	s2 =	sld [smem:$0x3FD9]  }
0x89: {  	s3 =	sld [smem:$0x3FFE];
	_ =	sdelay $0x1  }
0x8a: {  	s1 =	srdreg.scid  }
0x8b: {  	s0 =	sand.u32 $0x1, s1  }
0x8c: {  	s17 =	sshll.u32 s0, $0xA;
	s2 =	sadd.s32 s3, s2  }
0x8d: {  	s2 =	sadd.s32 s2, s17  }
0x8e: {  	[smem:$0x3FC6] =	sst s2  }
0x8f: {  	_ = 	snop  }
0x90: {  	s2 =	sld [smem:$0x3FC8]  }
0x91: {  	s18 =	sld [smem:$0x3FD0];
	(tm) =	ssettm $0x1  }
0x92: {  	s4 =	sld [smem:$0x3FFB];
	_ =	sdelay $0x3  }
0x93: {  	_ =	strace s4  }
0x94: {  	s4 =	sld [smem:$0x3FFC];
	_ =	sdelay $0x3  }
0x95: {  	_ =	strace s4  }
0x96: {  	s4 =	sld [smem:$0x3FFD];
	_ =	sdelay $0x3  }
0x97: {  	_ =	strace s4  }
0x98: {  	_ =	strace $0x8FFFFFFF  }
0x99: {  	s19 =	sld [smem:$0x3FDB];
	_ =	sdelay $0x1  }
0x9a: {  	s5 =	simm.s32 $_scs_section_size  }
0x9b: {  	s6 =	simm.s32 $_size__tile_overlayer_lowered;
	s7 =	simm.s32 $_tile_overlayer_lowered  }
0x9c: {  	s22 =	simm.s32 $0x1BFF;
	s21 =	sshll.u32 s7, $0x1;
	s4 =	sadd.s32 s5, s19  }
0x9d: {  	s8 =	simm.s32 $0x0;
	s20 =	sshll.u32 s6, $0x1;
	s6 =	sadd.s32 s21, s4  }
0x9e: {  	[timem:s8], [sflag:s22] =	dma.local [hbm:s6], s20  }
0x9f: {  	_ =	swait.ge [sflag:s22], s20  }
0xa0: {  	s5 =	ssub.s32 $0x0, s20;
	[sflag:s22] =	ssyncset.done $0x0  }
0xa1: {  	[sflag:s22] =	ssyncadd.s32 s5;
	_ =	sdelay $0x1  }
0xa2: {  	s23 =	simm.s32 $0x1B8B  }
0xa3: {  	_ =	swait.ge [sflag:s23], $0x1  }
0xa4: {  	[sflag:s23] =	ssyncset.done $0x0  }
0xa5: {  	s25 =	simm.s32 $0x1B8E;
	s24 =	sld [smem:$0x3FFE];
	[sflag:s23] =	ssyncadd.s32 $0xFFFFFFFF  }
0xa6: {  	s26 =	simm.s32 $execute0_lowered;
	[smem:$0x3FD2] =	sst s25  }
0xa7: {  	s6 =	sshll.u32 s26, $0x1;
	_ =	strace $0x80000046;
	[dreg:$0x1] =	wrdreg $0xFFFFFFFF  }
0xa8: {  	s28 =	simm.s32 $_size_execute0_lowered;
	s4 =	sadd.s32 s4, s6;
	[dreg:$0x0] =	wrdreg $0x0  }
0xa9: {  	s6 =	sshll.u32 s28, $0x1;
	[dreg:$0x2] =	wrdreg s4  }
0xaa: {  	[dreg:$0x3] =	wrdreg s6  }
0xab: {  	[dreg:$0x4] =	wrdreg $0xC0  }
0xac: {  	_ =	task [dreg:s8], $0x5FFFF  }
0xad: {  	[dreg:$0x1] =	wrdreg $0xFFFFFFFF  }
0xae: {  	[dreg:$0x0] =	wrdreg $0x60  }
0xaf: {  	[dreg:$0x2] =	wrdreg s24  }
0xb0: {  	[dreg:$0x3] =	wrdreg s2  }
0xb1: {  	[dreg:$0x4] =	wrdreg s18  }
0xb2: {  	[dreg:$0x5] =	wrdreg $0x9  }
0xb3: {  	_ =	task.clear_ibuf [dreg:s8], $0x6FFFF;
	_ =	strace $0x90000046  }
0xb4: {  	s29 =	simm.s32 $0x9;
	_ =	strace $0x80000048  }
0xb5: {  	_ =	swait.ge [sflag:s29], $0x1  }
0xb6: {  	[sflag:s29] =	ssyncadd.s32 $0xFFFFFFFF  }
0xb7: {  	_ =	strace $0x90000048  }
0xb8: {  	_ =	sfence  }
0xb9: {  	s30 =	sld [smem:$0x0];
	_ =	sdelay $0x2  }
0xba: {  	s31 =	sshll.u32 s1, $0xD;
	s1 =	sshrl.u32 s1, $0x2  }
0xbb: {  	s3 =	sand.u32 $0x4000, s31;
	s1 =	sadd.s32 s1, s30  }
0xbc: {  	s0 =	sor.u32 s3, s0;
	s1 =	sshll.u32 s1, $0x11  }
0xbd: {  	s0 =	sor.u32 s1, s0  }
0xbe: {  	s0 =	sadd.s32 $0x8F2B, s0  }
0xbf: {  	[sflag:s0] =	ssyncadd.remote.s32 $0x1  }
0xc0: {  	_ =	sfence.sel $0xFFFF  }
0xc1: {  	[dreg:$0x0] =	wrdreg $0xFFFFFFFF;
	(pc) =	sbr.abs _section_cstart, $3  }
0xc2: {  	[dreg:$0x1] =	wrdreg $0xFFFFFFFF  }
0xc3: {  	_ =	task.clear_ibuf [dreg:s8], $0x2FFFF;
	_ =	strace $0x9FFFFFFF  }
0xc4: {  	(tm) =	ssettm $0x7FFFFFFF  }
0xc5: {  	_ =	shalt  }
tec
execute0_lowered:
.L_overlay_start_1:
0x0: {  	(tag) =	ssettag $0x1  }
0x1: {  	s0 =	rddreg [dreg:$0x0]  }
0x2: {  	s2 =	rddreg [dreg:$0x1]  }
0x3: {  	s3 =	rddreg [dreg:$0x2]  }
0x4: {  	s1 =	srdreg.scid;
	s5 =	stileid.u32  }
0x5: {  	s4 =	simm.s32 $0x0;
	s12 =	simm.s32 $0x9;
	s13 =	simm.s32 $0x80  }
0x6: {  	s14 =	simm.s32 $0x2000;
	s15 =	simm.s32 $0x48;
	s17 =	simm.s32 $0x6000  }
0x7: {  	s18 =	simm.s32 $0x8400;
	s20 =	simm.s32 $0xC400;
	s21 =	simm.s32 $0x1  }
0x8: {  	s29 =	simm.s32 $0x14C00;
	s31 =	simm.s32 $0x18C00;
	s16 =	simm.s32 $0x4  }
0x9: {  	s19 =	simm.s32 $0x6;
	s22 =	simm.s32 $0x7;
	s1 =	sand.u32 $0x1, s1  }
0xa: {  	s28 =	simm.s32 $0x0;
	s5 =	sshll.u32 s5, $0x6;
	s6 =	sshll.u32 s1, $0x5  }
0xb: {  	[smem:$0x7FF] =	sst s4;
	s1 =	ssub.s32 $0x2, s1;
	s5 =	sor.u32 s6, s5  }
0xc: {  	_ =	strace $0x80000047;
	s8 =	sshrl.u32 s1, $0x1;
	s6 =	smul.u32 $0x6400, s5  }
0xd: {  	s7 =	sshll.u32 s5, $0x5;
	s9 =	smul.u32 $0xC80, s5;
	s1 =	ssub.s32 s1, s8  }
0xe: {  	s0 =	sadd.s32 s7, s0;
	s30 =	smax.u32 s1, $0x1;
	s1 =	simm.s32 $0x5  }
0xf: {  	s6 =	sshrl.u32 s6, $0x3;
	s0 =	sadd.s32 $0x400, s0;
	[dreg:$0x9] =	wrdreg s30  }
0x10: {  	s23 =	sadd.s32 s3, s9;
	[dreg:$0x4] =	wrdreg s0;
	s24 =	sadd.s32 s3, s6  }
0x11: {  	[dreg:$0x5] =	wrdreg s23;
	s25 =	sadd.s32 $0xC80, s23;
	s23 =	simm.s32 $0xE800  }
0x12: {  	[dreg:$0x6] =	wrdreg s25;
	s26 =	sadd.s32 $0x17700, s24;
	s0 =	sadd.s32 $0x18380, s24  }
0x13: {  	s25 =	simm.s32 $0x12800;
	s24 =	simm.s32 $0x8;
	[dreg:$0x7] =	wrdreg s26  }
0x14: {  	[dreg:$0x8] =	wrdreg s0;
	s26 =	simm.s32 $0x2;
	s0 =	simm.s32 $0x3  }
.LBB2_1:
0x15: {  	s6 =	rddreg [dreg:$0x4]  }
0x16: {  	[tilespmem:s4], [sflag:$0x9] =	stream.linear.gather [hbm4b:s6+s4], $0x2000, $0x38;
	[tilespmem:$0x1B000] =	vst v63  }
0x17: {  	_ =	swait.ge [sflag:s12], $0x2000  }
0x18: {  	[sflag:s12] =	ssyncset.done $0x0  }
0x19: {  	[sflag:s12] =	ssyncadd.s32 $0xFFFFE000  }
0x1a: {  	[tilespmem:s14], [sflag:$0x1] =	stream.indirect.gather [hbm4b:s2+s13], $0x80, s4, s13, $0xb8;
	[tilespmem:$0x1B000] =	vst v63  }
0x1b: {  	s11 =	simm.s32 $0x400  }
0x1c: {  	[tilespmem:s17], [sflag:$0x1] =	stream.indirect.gather [hbm4b:s2+s15], $0x80, s11, s15, $0xb8;
	[tilespmem:$0x1B000] =	vst v63  }
0x1d: {  	_ = 	snop  }
0x1e: {  	[tilespmem:s18], [sflag:$0x2] =	stream.indirect.gather [hbm4b:s2+s13], $0x80, s13, s13, $0xb8;
	[tilespmem:$0x1B000] =	vst v63  }
0x1f: {  	s30 =	simm.s32 $0x480  }
0x20: {  	[tilespmem:s20], [sflag:$0x2] =	stream.indirect.gather [hbm4b:s2+s15], $0x80, s30, s15, $0xb8;
	[tilespmem:$0x1B000] =	vst v63  }
0x21: {  	_ =	swait.ge [sflag:s21], $0x6400  }
0x22: {  	[sflag:s21] =	ssyncset.done $0x0  }
0x23: {  	s6 =	simm.s32 $0x2100;
	[sflag:s21] =	ssyncadd.s32 $0xFFFF9C00  }
0x24: {  	v0 =	vld [tilespmem:s6+$0xF0]  }
0x25: {  	v1 =	vld [tilespmem:s6+$0xFFFFFF10]  }
0x26: {  	v2 =	vld [tilespmem:s6+$0xFFFFFF20]  }
0x27: {  	v3 =	vld [tilespmem:s6+$0xFFFFFF30]  }
0x28: {  	v6 =	vld [tilespmem:s6+$0xFFFFFF60]  }
0x29: {  	v4 =	vld [tilespmem:s6+$0xFFFFFF40]  }
0x2a: {  	v5 =	vld [tilespmem:s6+$0xFFFFFF50];
	v0 =	vmul.f32 $1.131370830e+01, v0  }
0x2b: {  	v8 =	vld [tilespmem:s6+$0xFFFFFF80];
	v1 =	vmul.f32 $1.131370830e+01, v1  }
0x2c: {  	v7 =	vld [tilespmem:s6+$0xFFFFFF70];
	v2 =	vmul.f32 $1.131370830e+01, v2;
	[tilespmem:s6+$0xF0] =	vst v0  }
0x2d: {  	v6 =	vmul.f32 $1.131370830e+01, v6;
	v0 =	vld [tilespmem:s6+$0xFFFFFF90];
	[tilespmem:s6+$0xFFFFFF10] =	vst v1  }
0x2e: {  	v1 =	vmul.f32 $1.131370830e+01, v3;
	v3 =	vld [tilespmem:s6+$0xFFFFFFA0];
	[tilespmem:s6+$0xFFFFFF20] =	vst v2;
	v2 =	vmul.f32 $1.131370830e+01, v4  }
0x2f: {  	[tilespmem:s6+$0xFFFFFF60] =	vst v6;
	v6 =	vld [tilespmem:s6+$0xFFFFFFF0]  }
0x30: {  	v4 =	vld [tilespmem:s6+$0xFFFFFFB0];
	[tilespmem:s6+$0xFFFFFF40] =	vst v2;
	v2 =	vmul.f32 $1.131370830e+01, v8  }
0x31: {  	[tilespmem:s6+$0xFFFFFF30] =	vst v1;
	v1 =	vmul.f32 $1.131370830e+01, v5;
	v5 =	vld [tilespmem:s6+$0xFFFFFFC0]  }
0x32: {  	v8 =	vld [tilespmem:s6+$0xFFFFFFD0];
	[tilespmem:s6+$0xFFFFFF80] =	vst v2;
	v2 =	vmul.f32 $1.131370830e+01, v7  }
0x33: {  	[tilespmem:s6+$0xFFFFFF50] =	vst v1;
	v1 =	vld [tilespmem:s6+$0xFFFFFFE0];
	v0 =	vmul.f32 $1.131370830e+01, v0  }
0x34: {  	v7 =	vld [tilespmem:s6+$0x30];
	v6 =	vmul.f32 $1.131370830e+01, v6;
	[tilespmem:s6+$0xFFFFFF70] =	vst v2  }
0x35: {  	v2 =	vmul.f32 $1.131370830e+01, v3;
	v3 =	vld [tilespmem:s6+$0x0];
	[tilespmem:s6+$0xFFFFFF90] =	vst v0  }
0x36: {  	v0 =	vmul.f32 $1.131370830e+01, v4;
	v4 =	vld [tilespmem:s6+$0x10];
	[tilespmem:s6+$0xFFFFFFF0] =	vst v6  }
0x37: {  	[tilespmem:s6+$0xFFFFFFA0] =	vst v2;
	v2 =	vmul.f32 $1.131370830e+01, v5;
	v5 =	vld [tilespmem:s6+$0x20]  }
0x38: {  	v6 =	vld [tilespmem:s6+$0x80];
	[tilespmem:s6+$0xFFFFFFB0] =	vst v0;
	v0 =	vmul.f32 $1.131370830e+01, v8  }
0x39: {  	v1 =	vmul.f32 $1.131370830e+01, v1;
	[tilespmem:s6+$0xFFFFFFC0] =	vst v2;
	v2 =	vld [tilespmem:s6+$0x40]  }
0x3a: {  	[tilespmem:s6+$0xFFFFFFD0] =	vst v0;
	v0 =	vmul.f32 $1.131370830e+01, v3  }
0x3b: {  	v3 =	vld [tilespmem:s6+$0x50];
	[tilespmem:s6+$0xFFFFFFE0] =	vst v1;
	v4 =	vmul.f32 $1.131370830e+01, v4  }
0x3c: {  	v1 =	vld [tilespmem:s6+$0x60];
	[tilespmem:s6+$0x0] =	vst v0;
	v0 =	vmul.f32 $1.131370830e+01, v5  }
0x3d: {  	v6 =	vmul.f32 $1.131370830e+01, v6;
	v5 =	vld [tilespmem:s6+$0x70];
	[tilespmem:s6+$0x10] =	vst v4  }
0x3e: {  	v4 =	vmul.f32 $1.131370830e+01, v7;
	v7 =	vld [tilespmem:s6+$0x90];
	[tilespmem:s6+$0x20] =	vst v0;
	v0 =	vmul.f32 $1.131370830e+01, v2  }
0x3f: {  	v8 =	vld [tilespmem:s6+$0xA0];
	[tilespmem:s6+$0x80] =	vst v6  }
0x40: {  	v2 =	vmul.f32 $1.131370830e+01, v3;
	[tilespmem:s6+$0x40] =	vst v0;
	v0 =	vld [tilespmem:s6+$0xB0]  }
0x41: {  	[tilespmem:s6+$0x30] =	vst v4;
	v3 =	vmul.f32 $1.131370830e+01, v1;
	v1 =	vld [tilespmem:s6+$0xC0]  }
0x42: {  	[tilespmem:s6+$0x50] =	vst v2;
	v4 =	vmul.f32 $1.131370830e+01, v5;
	v2 =	vld [tilespmem:s6+$0xD0]  }
0x43: {  	[tilespmem:s6+$0x60] =	vst v3;
	v3 =	vld [tilespmem:s6+$0xE0];
	v5 =	vmul.f32 $1.131370830e+01, v7  }
0x44: {  	s8 =	simm.s32 $0x0;
	s9 =	simm.s32 $0x2300;
	v6 =	vmul.f32 $1.131370830e+01, v8;
	[tilespmem:s6+$0x70] =	vst v4;
	v4 =	vld [tilespmem:s6+$0xFFFFFF00]  }
.LBB2_2:
0x45: {  	v7 =	vld [tilespmem:s9+$0xF0];
	s8 =	sadd.s32 $0x4, s8;
	[tilespmem:s6+$0x90] =	vst v5;
	v0 =	vmul.f32 $1.131370830e+01, v0  }
0x46: {  	v5 =	vld [tilespmem:s9+$0xFFFFFF10];
	p0 =	slt.u32 s8, $0xC4;
	[tilespmem:s6+$0xA0] =	vst v6;
	v1 =	vmul.f32 $1.131370830e+01, v1  }
0x47: {  	v6 =	vld [tilespmem:s9+$0xFFFFFF20];
	[tilespmem:s6+$0xB0] =	vst v0;
	v0 =	vmul.f32 $1.131370830e+01, v2  }
0x48: {  	v2 =	vld [tilespmem:s9+$0xFFFFFF30];
	[tilespmem:s6+$0xC0] =	vst v1;
	v1 =	vmul.f32 $1.131370830e+01, v3  }
0x49: {  	v3 =	vld [tilespmem:s9+$0xFFFFFF40];
	v4 =	vmul.f32 $1.131370830e+01, v4;
	[tilespmem:s6+$0xD0] =	vst v0  }
0x4a: {  	v0 =	vld [tilespmem:s9+$0xFFFFFF50];
	v7 =	vmul.f32 $1.131370830e+01, v7;
	[tilespmem:s6+$0xE0] =	vst v1  }
0x4b: {  	v1 =	vmul.f32 $1.131370830e+01, v5;
	v5 =	vld [tilespmem:s9+$0xFFFFFF60];
	[tilespmem:s6+$0xFFFFFF00] =	vst v4;
	s6 =	smov.u32 s9  }
0x4c: {  	v4 =	vmul.f32 $1.131370830e+01, v6;
	v6 =	vld [tilespmem:s9+$0xFFFFFF70];
	[tilespmem:s9+$0xF0] =	vst v7  }
0x4d: {  	[tilespmem:s9+$0xFFFFFF10] =	vst v1;
	v1 =	vmul.f32 $1.131370830e+01, v2;
	v2 =	vld [tilespmem:s9+$0xFFFFFF80]  }
0x4e: {  	[tilespmem:s9+$0xFFFFFF20] =	vst v4;
	v3 =	vmul.f32 $1.131370830e+01, v3;
	v4 =	vld [tilespmem:s9+$0xFFFFFF90]  }
0x4f: {  	[tilespmem:s9+$0xFFFFFF30] =	vst v1;
	v0 =	vmul.f32 $1.131370830e+01, v0;
	v1 =	vld [tilespmem:s9+$0xFFFFFFA0]  }
0x50: {  	[tilespmem:s9+$0xFFFFFF40] =	vst v3;
	v3 =	vmul.f32 $1.131370830e+01, v5;
	v5 =	vld [tilespmem:s9+$0xFFFFFFB0]  }
0x51: {  	[tilespmem:s9+$0xFFFFFF50] =	vst v0;
	v0 =	vmul.f32 $1.131370830e+01, v6;
	v6 =	vld [tilespmem:s9+$0xFFFFFFC0]  }
0x52: {  	[tilespmem:s9+$0xFFFFFF60] =	vst v3;
	v2 =	vmul.f32 $1.131370830e+01, v2;
	v3 =	vld [tilespmem:s9+$0xFFFFFFD0]  }
0x53: {  	[tilespmem:s9+$0xFFFFFF70] =	vst v0;
	v0 =	vmul.f32 $1.131370830e+01, v4;
	v4 =	vld [tilespmem:s9+$0xFFFFFFE0]  }
0x54: {  	[tilespmem:s9+$0xFFFFFF80] =	vst v2;
	v1 =	vmul.f32 $1.131370830e+01, v1;
	v2 =	vld [tilespmem:s9+$0xFFFFFFF0]  }
0x55: {  	[tilespmem:s9+$0xFFFFFF90] =	vst v0;
	v0 =	vmul.f32 $1.131370830e+01, v5;
	v5 =	vld [tilespmem:s9+$0x0]  }
0x56: {  	[tilespmem:s9+$0xFFFFFFA0] =	vst v1;
	v1 =	vmul.f32 $1.131370830e+01, v6;
	v6 =	vld [tilespmem:s9+$0x10]  }
0x57: {  	[tilespmem:s9+$0xFFFFFFB0] =	vst v0;
	v0 =	vmul.f32 $1.131370830e+01, v3;
	v3 =	vld [tilespmem:s9+$0x20]  }
0x58: {  	[tilespmem:s9+$0xFFFFFFC0] =	vst v1;
	v1 =	vmul.f32 $1.131370830e+01, v4;
	v4 =	vld [tilespmem:s9+$0x30]  }
0x59: {  	[tilespmem:s9+$0xFFFFFFD0] =	vst v0;
	v0 =	vmul.f32 $1.131370830e+01, v2;
	v2 =	vld [tilespmem:s9+$0x40]  }
0x5a: {  	[tilespmem:s9+$0xFFFFFFE0] =	vst v1;
	v1 =	vmul.f32 $1.131370830e+01, v5;
	v5 =	vld [tilespmem:s9+$0x50]  }
0x5b: {  	[tilespmem:s9+$0xFFFFFFF0] =	vst v0;
	v0 =	vmul.f32 $1.131370830e+01, v6;
	v6 =	vld [tilespmem:s9+$0x60]  }
0x5c: {  	[tilespmem:s9+$0x0] =	vst v1;
	v1 =	vmul.f32 $1.131370830e+01, v3;
	v3 =	vld [tilespmem:s9+$0x70]  }
0x5d: {  	[tilespmem:s9+$0x10] =	vst v0;
	v0 =	vmul.f32 $1.131370830e+01, v4;
	v4 =	vld [tilespmem:s9+$0x80]  }
0x5e: {  	[tilespmem:s9+$0x20] =	vst v1;
	v1 =	vmul.f32 $1.131370830e+01, v2;
	v7 =	vld [tilespmem:s9+$0x90]  }
0x5f: {  	[tilespmem:s9+$0x30] =	vst v0;
	v2 =	vmul.f32 $1.131370830e+01, v5;
	v8 =	vld [tilespmem:s9+$0xA0]  }
.Ltmp0:
0x60: {  	[tilespmem:s9+$0x40] =	vst v1;
	v5 =	vmul.f32 $1.131370830e+01, v6;
	v0 =	vld [tilespmem:s9+$0xB0];
	(pc) =	sbr.rel @p0 .LBB2_2-.Ltmp0, $4  }
0x61: {  	[tilespmem:s9+$0x50] =	vst v2;
	v3 =	vmul.f32 $1.131370830e+01, v3;
	v1 =	vld [tilespmem:s9+$0xC0]  }
0x62: {  	[tilespmem:s9+$0x60] =	vst v5;
	v6 =	vmul.f32 $1.131370830e+01, v4;
	v2 =	vld [tilespmem:s9+$0xD0]  }
0x63: {  	[tilespmem:s9+$0x70] =	vst v3;
	v5 =	vmul.f32 $1.131370830e+01, v7;
	v3 =	vld [tilespmem:s9+$0xE0]  }
0x64: {  	s9 =	sadd.s32 $0x200, s9;
	v4 =	vld [tilespmem:s6+$0xFFFFFF00];
	[tilespmem:s6+$0x80] =	vst v6;
	v6 =	vmul.f32 $1.131370830e+01, v8  }
0x65: {  	[tilespmem:s6+$0x90] =	vst v5;
	v0 =	vmul.f32 $1.131370830e+01, v0  }
0x66: {  	[tilespmem:s6+$0xA0] =	vst v6;
	v1 =	vmul.f32 $1.131370830e+01, v1  }
0x67: {  	[tilespmem:s6+$0xB0] =	vst v0;
	v0 =	vmul.f32 $1.131370830e+01, v2  }
0x68: {  	[tilespmem:s6+$0xC0] =	vst v1;
	v1 =	vmul.f32 $1.131370830e+01, v3  }
0x69: {  	v2 =	vmul.f32 $1.131370830e+01, v4;
	[tilespmem:s6+$0xD0] =	vst v0  }
0x6a: {  	[tilespmem:s6+$0xE0] =	vst v1  }
0x6b: {  	[tilespmem:s6+$0xFFFFFF00] =	vst v2  }
0x6c: {  	s6 =	rddreg [dreg:$0x5]  }
0x6d: {  	[hbm4b:s6+s4] =	stream.linear.scatter [tilespmem:s14], [sflag:$0x5], $0x6400, $0x38;
	[tilespmem:$0x1B000] =	vst v63  }
0x6e: {  	s11 =	simm.s32 $0x100  }
0x6f: {  	[tilespmem:s23], [sflag:$0x3] =	stream.indirect.gather [hbm4b:s2+s13], $0x80, s11, s13, $0xb8;
	[tilespmem:$0x1B000] =	vst v63  }
0x70: {  	s30 =	simm.s32 $0x500  }
0x71: {  	[tilespmem:s25], [sflag:$0x3] =	stream.indirect.gather [hbm4b:s2+s15], $0x80, s30, s15, $0xb8;
	[tilespmem:$0x1B000] =	vst v63  }
0x72: {  	_ =	swait.ge [sflag:s26], $0x6400  }
0x73: {  	[sflag:s26] =	ssyncset.done $0x0  }
0x74: {  	s6 =	simm.s32 $0x8500;
	[sflag:s26] =	ssyncadd.s32 $0xFFFF9C00  }
0x75: {  	v0 =	vld [tilespmem:s6+$0xF0]  }
0x76: {  	v1 =	vld [tilespmem:s6+$0xFFFFFF10]  }
0x77: {  	v2 =	vld [tilespmem:s6+$0xFFFFFF20]  }
0x78: {  	v3 =	vld [tilespmem:s6+$0xFFFFFF30]  }
0x79: {  	v6 =	vld [tilespmem:s6+$0xFFFFFF60]  }
0x7a: {  	v4 =	vld [tilespmem:s6+$0xFFFFFF40]  }
0x7b: {  	v5 =	vld [tilespmem:s6+$0xFFFFFF50];
	v0 =	vmul.f32 $1.131370830e+01, v0  }
0x7c: {  	v8 =	vld [tilespmem:s6+$0xFFFFFF80];
	v1 =	vmul.f32 $1.131370830e+01, v1  }
0x7d: {  	v7 =	vld [tilespmem:s6+$0xFFFFFF70];
	v2 =	vmul.f32 $1.131370830e+01, v2;
	[tilespmem:s6+$0xF0] =	vst v0  }
0x7e: {  	v6 =	vmul.f32 $1.131370830e+01, v6;
	v0 =	vld [tilespmem:s6+$0xFFFFFF90];
	[tilespmem:s6+$0xFFFFFF10] =	vst v1  }
0x7f: {  	v1 =	vmul.f32 $1.131370830e+01, v3;
	v3 =	vld [tilespmem:s6+$0xFFFFFFA0];
	[tilespmem:s6+$0xFFFFFF20] =	vst v2;
	v2 =	vmul.f32 $1.131370830e+01, v4  }
0x80: {  	[tilespmem:s6+$0xFFFFFF60] =	vst v6;
	v6 =	vld [tilespmem:s6+$0xFFFFFFF0]  }
0x81: {  	v4 =	vld [tilespmem:s6+$0xFFFFFFB0];
	[tilespmem:s6+$0xFFFFFF40] =	vst v2;
	v2 =	vmul.f32 $1.131370830e+01, v8  }
0x82: {  	[tilespmem:s6+$0xFFFFFF30] =	vst v1;
	v1 =	vmul.f32 $1.131370830e+01, v5;
	v5 =	vld [tilespmem:s6+$0xFFFFFFC0]  }
0x83: {  	v8 =	vld [tilespmem:s6+$0xFFFFFFD0];
	[tilespmem:s6+$0xFFFFFF80] =	vst v2;
	v2 =	vmul.f32 $1.131370830e+01, v7  }
0x84: {  	[tilespmem:s6+$0xFFFFFF50] =	vst v1;
	v1 =	vld [tilespmem:s6+$0xFFFFFFE0];
	v0 =	vmul.f32 $1.131370830e+01, v0  }
0x85: {  	v7 =	vld [tilespmem:s6+$0x30];
	v6 =	vmul.f32 $1.131370830e+01, v6;
	[tilespmem:s6+$0xFFFFFF70] =	vst v2  }
0x86: {  	v2 =	vmul.f32 $1.131370830e+01, v3;
	v3 =	vld [tilespmem:s6+$0x0];
	[tilespmem:s6+$0xFFFFFF90] =	vst v0  }
0x87: {  	v0 =	vmul.f32 $1.131370830e+01, v4;
	v4 =	vld [tilespmem:s6+$0x10];
	[tilespmem:s6+$0xFFFFFFF0] =	vst v6  }
0x88: {  	[tilespmem:s6+$0xFFFFFFA0] =	vst v2;
	v2 =	vmul.f32 $1.131370830e+01, v5;
	v5 =	vld [tilespmem:s6+$0x20]  }
0x89: {  	v6 =	vld [tilespmem:s6+$0x80];
	[tilespmem:s6+$0xFFFFFFB0] =	vst v0;
	v0 =	vmul.f32 $1.131370830e+01, v8  }
0x8a: {  	v1 =	vmul.f32 $1.131370830e+01, v1;
	[tilespmem:s6+$0xFFFFFFC0] =	vst v2;
	v2 =	vld [tilespmem:s6+$0x40]  }
0x8b: {  	[tilespmem:s6+$0xFFFFFFD0] =	vst v0;
	v0 =	vmul.f32 $1.131370830e+01, v3  }
0x8c: {  	v3 =	vld [tilespmem:s6+$0x50];
	[tilespmem:s6+$0xFFFFFFE0] =	vst v1;
	v4 =	vmul.f32 $1.131370830e+01, v4  }
0x8d: {  	v1 =	vld [tilespmem:s6+$0x60];
	[tilespmem:s6+$0x0] =	vst v0;
	v0 =	vmul.f32 $1.131370830e+01, v5  }
0x8e: {  	v6 =	vmul.f32 $1.131370830e+01, v6;
	v5 =	vld [tilespmem:s6+$0x70];
	[tilespmem:s6+$0x10] =	vst v4  }
0x8f: {  	v4 =	vmul.f32 $1.131370830e+01, v7;
	v7 =	vld [tilespmem:s6+$0x90];
	[tilespmem:s6+$0x20] =	vst v0;
	v0 =	vmul.f32 $1.131370830e+01, v2  }
0x90: {  	v8 =	vld [tilespmem:s6+$0xA0];
	[tilespmem:s6+$0x80] =	vst v6  }
0x91: {  	v2 =	vmul.f32 $1.131370830e+01, v3;
	[tilespmem:s6+$0x40] =	vst v0;
	v0 =	vld [tilespmem:s6+$0xB0]  }
0x92: {  	[tilespmem:s6+$0x30] =	vst v4;
	v3 =	vmul.f32 $1.131370830e+01, v1;
	v1 =	vld [tilespmem:s6+$0xC0]  }
0x93: {  	[tilespmem:s6+$0x50] =	vst v2;
	v4 =	vmul.f32 $1.131370830e+01, v5;
	v2 =	vld [tilespmem:s6+$0xD0]  }
0x94: {  	[tilespmem:s6+$0x60] =	vst v3;
	v3 =	vld [tilespmem:s6+$0xE0];
	v5 =	vmul.f32 $1.131370830e+01, v7  }
0x95: {  	s8 =	simm.s32 $0x0;
	s9 =	simm.s32 $0x8700;
	v6 =	vmul.f32 $1.131370830e+01, v8;
	[tilespmem:s6+$0x70] =	vst v4;
	v4 =	vld [tilespmem:s6+$0xFFFFFF00]  }
.LBB2_4:
0x96: {  	v7 =	vld [tilespmem:s9+$0xF0];
	s8 =	sadd.s32 $0x4, s8;
	[tilespmem:s6+$0x90] =	vst v5;
	v0 =	vmul.f32 $1.131370830e+01, v0  }
0x97: {  	v5 =	vld [tilespmem:s9+$0xFFFFFF10];
	p0 =	slt.u32 s8, $0xC4;
	[tilespmem:s6+$0xA0] =	vst v6;
	v1 =	vmul.f32 $1.131370830e+01, v1  }
0x98: {  	v6 =	vld [tilespmem:s9+$0xFFFFFF20];
	[tilespmem:s6+$0xB0] =	vst v0;
	v0 =	vmul.f32 $1.131370830e+01, v2  }
0x99: {  	v2 =	vld [tilespmem:s9+$0xFFFFFF30];
	[tilespmem:s6+$0xC0] =	vst v1;
	v1 =	vmul.f32 $1.131370830e+01, v3  }
0x9a: {  	v3 =	vld [tilespmem:s9+$0xFFFFFF40];
	v4 =	vmul.f32 $1.131370830e+01, v4;
	[tilespmem:s6+$0xD0] =	vst v0  }
0x9b: {  	v0 =	vld [tilespmem:s9+$0xFFFFFF50];
	v7 =	vmul.f32 $1.131370830e+01, v7;
	[tilespmem:s6+$0xE0] =	vst v1  }
0x9c: {  	v1 =	vmul.f32 $1.131370830e+01, v5;
	v5 =	vld [tilespmem:s9+$0xFFFFFF60];
	[tilespmem:s6+$0xFFFFFF00] =	vst v4;
	s6 =	smov.u32 s9  }
0x9d: {  	v4 =	vmul.f32 $1.131370830e+01, v6;
	v6 =	vld [tilespmem:s9+$0xFFFFFF70];
	[tilespmem:s9+$0xF0] =	vst v7  }
0x9e: {  	[tilespmem:s9+$0xFFFFFF10] =	vst v1;
	v1 =	vmul.f32 $1.131370830e+01, v2;
	v2 =	vld [tilespmem:s9+$0xFFFFFF80]  }
0x9f: {  	[tilespmem:s9+$0xFFFFFF20] =	vst v4;
	v3 =	vmul.f32 $1.131370830e+01, v3;
	v4 =	vld [tilespmem:s9+$0xFFFFFF90]  }
0xa0: {  	[tilespmem:s9+$0xFFFFFF30] =	vst v1;
	v0 =	vmul.f32 $1.131370830e+01, v0;
	v1 =	vld [tilespmem:s9+$0xFFFFFFA0]  }
0xa1: {  	[tilespmem:s9+$0xFFFFFF40] =	vst v3;
	v3 =	vmul.f32 $1.131370830e+01, v5;
	v5 =	vld [tilespmem:s9+$0xFFFFFFB0]  }
0xa2: {  	[tilespmem:s9+$0xFFFFFF50] =	vst v0;
	v0 =	vmul.f32 $1.131370830e+01, v6;
	v6 =	vld [tilespmem:s9+$0xFFFFFFC0]  }
0xa3: {  	[tilespmem:s9+$0xFFFFFF60] =	vst v3;
	v2 =	vmul.f32 $1.131370830e+01, v2;
	v3 =	vld [tilespmem:s9+$0xFFFFFFD0]  }
0xa4: {  	[tilespmem:s9+$0xFFFFFF70] =	vst v0;
	v0 =	vmul.f32 $1.131370830e+01, v4;
	v4 =	vld [tilespmem:s9+$0xFFFFFFE0]  }
0xa5: {  	[tilespmem:s9+$0xFFFFFF80] =	vst v2;
	v1 =	vmul.f32 $1.131370830e+01, v1;
	v2 =	vld [tilespmem:s9+$0xFFFFFFF0]  }
0xa6: {  	[tilespmem:s9+$0xFFFFFF90] =	vst v0;
	v0 =	vmul.f32 $1.131370830e+01, v5;
	v5 =	vld [tilespmem:s9+$0x0]  }
0xa7: {  	[tilespmem:s9+$0xFFFFFFA0] =	vst v1;
	v1 =	vmul.f32 $1.131370830e+01, v6;
	v6 =	vld [tilespmem:s9+$0x10]  }
0xa8: {  	[tilespmem:s9+$0xFFFFFFB0] =	vst v0;
	v0 =	vmul.f32 $1.131370830e+01, v3;
	v3 =	vld [tilespmem:s9+$0x20]  }
0xa9: {  	[tilespmem:s9+$0xFFFFFFC0] =	vst v1;
	v1 =	vmul.f32 $1.131370830e+01, v4;
	v4 =	vld [tilespmem:s9+$0x30]  }
0xaa: {  	[tilespmem:s9+$0xFFFFFFD0] =	vst v0;
	v0 =	vmul.f32 $1.131370830e+01, v2;
	v2 =	vld [tilespmem:s9+$0x40]  }
0xab: {  	[tilespmem:s9+$0xFFFFFFE0] =	vst v1;
	v1 =	vmul.f32 $1.131370830e+01, v5;
	v5 =	vld [tilespmem:s9+$0x50]  }
0xac: {  	[tilespmem:s9+$0xFFFFFFF0] =	vst v0;
	v0 =	vmul.f32 $1.131370830e+01, v6;
	v6 =	vld [tilespmem:s9+$0x60]  }
0xad: {  	[tilespmem:s9+$0x0] =	vst v1;
	v1 =	vmul.f32 $1.131370830e+01, v3;
	v3 =	vld [tilespmem:s9+$0x70]  }
0xae: {  	[tilespmem:s9+$0x10] =	vst v0;
	v0 =	vmul.f32 $1.131370830e+01, v4;
	v4 =	vld [tilespmem:s9+$0x80]  }
0xaf: {  	[tilespmem:s9+$0x20] =	vst v1;
	v1 =	vmul.f32 $1.131370830e+01, v2;
	v7 =	vld [tilespmem:s9+$0x90]  }
0xb0: {  	[tilespmem:s9+$0x30] =	vst v0;
	v2 =	vmul.f32 $1.131370830e+01, v5;
	v8 =	vld [tilespmem:s9+$0xA0]  }
.Ltmp1:
0xb1: {  	[tilespmem:s9+$0x40] =	vst v1;
	v5 =	vmul.f32 $1.131370830e+01, v6;
	v0 =	vld [tilespmem:s9+$0xB0];
	(pc) =	sbr.rel @p0 .LBB2_4-.Ltmp1, $4  }
0xb2: {  	[tilespmem:s9+$0x50] =	vst v2;
	v3 =	vmul.f32 $1.131370830e+01, v3;
	v1 =	vld [tilespmem:s9+$0xC0]  }
0xb3: {  	[tilespmem:s9+$0x60] =	vst v5;
	v6 =	vmul.f32 $1.131370830e+01, v4;
	v2 =	vld [tilespmem:s9+$0xD0]  }
0xb4: {  	[tilespmem:s9+$0x70] =	vst v3;
	v5 =	vmul.f32 $1.131370830e+01, v7;
	v3 =	vld [tilespmem:s9+$0xE0]  }
0xb5: {  	s9 =	sadd.s32 $0x200, s9;
	v4 =	vld [tilespmem:s6+$0xFFFFFF00];
	[tilespmem:s6+$0x80] =	vst v6;
	v6 =	vmul.f32 $1.131370830e+01, v8  }
0xb6: {  	[tilespmem:s6+$0x90] =	vst v5;
	v0 =	vmul.f32 $1.131370830e+01, v0  }
0xb7: {  	[tilespmem:s6+$0xA0] =	vst v6;
	v1 =	vmul.f32 $1.131370830e+01, v1  }
0xb8: {  	[tilespmem:s6+$0xB0] =	vst v0;
	v61 =	vmul.f32 $1.131370830e+01, v2  }
0xb9: {  	[tilespmem:s6+$0xC0] =	vst v1;
	v62 =	vmul.f32 $1.131370830e+01, v3  }
0xba: {  	v63 =	vmul.f32 $1.131370830e+01, v4;
	[tilespmem:s6+$0xD0] =	vst v61  }
0xbb: {  	[tilespmem:s6+$0xE0] =	vst v62  }
0xbc: {  	[tilespmem:s6+$0xFFFFFF00] =	vst v63  }
0xbd: {  	s30 =	simm.s32 $0x0;
	s6 =	rddreg [dreg:$0x6]  }
0xbe: {  	[hbm4b:s6+s30] =	stream.linear.scatter [tilespmem:s18], [sflag:$0x6], $0x6400, $0x38;
	[tilespmem:$0x1B000] =	vst v63  }
0xbf: {  	s10 =	simm.s32 $0x180  }
0xc0: {  	[tilespmem:s29], [sflag:$0x4] =	stream.indirect.gather [hbm4b:s2+s13], $0x80, s10, s13, $0xb8;
	[tilespmem:$0x1B000] =	vst v63  }
0xc1: {  	s11 =	simm.s32 $0x580  }
0xc2: {  	[tilespmem:s31], [sflag:$0x4] =	stream.indirect.gather [hbm4b:s2+s15], $0x80, s11, s15, $0xb8;
	[tilespmem:$0x1B000] =	vst v63  }
.LBB2_6:
0xc3: {  	_ =	swait.ge [sflag:s0], $0x6400  }
0xc4: {  	[sflag:s0] =	ssyncset.done $0x0  }
0xc5: {  	s9 =	simm.s32 $0xE900;
	[sflag:s0] =	ssyncadd.s32 $0xFFFF9C00  }
0xc6: {  	v0 =	vld [tilespmem:s9+$0xF0]  }
0xc7: {  	v1 =	vld [tilespmem:s9+$0xFFFFFF10]  }
0xc8: {  	v2 =	vld [tilespmem:s9+$0xFFFFFF20]  }
0xc9: {  	v3 =	vld [tilespmem:s9+$0xFFFFFF30]  }
0xca: {  	v6 =	vld [tilespmem:s9+$0xFFFFFF60]  }
0xcb: {  	v4 =	vld [tilespmem:s9+$0xFFFFFF40]  }
0xcc: {  	v5 =	vld [tilespmem:s9+$0xFFFFFF50];
	v0 =	vmul.f32 $1.131370830e+01, v0  }
0xcd: {  	v8 =	vld [tilespmem:s9+$0xFFFFFF80];
	v1 =	vmul.f32 $1.131370830e+01, v1  }
0xce: {  	v7 =	vld [tilespmem:s9+$0xFFFFFF70];
	v2 =	vmul.f32 $1.131370830e+01, v2;
	[tilespmem:s9+$0xF0] =	vst v0  }
0xcf: {  	v6 =	vmul.f32 $1.131370830e+01, v6;
	v0 =	vld [tilespmem:s9+$0xFFFFFF90];
	[tilespmem:s9+$0xFFFFFF10] =	vst v1  }
0xd0: {  	v1 =	vmul.f32 $1.131370830e+01, v3;
	v3 =	vld [tilespmem:s9+$0xFFFFFFA0];
	[tilespmem:s9+$0xFFFFFF20] =	vst v2;
	v2 =	vmul.f32 $1.131370830e+01, v4  }
0xd1: {  	[tilespmem:s9+$0xFFFFFF60] =	vst v6;
	v6 =	vld [tilespmem:s9+$0xFFFFFFF0]  }
0xd2: {  	v4 =	vld [tilespmem:s9+$0xFFFFFFB0];
	[tilespmem:s9+$0xFFFFFF40] =	vst v2;
	v2 =	vmul.f32 $1.131370830e+01, v8  }
0xd3: {  	[tilespmem:s9+$0xFFFFFF30] =	vst v1;
	v1 =	vmul.f32 $1.131370830e+01, v5;
	v5 =	vld [tilespmem:s9+$0xFFFFFFC0]  }
0xd4: {  	v8 =	vld [tilespmem:s9+$0xFFFFFFD0];
	[tilespmem:s9+$0xFFFFFF80] =	vst v2;
	v2 =	vmul.f32 $1.131370830e+01, v7  }
0xd5: {  	[tilespmem:s9+$0xFFFFFF50] =	vst v1;
	v1 =	vld [tilespmem:s9+$0xFFFFFFE0];
	v0 =	vmul.f32 $1.131370830e+01, v0  }
0xd6: {  	v7 =	vld [tilespmem:s9+$0x30];
	v6 =	vmul.f32 $1.131370830e+01, v6;
	[tilespmem:s9+$0xFFFFFF70] =	vst v2  }
0xd7: {  	v2 =	vmul.f32 $1.131370830e+01, v3;
	v3 =	vld [tilespmem:s9+$0x0];
	[tilespmem:s9+$0xFFFFFF90] =	vst v0  }
0xd8: {  	v0 =	vmul.f32 $1.131370830e+01, v4;
	v4 =	vld [tilespmem:s9+$0x10];
	[tilespmem:s9+$0xFFFFFFF0] =	vst v6  }
0xd9: {  	[tilespmem:s9+$0xFFFFFFA0] =	vst v2;
	v2 =	vmul.f32 $1.131370830e+01, v5;
	v5 =	vld [tilespmem:s9+$0x20]  }
0xda: {  	v6 =	vld [tilespmem:s9+$0x80];
	[tilespmem:s9+$0xFFFFFFB0] =	vst v0;
	v0 =	vmul.f32 $1.131370830e+01, v8  }
0xdb: {  	v1 =	vmul.f32 $1.131370830e+01, v1;
	[tilespmem:s9+$0xFFFFFFC0] =	vst v2;
	v2 =	vld [tilespmem:s9+$0x40]  }
0xdc: {  	[tilespmem:s9+$0xFFFFFFD0] =	vst v0;
	v0 =	vmul.f32 $1.131370830e+01, v3;
	v3 =	vld [tilespmem:s9+$0x50]  }
0xdd: {  	[tilespmem:s9+$0xFFFFFFE0] =	vst v1;
	v4 =	vmul.f32 $1.131370830e+01, v4  }
0xde: {  	v1 =	vld [tilespmem:s9+$0x60];
	[tilespmem:s9+$0x0] =	vst v0;
	v0 =	vmul.f32 $1.131370830e+01, v5  }
0xdf: {  	v6 =	vmul.f32 $1.131370830e+01, v6;
	v5 =	vld [tilespmem:s9+$0x70];
	[tilespmem:s9+$0x10] =	vst v4  }
0xe0: {  	v4 =	vmul.f32 $1.131370830e+01, v7;
	v7 =	vld [tilespmem:s9+$0x90];
	[tilespmem:s9+$0x20] =	vst v0;
	v0 =	vmul.f32 $1.131370830e+01, v2  }
0xe1: {  	v8 =	vld [tilespmem:s9+$0xA0];
	[tilespmem:s9+$0x80] =	vst v6;
	v3 =	vmul.f32 $1.131370830e+01, v3  }
0xe2: {  	v2 =	vld [tilespmem:s9+$0xB0];
	[tilespmem:s9+$0x40] =	vst v0  }
0xe3: {  	v0 =	vmul.f32 $1.131370830e+01, v1;
	[tilespmem:s9+$0x50] =	vst v3;
	v3 =	vld [tilespmem:s9+$0xC0]  }
0xe4: {  	[tilespmem:s9+$0x30] =	vst v4;
	v4 =	vld [tilespmem:s9+$0xD0];
	v1 =	vmul.f32 $1.131370830e+01, v5  }
0xe5: {  	[tilespmem:s9+$0x60] =	vst v0;
	v0 =	vld [tilespmem:s9+$0xE0];
	v5 =	vmul.f32 $1.131370830e+01, v7  }
0xe6: {  	s6 =	simm.s32 $0x0;
	s8 =	simm.s32 $0xEB00;
	v6 =	vmul.f32 $1.131370830e+01, v8;
	[tilespmem:s9+$0x70] =	vst v1;
	v1 =	vld [tilespmem:s9+$0xFFFFFF00]  }
.LBB2_7:
0xe7: {  	v7 =	vld [tilespmem:s8+$0xF0];
	s6 =	sadd.s32 $0x4, s6;
	[tilespmem:s9+$0x90] =	vst v5;
	v2 =	vmul.f32 $1.131370830e+01, v2  }
0xe8: {  	v5 =	vld [tilespmem:s8+$0xFFFFFF10];
	p0 =	slt.u32 s6, $0xC4;
	[tilespmem:s9+$0xA0] =	vst v6;
	v3 =	vmul.f32 $1.131370830e+01, v3  }
0xe9: {  	v6 =	vld [tilespmem:s8+$0xFFFFFF20];
	[tilespmem:s9+$0xB0] =	vst v2;
	v2 =	vmul.f32 $1.131370830e+01, v4  }
0xea: {  	v4 =	vld [tilespmem:s8+$0xFFFFFF30];
	[tilespmem:s9+$0xC0] =	vst v3;
	v0 =	vmul.f32 $1.131370830e+01, v0  }
0xeb: {  	v3 =	vld [tilespmem:s8+$0xFFFFFF40];
	v1 =	vmul.f32 $1.131370830e+01, v1;
	[tilespmem:s9+$0xD0] =	vst v2  }
0xec: {  	v2 =	vld [tilespmem:s8+$0xFFFFFF50];
	v7 =	vmul.f32 $1.131370830e+01, v7;
	[tilespmem:s9+$0xE0] =	vst v0  }
0xed: {  	v0 =	vmul.f32 $1.131370830e+01, v5;
	v5 =	vld [tilespmem:s8+$0xFFFFFF60];
	[tilespmem:s9+$0xFFFFFF00] =	vst v1;
	s9 =	smov.u32 s8  }
0xee: {  	v1 =	vmul.f32 $1.131370830e+01, v6;
	v6 =	vld [tilespmem:s8+$0xFFFFFF70];
	[tilespmem:s8+$0xF0] =	vst v7  }
0xef: {  	[tilespmem:s8+$0xFFFFFF10] =	vst v0;
	v0 =	vmul.f32 $1.131370830e+01, v4;
	v4 =	vld [tilespmem:s8+$0xFFFFFF80]  }
0xf0: {  	[tilespmem:s8+$0xFFFFFF20] =	vst v1;
	v1 =	vmul.f32 $1.131370830e+01, v3;
	v3 =	vld [tilespmem:s8+$0xFFFFFF90]  }
0xf1: {  	[tilespmem:s8+$0xFFFFFF30] =	vst v0;
	v0 =	vmul.f32 $1.131370830e+01, v2;
	v2 =	vld [tilespmem:s8+$0xFFFFFFA0]  }
0xf2: {  	[tilespmem:s8+$0xFFFFFF40] =	vst v1;
	v1 =	vmul.f32 $1.131370830e+01, v5;
	v5 =	vld [tilespmem:s8+$0xFFFFFFB0]  }
0xf3: {  	[tilespmem:s8+$0xFFFFFF50] =	vst v0;
	v0 =	vmul.f32 $1.131370830e+01, v6;
	v6 =	vld [tilespmem:s8+$0xFFFFFFC0]  }
0xf4: {  	[tilespmem:s8+$0xFFFFFF60] =	vst v1;
	v1 =	vmul.f32 $1.131370830e+01, v4;
	v4 =	vld [tilespmem:s8+$0xFFFFFFD0]  }
0xf5: {  	[tilespmem:s8+$0xFFFFFF70] =	vst v0;
	v0 =	vmul.f32 $1.131370830e+01, v3;
	v3 =	vld [tilespmem:s8+$0xFFFFFFE0]  }
0xf6: {  	[tilespmem:s8+$0xFFFFFF80] =	vst v1;
	v1 =	vmul.f32 $1.131370830e+01, v2;
	v2 =	vld [tilespmem:s8+$0xFFFFFFF0]  }
0xf7: {  	[tilespmem:s8+$0xFFFFFF90] =	vst v0;
	v0 =	vmul.f32 $1.131370830e+01, v5;
	v5 =	vld [tilespmem:s8+$0x0]  }
0xf8: {  	[tilespmem:s8+$0xFFFFFFA0] =	vst v1;
	v1 =	vmul.f32 $1.131370830e+01, v6;
	v6 =	vld [tilespmem:s8+$0x10]  }
0xf9: {  	[tilespmem:s8+$0xFFFFFFB0] =	vst v0;
	v0 =	vmul.f32 $1.131370830e+01, v4;
	v4 =	vld [tilespmem:s8+$0x20]  }
0xfa: {  	[tilespmem:s8+$0xFFFFFFC0] =	vst v1;
	v1 =	vmul.f32 $1.131370830e+01, v3;
	v3 =	vld [tilespmem:s8+$0x30]  }
0xfb: {  	[tilespmem:s8+$0xFFFFFFD0] =	vst v0;
	v0 =	vmul.f32 $1.131370830e+01, v2;
	v2 =	vld [tilespmem:s8+$0x40]  }
0xfc: {  	[tilespmem:s8+$0xFFFFFFE0] =	vst v1;
	v1 =	vmul.f32 $1.131370830e+01, v5;
	v5 =	vld [tilespmem:s8+$0x50]  }
0xfd: {  	[tilespmem:s8+$0xFFFFFFF0] =	vst v0;
	v0 =	vmul.f32 $1.131370830e+01, v6;
	v6 =	vld [tilespmem:s8+$0x60]  }
0xfe: {  	[tilespmem:s8+$0x0] =	vst v1;
	v1 =	vmul.f32 $1.131370830e+01, v4;
	v4 =	vld [tilespmem:s8+$0x70]  }
0xff: {  	[tilespmem:s8+$0x10] =	vst v0;
	v0 =	vmul.f32 $1.131370830e+01, v3;
	v7 =	vld [tilespmem:s8+$0x80]  }
0x100: {  	[tilespmem:s8+$0x20] =	vst v1;
	v1 =	vmul.f32 $1.131370830e+01, v2;
	v8 =	vld [tilespmem:s8+$0x90]  }
0x101: {  	[tilespmem:s8+$0x30] =	vst v0;
	v0 =	vmul.f32 $1.131370830e+01, v5;
	v9 =	vld [tilespmem:s8+$0xA0]  }
.Ltmp2:
0x102: {  	[tilespmem:s8+$0x40] =	vst v1;
	v1 =	vmul.f32 $1.131370830e+01, v6;
	v2 =	vld [tilespmem:s8+$0xB0];
	(pc) =	sbr.rel @p0 .LBB2_7-.Ltmp2, $4  }
0x103: {  	[tilespmem:s8+$0x50] =	vst v0;
	v0 =	vmul.f32 $1.131370830e+01, v4;
	v3 =	vld [tilespmem:s8+$0xC0]  }
0x104: {  	[tilespmem:s8+$0x60] =	vst v1;
	v6 =	vmul.f32 $1.131370830e+01, v7;
	v4 =	vld [tilespmem:s8+$0xD0]  }
0x105: {  	[tilespmem:s8+$0x70] =	vst v0;
	v5 =	vmul.f32 $1.131370830e+01, v8;
	v0 =	vld [tilespmem:s8+$0xE0]  }
0x106: {  	s8 =	sadd.s32 $0x200, s8;
	v1 =	vld [tilespmem:s9+$0xFFFFFF00];
	[tilespmem:s9+$0x80] =	vst v6;
	v6 =	vmul.f32 $1.131370830e+01, v9  }
0x107: {  	[tilespmem:s9+$0x90] =	vst v5;
	v2 =	vmul.f32 $1.131370830e+01, v2  }
0x108: {  	s6 =	sshll.u32 s30, $0x2;
	[tilespmem:s9+$0xA0] =	vst v6;
	v3 =	vmul.f32 $1.131370830e+01, v3  }
0x109: {  	s7 =	sadd.s32 s6, s5;
	[tilespmem:s9+$0xB0] =	vst v2;
	v2 =	vmul.f32 $1.131370830e+01, v4  }
0x10a: {  	s7 =	smul.u32 $0xC80, s7;
	[tilespmem:s9+$0xC0] =	vst v3;
	v0 =	vmul.f32 $1.131370830e+01, v0  }
0x10b: {  	v1 =	vmul.f32 $1.131370830e+01, v1;
	[tilespmem:s9+$0xD0] =	vst v2  }
0x10c: {  	s8 =	sadd.s32 s3, s7;
	[tilespmem:s9+$0xE0] =	vst v0  }
0x10d: {  	s7 =	sadd.s32 $0x1900, s8;
	[tilespmem:s9+$0xFFFFFF00] =	vst v1;
	s9 =	sadd.s32 $0x4, s6  }
0x10e: {  	[hbm4b:s7+s4] =	stream.linear.scatter [tilespmem:s23], [sflag:$0x7], $0x6400, $0x38;
	[tilespmem:$0x1B000] =	vst v63  }
0x10f: {  	s7 =	sshll.u32 s9, $0x8;
	s10 =	sshll.u32 s9, $0x7;
	_ =	swait.ge [sflag:s1], $0x6400  }
0x110: {  	s11 =	sand.u32 $0x3800, s7;
	s10 =	sand.u32 $0x200, s10;
	[sflag:s1] =	ssyncset.done $0x0  }
0x111: {  	s11 =	sor.u32 s10, s11;
	s7 =	sor.u32 s10, s7;
	[sflag:s1] =	ssyncadd.s32 $0xFFFF9C00  }
0x112: {  	[tilespmem:s14], [sflag:$0x1] =	stream.indirect.gather [hbm4b:s2+s13], $0x80, s11, s13, $0xb8;
	[tilespmem:$0x1B000] =	vst v63  }
0x113: {  	s7 =	sor.u32 $0x400, s7  }
0x114: {  	[tilespmem:s17], [sflag:$0x1] =	stream.indirect.gather [hbm4b:s2+s15], $0x80, s7, s15, $0xb8;
	[tilespmem:$0x1B000] =	vst v63  }
0x115: {  	_ =	swait.ge [sflag:s16], $0x6400  }
0x116: {  	[sflag:s16] =	ssyncset.done $0x0  }
0x117: {  	s10 =	simm.s32 $0x14D00;
	[sflag:s16] =	ssyncadd.s32 $0xFFFF9C00  }
0x118: {  	v0 =	vld [tilespmem:s10+$0xF0]  }
0x119: {  	v1 =	vld [tilespmem:s10+$0xFFFFFF10]  }
0x11a: {  	v2 =	vld [tilespmem:s10+$0xFFFFFF20]  }
0x11b: {  	v3 =	vld [tilespmem:s10+$0xFFFFFF30]  }
0x11c: {  	v6 =	vld [tilespmem:s10+$0xFFFFFF60]  }
0x11d: {  	v4 =	vld [tilespmem:s10+$0xFFFFFF40]  }
0x11e: {  	v5 =	vld [tilespmem:s10+$0xFFFFFF50];
	v0 =	vmul.f32 $1.131370830e+01, v0  }
0x11f: {  	v8 =	vld [tilespmem:s10+$0xFFFFFF80];
	v1 =	vmul.f32 $1.131370830e+01, v1  }
0x120: {  	v7 =	vld [tilespmem:s10+$0xFFFFFF70];
	v2 =	vmul.f32 $1.131370830e+01, v2;
	[tilespmem:s10+$0xF0] =	vst v0  }
0x121: {  	v6 =	vmul.f32 $1.131370830e+01, v6;
	v0 =	vld [tilespmem:s10+$0xFFFFFF90];
	[tilespmem:s10+$0xFFFFFF10] =	vst v1  }
0x122: {  	v1 =	vmul.f32 $1.131370830e+01, v3;
	v3 =	vld [tilespmem:s10+$0xFFFFFFA0];
	[tilespmem:s10+$0xFFFFFF20] =	vst v2;
	v2 =	vmul.f32 $1.131370830e+01, v4  }
0x123: {  	[tilespmem:s10+$0xFFFFFF60] =	vst v6;
	v6 =	vld [tilespmem:s10+$0xFFFFFFF0]  }
0x124: {  	v4 =	vld [tilespmem:s10+$0xFFFFFFB0];
	[tilespmem:s10+$0xFFFFFF40] =	vst v2;
	v2 =	vmul.f32 $1.131370830e+01, v8  }
0x125: {  	[tilespmem:s10+$0xFFFFFF30] =	vst v1;
	v1 =	vmul.f32 $1.131370830e+01, v5;
	v5 =	vld [tilespmem:s10+$0xFFFFFFC0]  }
0x126: {  	v8 =	vld [tilespmem:s10+$0xFFFFFFD0];
	[tilespmem:s10+$0xFFFFFF80] =	vst v2;
	v2 =	vmul.f32 $1.131370830e+01, v7  }
0x127: {  	[tilespmem:s10+$0xFFFFFF50] =	vst v1;
	v1 =	vld [tilespmem:s10+$0xFFFFFFE0];
	v0 =	vmul.f32 $1.131370830e+01, v0  }
0x128: {  	v7 =	vld [tilespmem:s10+$0x30];
	v6 =	vmul.f32 $1.131370830e+01, v6;
	[tilespmem:s10+$0xFFFFFF70] =	vst v2  }
0x129: {  	v2 =	vmul.f32 $1.131370830e+01, v3;
	v3 =	vld [tilespmem:s10+$0x0];
	[tilespmem:s10+$0xFFFFFF90] =	vst v0  }
0x12a: {  	v0 =	vmul.f32 $1.131370830e+01, v4;
	v4 =	vld [tilespmem:s10+$0x10];
	[tilespmem:s10+$0xFFFFFFF0] =	vst v6  }
0x12b: {  	[tilespmem:s10+$0xFFFFFFA0] =	vst v2;
	v2 =	vmul.f32 $1.131370830e+01, v5;
	v5 =	vld [tilespmem:s10+$0x20]  }
0x12c: {  	v6 =	vld [tilespmem:s10+$0x80];
	[tilespmem:s10+$0xFFFFFFB0] =	vst v0;
	v0 =	vmul.f32 $1.131370830e+01, v8  }
0x12d: {  	v1 =	vmul.f32 $1.131370830e+01, v1;
	[tilespmem:s10+$0xFFFFFFC0] =	vst v2;
	v2 =	vld [tilespmem:s10+$0x40]  }
0x12e: {  	[tilespmem:s10+$0xFFFFFFD0] =	vst v0;
	v0 =	vmul.f32 $1.131370830e+01, v3  }
0x12f: {  	v3 =	vld [tilespmem:s10+$0x50];
	[tilespmem:s10+$0xFFFFFFE0] =	vst v1;
	v4 =	vmul.f32 $1.131370830e+01, v4  }
0x130: {  	v1 =	vld [tilespmem:s10+$0x60];
	[tilespmem:s10+$0x0] =	vst v0;
	v0 =	vmul.f32 $1.131370830e+01, v5  }
0x131: {  	v6 =	vmul.f32 $1.131370830e+01, v6;
	v5 =	vld [tilespmem:s10+$0x70];
	[tilespmem:s10+$0x10] =	vst v4  }
0x132: {  	v4 =	vmul.f32 $1.131370830e+01, v7;
	v7 =	vld [tilespmem:s10+$0x90];
	[tilespmem:s10+$0x20] =	vst v0;
	v0 =	vmul.f32 $1.131370830e+01, v2  }
0x133: {  	v8 =	vld [tilespmem:s10+$0xA0];
	[tilespmem:s10+$0x80] =	vst v6  }
0x134: {  	v2 =	vmul.f32 $1.131370830e+01, v3;
	[tilespmem:s10+$0x40] =	vst v0;
	v0 =	vld [tilespmem:s10+$0xB0]  }
0x135: {  	[tilespmem:s10+$0x30] =	vst v4;
	v3 =	vmul.f32 $1.131370830e+01, v1;
	v1 =	vld [tilespmem:s10+$0xC0]  }
0x136: {  	[tilespmem:s10+$0x50] =	vst v2;
	v4 =	vmul.f32 $1.131370830e+01, v5;
	v2 =	vld [tilespmem:s10+$0xD0]  }
0x137: {  	[tilespmem:s10+$0x60] =	vst v3;
	v3 =	vld [tilespmem:s10+$0xE0];
	v5 =	vmul.f32 $1.131370830e+01, v7  }
0x138: {  	s11 =	simm.s32 $0x0;
	s7 =	simm.s32 $0x14F00;
	v6 =	vmul.f32 $1.131370830e+01, v8;
	[tilespmem:s10+$0x70] =	vst v4;
	v4 =	vld [tilespmem:s10+$0xFFFFFF00]  }
.LBB2_9:
0x139: {  	v7 =	vld [tilespmem:s7+$0xF0];
	s11 =	sadd.s32 $0x4, s11;
	[tilespmem:s10+$0x90] =	vst v5;
	v0 =	vmul.f32 $1.131370830e+01, v0  }
0x13a: {  	v5 =	vld [tilespmem:s7+$0xFFFFFF10];
	p0 =	slt.u32 s11, $0xC4;
	[tilespmem:s10+$0xA0] =	vst v6;
	v1 =	vmul.f32 $1.131370830e+01, v1  }
0x13b: {  	v6 =	vld [tilespmem:s7+$0xFFFFFF20];
	[tilespmem:s10+$0xB0] =	vst v0;
	v0 =	vmul.f32 $1.131370830e+01, v2  }
0x13c: {  	v2 =	vld [tilespmem:s7+$0xFFFFFF30];
	[tilespmem:s10+$0xC0] =	vst v1;
	v1 =	vmul.f32 $1.131370830e+01, v3  }
0x13d: {  	v3 =	vld [tilespmem:s7+$0xFFFFFF40];
	v4 =	vmul.f32 $1.131370830e+01, v4;
	[tilespmem:s10+$0xD0] =	vst v0  }
0x13e: {  	v0 =	vld [tilespmem:s7+$0xFFFFFF50];
	v7 =	vmul.f32 $1.131370830e+01, v7;
	[tilespmem:s10+$0xE0] =	vst v1  }
0x13f: {  	v1 =	vmul.f32 $1.131370830e+01, v5;
	v5 =	vld [tilespmem:s7+$0xFFFFFF60];
	[tilespmem:s10+$0xFFFFFF00] =	vst v4;
	s10 =	smov.u32 s7  }
0x140: {  	v4 =	vmul.f32 $1.131370830e+01, v6;
	v6 =	vld [tilespmem:s7+$0xFFFFFF70];
	[tilespmem:s7+$0xF0] =	vst v7  }
0x141: {  	[tilespmem:s7+$0xFFFFFF10] =	vst v1;
	v1 =	vmul.f32 $1.131370830e+01, v2;
	v2 =	vld [tilespmem:s7+$0xFFFFFF80]  }
0x142: {  	[tilespmem:s7+$0xFFFFFF20] =	vst v4;
	v3 =	vmul.f32 $1.131370830e+01, v3;
	v4 =	vld [tilespmem:s7+$0xFFFFFF90]  }
0x143: {  	[tilespmem:s7+$0xFFFFFF30] =	vst v1;
	v0 =	vmul.f32 $1.131370830e+01, v0;
	v1 =	vld [tilespmem:s7+$0xFFFFFFA0]  }
0x144: {  	[tilespmem:s7+$0xFFFFFF40] =	vst v3;
	v3 =	vmul.f32 $1.131370830e+01, v5;
	v5 =	vld [tilespmem:s7+$0xFFFFFFB0]  }
0x145: {  	[tilespmem:s7+$0xFFFFFF50] =	vst v0;
	v0 =	vmul.f32 $1.131370830e+01, v6;
	v6 =	vld [tilespmem:s7+$0xFFFFFFC0]  }
0x146: {  	[tilespmem:s7+$0xFFFFFF60] =	vst v3;
	v2 =	vmul.f32 $1.131370830e+01, v2;
	v3 =	vld [tilespmem:s7+$0xFFFFFFD0]  }
0x147: {  	[tilespmem:s7+$0xFFFFFF70] =	vst v0;
	v0 =	vmul.f32 $1.131370830e+01, v4;
	v4 =	vld [tilespmem:s7+$0xFFFFFFE0]  }
0x148: {  	[tilespmem:s7+$0xFFFFFF80] =	vst v2;
	v1 =	vmul.f32 $1.131370830e+01, v1;
	v2 =	vld [tilespmem:s7+$0xFFFFFFF0]  }
0x149: {  	[tilespmem:s7+$0xFFFFFF90] =	vst v0;
	v0 =	vmul.f32 $1.131370830e+01, v5;
	v5 =	vld [tilespmem:s7+$0x0]  }
0x14a: {  	[tilespmem:s7+$0xFFFFFFA0] =	vst v1;
	v1 =	vmul.f32 $1.131370830e+01, v6;
	v6 =	vld [tilespmem:s7+$0x10]  }
0x14b: {  	[tilespmem:s7+$0xFFFFFFB0] =	vst v0;
	v0 =	vmul.f32 $1.131370830e+01, v3;
	v3 =	vld [tilespmem:s7+$0x20]  }
0x14c: {  	[tilespmem:s7+$0xFFFFFFC0] =	vst v1;
	v1 =	vmul.f32 $1.131370830e+01, v4;
	v4 =	vld [tilespmem:s7+$0x30]  }
0x14d: {  	[tilespmem:s7+$0xFFFFFFD0] =	vst v0;
	v0 =	vmul.f32 $1.131370830e+01, v2;
	v2 =	vld [tilespmem:s7+$0x40]  }
0x14e: {  	[tilespmem:s7+$0xFFFFFFE0] =	vst v1;
	v1 =	vmul.f32 $1.131370830e+01, v5;
	v5 =	vld [tilespmem:s7+$0x50]  }
0x14f: {  	[tilespmem:s7+$0xFFFFFFF0] =	vst v0;
	v0 =	vmul.f32 $1.131370830e+01, v6;
	v6 =	vld [tilespmem:s7+$0x60]  }
0x150: {  	[tilespmem:s7+$0x0] =	vst v1;
	v1 =	vmul.f32 $1.131370830e+01, v3;
	v3 =	vld [tilespmem:s7+$0x70]  }
0x151: {  	[tilespmem:s7+$0x10] =	vst v0;
	v0 =	vmul.f32 $1.131370830e+01, v4;
	v4 =	vld [tilespmem:s7+$0x80]  }
0x152: {  	[tilespmem:s7+$0x20] =	vst v1;
	v1 =	vmul.f32 $1.131370830e+01, v2;
	v7 =	vld [tilespmem:s7+$0x90]  }
0x153: {  	[tilespmem:s7+$0x30] =	vst v0;
	v2 =	vmul.f32 $1.131370830e+01, v5;
	v8 =	vld [tilespmem:s7+$0xA0]  }
.Ltmp3:
0x154: {  	[tilespmem:s7+$0x40] =	vst v1;
	v5 =	vmul.f32 $1.131370830e+01, v6;
	v0 =	vld [tilespmem:s7+$0xB0];
	(pc) =	sbr.rel @p0 .LBB2_9-.Ltmp3, $4  }
0x155: {  	[tilespmem:s7+$0x50] =	vst v2;
	v3 =	vmul.f32 $1.131370830e+01, v3;
	v1 =	vld [tilespmem:s7+$0xC0]  }
0x156: {  	[tilespmem:s7+$0x60] =	vst v5;
	v6 =	vmul.f32 $1.131370830e+01, v4;
	v2 =	vld [tilespmem:s7+$0xD0]  }
0x157: {  	[tilespmem:s7+$0x70] =	vst v3;
	v5 =	vmul.f32 $1.131370830e+01, v7;
	v3 =	vld [tilespmem:s7+$0xE0]  }
0x158: {  	s7 =	sadd.s32 $0x200, s7;
	v4 =	vld [tilespmem:s10+$0xFFFFFF00];
	[tilespmem:s10+$0x80] =	vst v6;
	v6 =	vmul.f32 $1.131370830e+01, v8  }
0x159: {  	[tilespmem:s10+$0x90] =	vst v5;
	v0 =	vmul.f32 $1.131370830e+01, v0  }
0x15a: {  	[tilespmem:s10+$0xA0] =	vst v6;
	v1 =	vmul.f32 $1.131370830e+01, v1  }
0x15b: {  	[tilespmem:s10+$0xB0] =	vst v0;
	v0 =	vmul.f32 $1.131370830e+01, v2  }
0x15c: {  	[tilespmem:s10+$0xC0] =	vst v1;
	v1 =	vmul.f32 $1.131370830e+01, v3  }
0x15d: {  	v2 =	vmul.f32 $1.131370830e+01, v4;
	[tilespmem:s10+$0xD0] =	vst v0  }
0x15e: {  	[tilespmem:s10+$0xE0] =	vst v1  }
0x15f: {  	s7 =	sadd.s32 $0x2580, s8;
	s8 =	sadd.s32 $0x5, s6;
	[tilespmem:s10+$0xFFFFFF00] =	vst v2  }
0x160: {  	[hbm4b:s7+s4] =	stream.linear.scatter [tilespmem:s29], [sflag:$0x8], $0x6400, $0x38;
	[tilespmem:$0x1B000] =	vst v63  }
0x161: {  	s11 =	sshll.u32 s8, $0x7;
	s10 =	sshll.u32 s8, $0x8;
	_ =	swait.ge [sflag:s19], $0x6400  }
0x162: {  	s7 =	sand.u32 $0x3800, s10;
	s10 =	sand.u32 $0x280, s11;
	[sflag:s19] =	ssyncset.done $0x0  }
0x163: {  	s7 =	sor.u32 s10, s7;
	[sflag:s19] =	ssyncadd.s32 $0xFFFF9C00  }
0x164: {  	[tilespmem:s18], [sflag:$0x2] =	stream.indirect.gather [hbm4b:s2+s13], $0x80, s7, s13, $0xb8;
	[tilespmem:$0x1B000] =	vst v63  }
0x165: {  	s7 =	sor.u32 $0x400, s7  }
0x166: {  	[tilespmem:s20], [sflag:$0x2] =	stream.indirect.gather [hbm4b:s2+s15], $0x80, s7, s15, $0xb8;
	[tilespmem:$0x1B000] =	vst v63  }
0x167: {  	_ =	swait.ge [sflag:s21], $0x6400  }
0x168: {  	[sflag:s21] =	ssyncset.done $0x0  }
0x169: {  	s10 =	simm.s32 $0x2100;
	[sflag:s21] =	ssyncadd.s32 $0xFFFF9C00  }
0x16a: {  	v0 =	vld [tilespmem:s10+$0xF0]  }
0x16b: {  	v1 =	vld [tilespmem:s10+$0xFFFFFF10]  }
0x16c: {  	v2 =	vld [tilespmem:s10+$0xFFFFFF20]  }
0x16d: {  	v3 =	vld [tilespmem:s10+$0xFFFFFF30]  }
0x16e: {  	v6 =	vld [tilespmem:s10+$0xFFFFFF60]  }
0x16f: {  	v4 =	vld [tilespmem:s10+$0xFFFFFF40]  }
0x170: {  	v5 =	vld [tilespmem:s10+$0xFFFFFF50];
	v0 =	vmul.f32 $1.131370830e+01, v0  }
0x171: {  	v8 =	vld [tilespmem:s10+$0xFFFFFF80];
	v1 =	vmul.f32 $1.131370830e+01, v1  }
0x172: {  	v7 =	vld [tilespmem:s10+$0xFFFFFF70];
	v2 =	vmul.f32 $1.131370830e+01, v2;
	[tilespmem:s10+$0xF0] =	vst v0  }
0x173: {  	v6 =	vmul.f32 $1.131370830e+01, v6;
	v0 =	vld [tilespmem:s10+$0xFFFFFF90];
	[tilespmem:s10+$0xFFFFFF10] =	vst v1  }
0x174: {  	v1 =	vmul.f32 $1.131370830e+01, v3;
	v3 =	vld [tilespmem:s10+$0xFFFFFFA0];
	[tilespmem:s10+$0xFFFFFF20] =	vst v2;
	v2 =	vmul.f32 $1.131370830e+01, v4  }
0x175: {  	[tilespmem:s10+$0xFFFFFF60] =	vst v6;
	v6 =	vld [tilespmem:s10+$0xFFFFFFF0]  }
0x176: {  	v4 =	vld [tilespmem:s10+$0xFFFFFFB0];
	[tilespmem:s10+$0xFFFFFF40] =	vst v2;
	v2 =	vmul.f32 $1.131370830e+01, v8  }
0x177: {  	[tilespmem:s10+$0xFFFFFF30] =	vst v1;
	v1 =	vmul.f32 $1.131370830e+01, v5;
	v5 =	vld [tilespmem:s10+$0xFFFFFFC0]  }
0x178: {  	v8 =	vld [tilespmem:s10+$0xFFFFFFD0];
	[tilespmem:s10+$0xFFFFFF80] =	vst v2;
	v2 =	vmul.f32 $1.131370830e+01, v7  }
0x179: {  	[tilespmem:s10+$0xFFFFFF50] =	vst v1;
	v1 =	vld [tilespmem:s10+$0xFFFFFFE0];
	v0 =	vmul.f32 $1.131370830e+01, v0  }
0x17a: {  	v7 =	vld [tilespmem:s10+$0x30];
	v6 =	vmul.f32 $1.131370830e+01, v6;
	[tilespmem:s10+$0xFFFFFF70] =	vst v2  }
0x17b: {  	v2 =	vmul.f32 $1.131370830e+01, v3;
	v3 =	vld [tilespmem:s10+$0x0];
	[tilespmem:s10+$0xFFFFFF90] =	vst v0  }
0x17c: {  	v0 =	vmul.f32 $1.131370830e+01, v4;
	v4 =	vld [tilespmem:s10+$0x10];
	[tilespmem:s10+$0xFFFFFFF0] =	vst v6  }
0x17d: {  	[tilespmem:s10+$0xFFFFFFA0] =	vst v2;
	v2 =	vmul.f32 $1.131370830e+01, v5;
	v5 =	vld [tilespmem:s10+$0x20]  }
0x17e: {  	v6 =	vld [tilespmem:s10+$0x80];
	[tilespmem:s10+$0xFFFFFFB0] =	vst v0;
	v0 =	vmul.f32 $1.131370830e+01, v8  }
0x17f: {  	v1 =	vmul.f32 $1.131370830e+01, v1;
	[tilespmem:s10+$0xFFFFFFC0] =	vst v2;
	v2 =	vld [tilespmem:s10+$0x40]  }
0x180: {  	[tilespmem:s10+$0xFFFFFFD0] =	vst v0;
	v0 =	vmul.f32 $1.131370830e+01, v3  }
0x181: {  	v3 =	vld [tilespmem:s10+$0x50];
	[tilespmem:s10+$0xFFFFFFE0] =	vst v1;
	v4 =	vmul.f32 $1.131370830e+01, v4  }
0x182: {  	v1 =	vld [tilespmem:s10+$0x60];
	[tilespmem:s10+$0x0] =	vst v0;
	v0 =	vmul.f32 $1.131370830e+01, v5  }
0x183: {  	v6 =	vmul.f32 $1.131370830e+01, v6;
	v5 =	vld [tilespmem:s10+$0x70];
	[tilespmem:s10+$0x10] =	vst v4  }
0x184: {  	v4 =	vmul.f32 $1.131370830e+01, v7;
	v7 =	vld [tilespmem:s10+$0x90];
	[tilespmem:s10+$0x20] =	vst v0;
	v0 =	vmul.f32 $1.131370830e+01, v2  }
0x185: {  	v8 =	vld [tilespmem:s10+$0xA0];
	[tilespmem:s10+$0x80] =	vst v6  }
0x186: {  	v2 =	vmul.f32 $1.131370830e+01, v3;
	[tilespmem:s10+$0x40] =	vst v0;
	v0 =	vld [tilespmem:s10+$0xB0]  }
0x187: {  	[tilespmem:s10+$0x30] =	vst v4;
	v3 =	vmul.f32 $1.131370830e+01, v1;
	v1 =	vld [tilespmem:s10+$0xC0]  }
0x188: {  	[tilespmem:s10+$0x50] =	vst v2;
	v4 =	vmul.f32 $1.131370830e+01, v5;
	v2 =	vld [tilespmem:s10+$0xD0]  }
0x189: {  	[tilespmem:s10+$0x60] =	vst v3;
	v3 =	vld [tilespmem:s10+$0xE0];
	v5 =	vmul.f32 $1.131370830e+01, v7  }
0x18a: {  	s11 =	simm.s32 $0x0;
	s7 =	simm.s32 $0x2300;
	v6 =	vmul.f32 $1.131370830e+01, v8;
	[tilespmem:s10+$0x70] =	vst v4;
	v4 =	vld [tilespmem:s10+$0xFFFFFF00]  }
.LBB2_11:
0x18b: {  	v7 =	vld [tilespmem:s7+$0xF0];
	s11 =	sadd.s32 $0x4, s11;
	[tilespmem:s10+$0x90] =	vst v5;
	v0 =	vmul.f32 $1.131370830e+01, v0  }
0x18c: {  	v5 =	vld [tilespmem:s7+$0xFFFFFF10];
	p0 =	slt.u32 s11, $0xC4;
	[tilespmem:s10+$0xA0] =	vst v6;
	v1 =	vmul.f32 $1.131370830e+01, v1  }
0x18d: {  	v6 =	vld [tilespmem:s7+$0xFFFFFF20];
	[tilespmem:s10+$0xB0] =	vst v0;
	v0 =	vmul.f32 $1.131370830e+01, v2  }
0x18e: {  	v2 =	vld [tilespmem:s7+$0xFFFFFF30];
	[tilespmem:s10+$0xC0] =	vst v1;
	v1 =	vmul.f32 $1.131370830e+01, v3  }
0x18f: {  	v3 =	vld [tilespmem:s7+$0xFFFFFF40];
	v4 =	vmul.f32 $1.131370830e+01, v4;
	[tilespmem:s10+$0xD0] =	vst v0  }
0x190: {  	v0 =	vld [tilespmem:s7+$0xFFFFFF50];
	v7 =	vmul.f32 $1.131370830e+01, v7;
	[tilespmem:s10+$0xE0] =	vst v1  }
0x191: {  	v1 =	vmul.f32 $1.131370830e+01, v5;
	v5 =	vld [tilespmem:s7+$0xFFFFFF60];
	[tilespmem:s10+$0xFFFFFF00] =	vst v4;
	s10 =	smov.u32 s7  }
0x192: {  	v4 =	vmul.f32 $1.131370830e+01, v6;
	v6 =	vld [tilespmem:s7+$0xFFFFFF70];
	[tilespmem:s7+$0xF0] =	vst v7  }
0x193: {  	[tilespmem:s7+$0xFFFFFF10] =	vst v1;
	v1 =	vmul.f32 $1.131370830e+01, v2;
	v2 =	vld [tilespmem:s7+$0xFFFFFF80]  }
0x194: {  	[tilespmem:s7+$0xFFFFFF20] =	vst v4;
	v3 =	vmul.f32 $1.131370830e+01, v3;
	v4 =	vld [tilespmem:s7+$0xFFFFFF90]  }
0x195: {  	[tilespmem:s7+$0xFFFFFF30] =	vst v1;
	v0 =	vmul.f32 $1.131370830e+01, v0;
	v1 =	vld [tilespmem:s7+$0xFFFFFFA0]  }
0x196: {  	[tilespmem:s7+$0xFFFFFF40] =	vst v3;
	v3 =	vmul.f32 $1.131370830e+01, v5;
	v5 =	vld [tilespmem:s7+$0xFFFFFFB0]  }
0x197: {  	[tilespmem:s7+$0xFFFFFF50] =	vst v0;
	v0 =	vmul.f32 $1.131370830e+01, v6;
	v6 =	vld [tilespmem:s7+$0xFFFFFFC0]  }
0x198: {  	[tilespmem:s7+$0xFFFFFF60] =	vst v3;
	v2 =	vmul.f32 $1.131370830e+01, v2;
	v3 =	vld [tilespmem:s7+$0xFFFFFFD0]  }
0x199: {  	[tilespmem:s7+$0xFFFFFF70] =	vst v0;
	v0 =	vmul.f32 $1.131370830e+01, v4;
	v4 =	vld [tilespmem:s7+$0xFFFFFFE0]  }
0x19a: {  	[tilespmem:s7+$0xFFFFFF80] =	vst v2;
	v1 =	vmul.f32 $1.131370830e+01, v1;
	v2 =	vld [tilespmem:s7+$0xFFFFFFF0]  }
0x19b: {  	[tilespmem:s7+$0xFFFFFF90] =	vst v0;
	v0 =	vmul.f32 $1.131370830e+01, v5;
	v5 =	vld [tilespmem:s7+$0x0]  }
0x19c: {  	[tilespmem:s7+$0xFFFFFFA0] =	vst v1;
	v1 =	vmul.f32 $1.131370830e+01, v6;
	v6 =	vld [tilespmem:s7+$0x10]  }
0x19d: {  	[tilespmem:s7+$0xFFFFFFB0] =	vst v0;
	v0 =	vmul.f32 $1.131370830e+01, v3;
	v3 =	vld [tilespmem:s7+$0x20]  }
0x19e: {  	[tilespmem:s7+$0xFFFFFFC0] =	vst v1;
	v1 =	vmul.f32 $1.131370830e+01, v4;
	v4 =	vld [tilespmem:s7+$0x30]  }
0x19f: {  	[tilespmem:s7+$0xFFFFFFD0] =	vst v0;
	v0 =	vmul.f32 $1.131370830e+01, v2;
	v2 =	vld [tilespmem:s7+$0x40]  }
0x1a0: {  	[tilespmem:s7+$0xFFFFFFE0] =	vst v1;
	v1 =	vmul.f32 $1.131370830e+01, v5;
	v5 =	vld [tilespmem:s7+$0x50]  }
0x1a1: {  	[tilespmem:s7+$0xFFFFFFF0] =	vst v0;
	v0 =	vmul.f32 $1.131370830e+01, v6;
	v6 =	vld [tilespmem:s7+$0x60]  }
0x1a2: {  	[tilespmem:s7+$0x0] =	vst v1;
	v1 =	vmul.f32 $1.131370830e+01, v3;
	v3 =	vld [tilespmem:s7+$0x70]  }
0x1a3: {  	[tilespmem:s7+$0x10] =	vst v0;
	v0 =	vmul.f32 $1.131370830e+01, v4;
	v4 =	vld [tilespmem:s7+$0x80]  }
0x1a4: {  	[tilespmem:s7+$0x20] =	vst v1;
	v1 =	vmul.f32 $1.131370830e+01, v2;
	v7 =	vld [tilespmem:s7+$0x90]  }
0x1a5: {  	[tilespmem:s7+$0x30] =	vst v0;
	v2 =	vmul.f32 $1.131370830e+01, v5;
	v8 =	vld [tilespmem:s7+$0xA0]  }
.Ltmp4:
0x1a6: {  	[tilespmem:s7+$0x40] =	vst v1;
	v5 =	vmul.f32 $1.131370830e+01, v6;
	v0 =	vld [tilespmem:s7+$0xB0];
	(pc) =	sbr.rel @p0 .LBB2_11-.Ltmp4, $4  }
0x1a7: {  	[tilespmem:s7+$0x50] =	vst v2;
	v3 =	vmul.f32 $1.131370830e+01, v3;
	v1 =	vld [tilespmem:s7+$0xC0]  }
0x1a8: {  	[tilespmem:s7+$0x60] =	vst v5;
	v6 =	vmul.f32 $1.131370830e+01, v4;
	v2 =	vld [tilespmem:s7+$0xD0]  }
0x1a9: {  	[tilespmem:s7+$0x70] =	vst v3;
	v5 =	vmul.f32 $1.131370830e+01, v7;
	v3 =	vld [tilespmem:s7+$0xE0]  }
0x1aa: {  	s7 =	sadd.s32 $0x200, s7;
	v4 =	vld [tilespmem:s10+$0xFFFFFF00];
	[tilespmem:s10+$0x80] =	vst v6;
	v6 =	vmul.f32 $1.131370830e+01, v8  }
0x1ab: {  	[tilespmem:s10+$0x90] =	vst v5;
	v0 =	vmul.f32 $1.131370830e+01, v0  }
0x1ac: {  	[tilespmem:s10+$0xA0] =	vst v6;
	v1 =	vmul.f32 $1.131370830e+01, v1  }
0x1ad: {  	[tilespmem:s10+$0xB0] =	vst v0;
	v0 =	vmul.f32 $1.131370830e+01, v2  }
0x1ae: {  	s7 =	sadd.s32 s5, s9;
	[tilespmem:s10+$0xC0] =	vst v1;
	v1 =	vmul.f32 $1.131370830e+01, v3  }
0x1af: {  	s7 =	smul.u32 $0xC80, s7;
	v2 =	vmul.f32 $1.131370830e+01, v4;
	[tilespmem:s10+$0xD0] =	vst v0  }
0x1b0: {  	[tilespmem:s10+$0xE0] =	vst v1  }
0x1b1: {  	s7 =	sadd.s32 s3, s7;
	[tilespmem:s10+$0xFFFFFF00] =	vst v2;
	s10 =	sadd.s32 $0x6, s6  }
0x1b2: {  	[hbm4b:s7+s4] =	stream.linear.scatter [tilespmem:s14], [sflag:$0x5], $0x6400, $0x38;
	[tilespmem:$0x1B000] =	vst v63  }
0x1b3: {  	s11 =	sshll.u32 s10, $0x8;
	s7 =	sshll.u32 s10, $0x7;
	_ =	swait.ge [sflag:s22], $0x6400  }
0x1b4: {  	s9 =	sand.u32 $0x3800, s11;
	s7 =	sand.u32 $0x300, s7;
	[sflag:s22] =	ssyncset.done $0x0  }
0x1b5: {  	s7 =	sor.u32 s7, s9;
	[sflag:s22] =	ssyncadd.s32 $0xFFFF9C00  }
0x1b6: {  	[tilespmem:s23], [sflag:$0x3] =	stream.indirect.gather [hbm4b:s2+s13], $0x80, s7, s13, $0xb8;
	[tilespmem:$0x1B000] =	vst v63  }
0x1b7: {  	s7 =	sor.u32 $0x400, s7  }
0x1b8: {  	[tilespmem:s25], [sflag:$0x3] =	stream.indirect.gather [hbm4b:s2+s15], $0x80, s7, s15, $0xb8;
	[tilespmem:$0x1B000] =	vst v63  }
0x1b9: {  	_ =	swait.ge [sflag:s26], $0x6400  }
0x1ba: {  	[sflag:s26] =	ssyncset.done $0x0  }
0x1bb: {  	s9 =	simm.s32 $0x8500;
	[sflag:s26] =	ssyncadd.s32 $0xFFFF9C00  }
0x1bc: {  	v0 =	vld [tilespmem:s9+$0xF0]  }
0x1bd: {  	v1 =	vld [tilespmem:s9+$0xFFFFFF10]  }
0x1be: {  	v2 =	vld [tilespmem:s9+$0xFFFFFF20]  }
0x1bf: {  	v3 =	vld [tilespmem:s9+$0xFFFFFF30]  }
0x1c0: {  	v6 =	vld [tilespmem:s9+$0xFFFFFF60]  }
0x1c1: {  	v4 =	vld [tilespmem:s9+$0xFFFFFF40]  }
0x1c2: {  	v5 =	vld [tilespmem:s9+$0xFFFFFF50];
	v0 =	vmul.f32 $1.131370830e+01, v0  }
0x1c3: {  	v8 =	vld [tilespmem:s9+$0xFFFFFF80];
	v1 =	vmul.f32 $1.131370830e+01, v1  }
0x1c4: {  	v7 =	vld [tilespmem:s9+$0xFFFFFF70];
	v2 =	vmul.f32 $1.131370830e+01, v2;
	[tilespmem:s9+$0xF0] =	vst v0  }
0x1c5: {  	v6 =	vmul.f32 $1.131370830e+01, v6;
	v0 =	vld [tilespmem:s9+$0xFFFFFF90];
	[tilespmem:s9+$0xFFFFFF10] =	vst v1  }
0x1c6: {  	v1 =	vmul.f32 $1.131370830e+01, v3;
	v3 =	vld [tilespmem:s9+$0xFFFFFFA0];
	[tilespmem:s9+$0xFFFFFF20] =	vst v2;
	v2 =	vmul.f32 $1.131370830e+01, v4  }
0x1c7: {  	[tilespmem:s9+$0xFFFFFF60] =	vst v6;
	v6 =	vld [tilespmem:s9+$0xFFFFFFF0]  }
0x1c8: {  	v4 =	vld [tilespmem:s9+$0xFFFFFFB0];
	[tilespmem:s9+$0xFFFFFF40] =	vst v2;
	v2 =	vmul.f32 $1.131370830e+01, v8  }
0x1c9: {  	[tilespmem:s9+$0xFFFFFF30] =	vst v1;
	v1 =	vmul.f32 $1.131370830e+01, v5;
	v5 =	vld [tilespmem:s9+$0xFFFFFFC0]  }
0x1ca: {  	v8 =	vld [tilespmem:s9+$0xFFFFFFD0];
	[tilespmem:s9+$0xFFFFFF80] =	vst v2;
	v2 =	vmul.f32 $1.131370830e+01, v7  }
0x1cb: {  	[tilespmem:s9+$0xFFFFFF50] =	vst v1;
	v1 =	vld [tilespmem:s9+$0xFFFFFFE0];
	v0 =	vmul.f32 $1.131370830e+01, v0  }
0x1cc: {  	v7 =	vld [tilespmem:s9+$0x30];
	v6 =	vmul.f32 $1.131370830e+01, v6;
	[tilespmem:s9+$0xFFFFFF70] =	vst v2  }
0x1cd: {  	v2 =	vmul.f32 $1.131370830e+01, v3;
	v3 =	vld [tilespmem:s9+$0x0];
	[tilespmem:s9+$0xFFFFFF90] =	vst v0  }
0x1ce: {  	v0 =	vmul.f32 $1.131370830e+01, v4;
	v4 =	vld [tilespmem:s9+$0x10];
	[tilespmem:s9+$0xFFFFFFF0] =	vst v6  }
0x1cf: {  	[tilespmem:s9+$0xFFFFFFA0] =	vst v2;
	v2 =	vmul.f32 $1.131370830e+01, v5;
	v5 =	vld [tilespmem:s9+$0x20]  }
0x1d0: {  	v6 =	vld [tilespmem:s9+$0x80];
	[tilespmem:s9+$0xFFFFFFB0] =	vst v0;
	v0 =	vmul.f32 $1.131370830e+01, v8  }
0x1d1: {  	v1 =	vmul.f32 $1.131370830e+01, v1;
	[tilespmem:s9+$0xFFFFFFC0] =	vst v2;
	v2 =	vld [tilespmem:s9+$0x40]  }
0x1d2: {  	[tilespmem:s9+$0xFFFFFFD0] =	vst v0;
	v0 =	vmul.f32 $1.131370830e+01, v3  }
0x1d3: {  	v3 =	vld [tilespmem:s9+$0x50];
	[tilespmem:s9+$0xFFFFFFE0] =	vst v1;
	v4 =	vmul.f32 $1.131370830e+01, v4  }
0x1d4: {  	v1 =	vld [tilespmem:s9+$0x60];
	[tilespmem:s9+$0x0] =	vst v0;
	v0 =	vmul.f32 $1.131370830e+01, v5  }
0x1d5: {  	v6 =	vmul.f32 $1.131370830e+01, v6;
	v5 =	vld [tilespmem:s9+$0x70];
	[tilespmem:s9+$0x10] =	vst v4  }
0x1d6: {  	v4 =	vmul.f32 $1.131370830e+01, v7;
	v7 =	vld [tilespmem:s9+$0x90];
	[tilespmem:s9+$0x20] =	vst v0;
	v0 =	vmul.f32 $1.131370830e+01, v2  }
0x1d7: {  	v8 =	vld [tilespmem:s9+$0xA0];
	[tilespmem:s9+$0x80] =	vst v6  }
0x1d8: {  	v2 =	vmul.f32 $1.131370830e+01, v3;
	[tilespmem:s9+$0x40] =	vst v0;
	v0 =	vld [tilespmem:s9+$0xB0]  }
0x1d9: {  	[tilespmem:s9+$0x30] =	vst v4;
	v3 =	vmul.f32 $1.131370830e+01, v1;
	v1 =	vld [tilespmem:s9+$0xC0]  }
0x1da: {  	[tilespmem:s9+$0x50] =	vst v2;
	v4 =	vmul.f32 $1.131370830e+01, v5;
	v2 =	vld [tilespmem:s9+$0xD0]  }
0x1db: {  	[tilespmem:s9+$0x60] =	vst v3;
	v3 =	vld [tilespmem:s9+$0xE0];
	v5 =	vmul.f32 $1.131370830e+01, v7  }
0x1dc: {  	s10 =	simm.s32 $0x0;
	s7 =	simm.s32 $0x8700;
	v6 =	vmul.f32 $1.131370830e+01, v8;
	[tilespmem:s9+$0x70] =	vst v4;
	v4 =	vld [tilespmem:s9+$0xFFFFFF00]  }
.LBB2_13:
0x1dd: {  	v7 =	vld [tilespmem:s7+$0xF0];
	s10 =	sadd.s32 $0x4, s10;
	[tilespmem:s9+$0x90] =	vst v5;
	v0 =	vmul.f32 $1.131370830e+01, v0  }
0x1de: {  	v5 =	vld [tilespmem:s7+$0xFFFFFF10];
	p0 =	slt.u32 s10, $0xC4;
	[tilespmem:s9+$0xA0] =	vst v6;
	v1 =	vmul.f32 $1.131370830e+01, v1  }
0x1df: {  	v6 =	vld [tilespmem:s7+$0xFFFFFF20];
	[tilespmem:s9+$0xB0] =	vst v0;
	v0 =	vmul.f32 $1.131370830e+01, v2  }
0x1e0: {  	v2 =	vld [tilespmem:s7+$0xFFFFFF30];
	[tilespmem:s9+$0xC0] =	vst v1;
	v1 =	vmul.f32 $1.131370830e+01, v3  }
0x1e1: {  	v3 =	vld [tilespmem:s7+$0xFFFFFF40];
	v4 =	vmul.f32 $1.131370830e+01, v4;
	[tilespmem:s9+$0xD0] =	vst v0  }
0x1e2: {  	v0 =	vld [tilespmem:s7+$0xFFFFFF50];
	v7 =	vmul.f32 $1.131370830e+01, v7;
	[tilespmem:s9+$0xE0] =	vst v1  }
0x1e3: {  	v1 =	vmul.f32 $1.131370830e+01, v5;
	v5 =	vld [tilespmem:s7+$0xFFFFFF60];
	[tilespmem:s9+$0xFFFFFF00] =	vst v4;
	s9 =	smov.u32 s7  }
0x1e4: {  	v4 =	vmul.f32 $1.131370830e+01, v6;
	v6 =	vld [tilespmem:s7+$0xFFFFFF70];
	[tilespmem:s7+$0xF0] =	vst v7  }
0x1e5: {  	[tilespmem:s7+$0xFFFFFF10] =	vst v1;
	v1 =	vmul.f32 $1.131370830e+01, v2;
	v2 =	vld [tilespmem:s7+$0xFFFFFF80]  }
0x1e6: {  	[tilespmem:s7+$0xFFFFFF20] =	vst v4;
	v3 =	vmul.f32 $1.131370830e+01, v3;
	v4 =	vld [tilespmem:s7+$0xFFFFFF90]  }
0x1e7: {  	[tilespmem:s7+$0xFFFFFF30] =	vst v1;
	v0 =	vmul.f32 $1.131370830e+01, v0;
	v1 =	vld [tilespmem:s7+$0xFFFFFFA0]  }
0x1e8: {  	[tilespmem:s7+$0xFFFFFF40] =	vst v3;
	v3 =	vmul.f32 $1.131370830e+01, v5;
	v5 =	vld [tilespmem:s7+$0xFFFFFFB0]  }
0x1e9: {  	[tilespmem:s7+$0xFFFFFF50] =	vst v0;
	v0 =	vmul.f32 $1.131370830e+01, v6;
	v6 =	vld [tilespmem:s7+$0xFFFFFFC0]  }
0x1ea: {  	[tilespmem:s7+$0xFFFFFF60] =	vst v3;
	v2 =	vmul.f32 $1.131370830e+01, v2;
	v3 =	vld [tilespmem:s7+$0xFFFFFFD0]  }
0x1eb: {  	[tilespmem:s7+$0xFFFFFF70] =	vst v0;
	v0 =	vmul.f32 $1.131370830e+01, v4;
	v4 =	vld [tilespmem:s7+$0xFFFFFFE0]  }
0x1ec: {  	[tilespmem:s7+$0xFFFFFF80] =	vst v2;
	v1 =	vmul.f32 $1.131370830e+01, v1;
	v2 =	vld [tilespmem:s7+$0xFFFFFFF0]  }
0x1ed: {  	[tilespmem:s7+$0xFFFFFF90] =	vst v0;
	v0 =	vmul.f32 $1.131370830e+01, v5;
	v5 =	vld [tilespmem:s7+$0x0]  }
0x1ee: {  	[tilespmem:s7+$0xFFFFFFA0] =	vst v1;
	v1 =	vmul.f32 $1.131370830e+01, v6;
	v6 =	vld [tilespmem:s7+$0x10]  }
0x1ef: {  	[tilespmem:s7+$0xFFFFFFB0] =	vst v0;
	v0 =	vmul.f32 $1.131370830e+01, v3;
	v3 =	vld [tilespmem:s7+$0x20]  }
0x1f0: {  	[tilespmem:s7+$0xFFFFFFC0] =	vst v1;
	v1 =	vmul.f32 $1.131370830e+01, v4;
	v4 =	vld [tilespmem:s7+$0x30]  }
0x1f1: {  	[tilespmem:s7+$0xFFFFFFD0] =	vst v0;
	v0 =	vmul.f32 $1.131370830e+01, v2;
	v2 =	vld [tilespmem:s7+$0x40]  }
0x1f2: {  	[tilespmem:s7+$0xFFFFFFE0] =	vst v1;
	v1 =	vmul.f32 $1.131370830e+01, v5;
	v5 =	vld [tilespmem:s7+$0x50]  }
0x1f3: {  	[tilespmem:s7+$0xFFFFFFF0] =	vst v0;
	v0 =	vmul.f32 $1.131370830e+01, v6;
	v6 =	vld [tilespmem:s7+$0x60]  }
0x1f4: {  	[tilespmem:s7+$0x0] =	vst v1;
	v1 =	vmul.f32 $1.131370830e+01, v3;
	v3 =	vld [tilespmem:s7+$0x70]  }
0x1f5: {  	[tilespmem:s7+$0x10] =	vst v0;
	v0 =	vmul.f32 $1.131370830e+01, v4;
	v4 =	vld [tilespmem:s7+$0x80]  }
0x1f6: {  	[tilespmem:s7+$0x20] =	vst v1;
	v1 =	vmul.f32 $1.131370830e+01, v2;
	v7 =	vld [tilespmem:s7+$0x90]  }
0x1f7: {  	[tilespmem:s7+$0x30] =	vst v0;
	v2 =	vmul.f32 $1.131370830e+01, v5;
	v8 =	vld [tilespmem:s7+$0xA0]  }
.Ltmp5:
0x1f8: {  	[tilespmem:s7+$0x40] =	vst v1;
	v5 =	vmul.f32 $1.131370830e+01, v6;
	v0 =	vld [tilespmem:s7+$0xB0];
	(pc) =	sbr.rel @p0 .LBB2_13-.Ltmp5, $4  }
0x1f9: {  	[tilespmem:s7+$0x50] =	vst v2;
	v3 =	vmul.f32 $1.131370830e+01, v3;
	v1 =	vld [tilespmem:s7+$0xC0]  }
0x1fa: {  	[tilespmem:s7+$0x60] =	vst v5;
	v6 =	vmul.f32 $1.131370830e+01, v4;
	v2 =	vld [tilespmem:s7+$0xD0]  }
0x1fb: {  	[tilespmem:s7+$0x70] =	vst v3;
	v5 =	vmul.f32 $1.131370830e+01, v7;
	v3 =	vld [tilespmem:s7+$0xE0]  }
0x1fc: {  	s7 =	sadd.s32 $0x200, s7;
	v4 =	vld [tilespmem:s9+$0xFFFFFF00];
	[tilespmem:s9+$0x80] =	vst v6;
	v6 =	vmul.f32 $1.131370830e+01, v8  }
0x1fd: {  	[tilespmem:s9+$0x90] =	vst v5;
	v0 =	vmul.f32 $1.131370830e+01, v0  }
0x1fe: {  	[tilespmem:s9+$0xA0] =	vst v6;
	v1 =	vmul.f32 $1.131370830e+01, v1  }
0x1ff: {  	[tilespmem:s9+$0xB0] =	vst v0;
	v61 =	vmul.f32 $1.131370830e+01, v2  }
0x200: {  	s7 =	sadd.s32 s5, s8;
	[tilespmem:s9+$0xC0] =	vst v1;
	v62 =	vmul.f32 $1.131370830e+01, v3  }
0x201: {  	s7 =	smul.u32 $0xC80, s7;
	v63 =	vmul.f32 $1.131370830e+01, v4;
	[tilespmem:s9+$0xD0] =	vst v61  }
0x202: {  	s6 =	sadd.s32 $0x7, s6;
	s30 =	sadd.s32 $0x1, s30;
	[tilespmem:s9+$0xE0] =	vst v62  }
0x203: {  	s11 =	sshll.u32 s6, $0x8;
	s6 =	sshll.u32 s6, $0x7;
	s7 =	sadd.s32 s3, s7;
	[tilespmem:s9+$0xFFFFFF00] =	vst v63  }
0x204: {  	[hbm4b:s7+s4] =	stream.linear.scatter [tilespmem:s18], [sflag:$0x6], $0x6400, $0x38;
	[tilespmem:$0x1B000] =	vst v63  }
0x205: {  	p0 =	sne.s32 s30, $0x7;
	s6 =	sand.u32 $0x380, s6;
	_ =	swait.ge [sflag:s24], $0x6400  }
.Ltmp6:
0x206: {  	s7 =	sand.u32 $0x3800, s11;
	[sflag:s24] =	ssyncset.done $0x0;
	(pc) =	sbr.rel @p0 .LBB2_6-.Ltmp6, $4  }
0x207: {  	s6 =	sor.u32 s6, s7;
	[sflag:s24] =	ssyncadd.s32 $0xFFFF9C00  }
0x208: {  	[tilespmem:s29], [sflag:$0x4] =	stream.indirect.gather [hbm4b:s2+s13], $0x80, s6, s13, $0xb8;
	[tilespmem:$0x1B000] =	vst v63  }
0x209: {  	s6 =	sor.u32 $0x400, s6  }
0x20a: {  	[tilespmem:s31], [sflag:$0x4] =	stream.indirect.gather [hbm4b:s2+s15], $0x80, s6, s15, $0xb8;
	[tilespmem:$0x1B000] =	vst v63  }
0x20b: {  	_ =	swait.ge [sflag:s0], $0x6400  }
0x20c: {  	[sflag:s0] =	ssyncset.done $0x0  }
0x20d: {  	s6 =	simm.s32 $0xE900;
	[sflag:s0] =	ssyncadd.s32 $0xFFFF9C00  }
0x20e: {  	v0 =	vld [tilespmem:s6+$0xF0]  }
0x20f: {  	v1 =	vld [tilespmem:s6+$0xFFFFFF10]  }
0x210: {  	v2 =	vld [tilespmem:s6+$0xFFFFFF20]  }
0x211: {  	v3 =	vld [tilespmem:s6+$0xFFFFFF30]  }
0x212: {  	v6 =	vld [tilespmem:s6+$0xFFFFFF60]  }
0x213: {  	v4 =	vld [tilespmem:s6+$0xFFFFFF40]  }
0x214: {  	v5 =	vld [tilespmem:s6+$0xFFFFFF50];
	v0 =	vmul.f32 $1.131370830e+01, v0  }
0x215: {  	v8 =	vld [tilespmem:s6+$0xFFFFFF80];
	v1 =	vmul.f32 $1.131370830e+01, v1  }
0x216: {  	v7 =	vld [tilespmem:s6+$0xFFFFFF70];
	v2 =	vmul.f32 $1.131370830e+01, v2;
	[tilespmem:s6+$0xF0] =	vst v0  }
0x217: {  	v6 =	vmul.f32 $1.131370830e+01, v6;
	v0 =	vld [tilespmem:s6+$0xFFFFFF90];
	[tilespmem:s6+$0xFFFFFF10] =	vst v1  }
0x218: {  	v1 =	vmul.f32 $1.131370830e+01, v3;
	v3 =	vld [tilespmem:s6+$0xFFFFFFA0];
	[tilespmem:s6+$0xFFFFFF20] =	vst v2;
	v2 =	vmul.f32 $1.131370830e+01, v4  }
0x219: {  	[tilespmem:s6+$0xFFFFFF60] =	vst v6;
	v6 =	vld [tilespmem:s6+$0xFFFFFFF0]  }
0x21a: {  	v4 =	vld [tilespmem:s6+$0xFFFFFFB0];
	[tilespmem:s6+$0xFFFFFF40] =	vst v2;
	v2 =	vmul.f32 $1.131370830e+01, v8  }
0x21b: {  	[tilespmem:s6+$0xFFFFFF30] =	vst v1;
	v1 =	vmul.f32 $1.131370830e+01, v5;
	v5 =	vld [tilespmem:s6+$0xFFFFFFC0]  }
0x21c: {  	v8 =	vld [tilespmem:s6+$0xFFFFFFD0];
	[tilespmem:s6+$0xFFFFFF80] =	vst v2;
	v2 =	vmul.f32 $1.131370830e+01, v7  }
0x21d: {  	[tilespmem:s6+$0xFFFFFF50] =	vst v1;
	v1 =	vld [tilespmem:s6+$0xFFFFFFE0];
	v0 =	vmul.f32 $1.131370830e+01, v0  }
0x21e: {  	v7 =	vld [tilespmem:s6+$0x30];
	v6 =	vmul.f32 $1.131370830e+01, v6;
	[tilespmem:s6+$0xFFFFFF70] =	vst v2  }
0x21f: {  	v2 =	vmul.f32 $1.131370830e+01, v3;
	v3 =	vld [tilespmem:s6+$0x0];
	[tilespmem:s6+$0xFFFFFF90] =	vst v0  }
0x220: {  	v0 =	vmul.f32 $1.131370830e+01, v4;
	v4 =	vld [tilespmem:s6+$0x10];
	[tilespmem:s6+$0xFFFFFFF0] =	vst v6  }
0x221: {  	[tilespmem:s6+$0xFFFFFFA0] =	vst v2;
	v2 =	vmul.f32 $1.131370830e+01, v5;
	v5 =	vld [tilespmem:s6+$0x20]  }
0x222: {  	v6 =	vld [tilespmem:s6+$0x80];
	[tilespmem:s6+$0xFFFFFFB0] =	vst v0;
	v0 =	vmul.f32 $1.131370830e+01, v8  }
0x223: {  	v1 =	vmul.f32 $1.131370830e+01, v1;
	[tilespmem:s6+$0xFFFFFFC0] =	vst v2;
	v2 =	vld [tilespmem:s6+$0x40]  }
0x224: {  	[tilespmem:s6+$0xFFFFFFD0] =	vst v0;
	v0 =	vmul.f32 $1.131370830e+01, v3  }
0x225: {  	v3 =	vld [tilespmem:s6+$0x50];
	[tilespmem:s6+$0xFFFFFFE0] =	vst v1;
	v4 =	vmul.f32 $1.131370830e+01, v4  }
0x226: {  	v1 =	vld [tilespmem:s6+$0x60];
	[tilespmem:s6+$0x0] =	vst v0;
	v0 =	vmul.f32 $1.131370830e+01, v5  }
0x227: {  	v6 =	vmul.f32 $1.131370830e+01, v6;
	v5 =	vld [tilespmem:s6+$0x70];
	[tilespmem:s6+$0x10] =	vst v4  }
0x228: {  	v4 =	vmul.f32 $1.131370830e+01, v7;
	v7 =	vld [tilespmem:s6+$0x90];
	[tilespmem:s6+$0x20] =	vst v0;
	v0 =	vmul.f32 $1.131370830e+01, v2  }
0x229: {  	v8 =	vld [tilespmem:s6+$0xA0];
	[tilespmem:s6+$0x80] =	vst v6  }
0x22a: {  	v2 =	vmul.f32 $1.131370830e+01, v3;
	[tilespmem:s6+$0x40] =	vst v0;
	v0 =	vld [tilespmem:s6+$0xB0]  }
0x22b: {  	[tilespmem:s6+$0x30] =	vst v4;
	v3 =	vmul.f32 $1.131370830e+01, v1;
	v1 =	vld [tilespmem:s6+$0xC0]  }
0x22c: {  	[tilespmem:s6+$0x50] =	vst v2;
	v4 =	vmul.f32 $1.131370830e+01, v5;
	v2 =	vld [tilespmem:s6+$0xD0]  }
0x22d: {  	[tilespmem:s6+$0x60] =	vst v3;
	v3 =	vld [tilespmem:s6+$0xE0];
	v5 =	vmul.f32 $1.131370830e+01, v7  }
0x22e: {  	s8 =	simm.s32 $0x0;
	s7 =	simm.s32 $0xEB00;
	v6 =	vmul.f32 $1.131370830e+01, v8;
	[tilespmem:s6+$0x70] =	vst v4;
	v4 =	vld [tilespmem:s6+$0xFFFFFF00]  }
.LBB2_16:
0x22f: {  	v7 =	vld [tilespmem:s7+$0xF0];
	s8 =	sadd.s32 $0x4, s8;
	[tilespmem:s6+$0x90] =	vst v5;
	v0 =	vmul.f32 $1.131370830e+01, v0  }
0x230: {  	v5 =	vld [tilespmem:s7+$0xFFFFFF10];
	p0 =	slt.u32 s8, $0xC4;
	[tilespmem:s6+$0xA0] =	vst v6;
	v1 =	vmul.f32 $1.131370830e+01, v1  }
0x231: {  	v6 =	vld [tilespmem:s7+$0xFFFFFF20];
	[tilespmem:s6+$0xB0] =	vst v0;
	v0 =	vmul.f32 $1.131370830e+01, v2  }
0x232: {  	v2 =	vld [tilespmem:s7+$0xFFFFFF30];
	[tilespmem:s6+$0xC0] =	vst v1;
	v1 =	vmul.f32 $1.131370830e+01, v3  }
0x233: {  	v3 =	vld [tilespmem:s7+$0xFFFFFF40];
	v4 =	vmul.f32 $1.131370830e+01, v4;
	[tilespmem:s6+$0xD0] =	vst v0  }
0x234: {  	v0 =	vld [tilespmem:s7+$0xFFFFFF50];
	v7 =	vmul.f32 $1.131370830e+01, v7;
	[tilespmem:s6+$0xE0] =	vst v1  }
0x235: {  	v1 =	vmul.f32 $1.131370830e+01, v5;
	v5 =	vld [tilespmem:s7+$0xFFFFFF60];
	[tilespmem:s6+$0xFFFFFF00] =	vst v4;
	s6 =	smov.u32 s7  }
0x236: {  	v4 =	vmul.f32 $1.131370830e+01, v6;
	v6 =	vld [tilespmem:s7+$0xFFFFFF70];
	[tilespmem:s7+$0xF0] =	vst v7  }
0x237: {  	[tilespmem:s7+$0xFFFFFF10] =	vst v1;
	v1 =	vmul.f32 $1.131370830e+01, v2;
	v2 =	vld [tilespmem:s7+$0xFFFFFF80]  }
0x238: {  	[tilespmem:s7+$0xFFFFFF20] =	vst v4;
	v3 =	vmul.f32 $1.131370830e+01, v3;
	v4 =	vld [tilespmem:s7+$0xFFFFFF90]  }
0x239: {  	[tilespmem:s7+$0xFFFFFF30] =	vst v1;
	v0 =	vmul.f32 $1.131370830e+01, v0;
	v1 =	vld [tilespmem:s7+$0xFFFFFFA0]  }
0x23a: {  	[tilespmem:s7+$0xFFFFFF40] =	vst v3;
	v3 =	vmul.f32 $1.131370830e+01, v5;
	v5 =	vld [tilespmem:s7+$0xFFFFFFB0]  }
0x23b: {  	[tilespmem:s7+$0xFFFFFF50] =	vst v0;
	v0 =	vmul.f32 $1.131370830e+01, v6;
	v6 =	vld [tilespmem:s7+$0xFFFFFFC0]  }
0x23c: {  	[tilespmem:s7+$0xFFFFFF60] =	vst v3;
	v2 =	vmul.f32 $1.131370830e+01, v2;
	v3 =	vld [tilespmem:s7+$0xFFFFFFD0]  }
0x23d: {  	[tilespmem:s7+$0xFFFFFF70] =	vst v0;
	v0 =	vmul.f32 $1.131370830e+01, v4;
	v4 =	vld [tilespmem:s7+$0xFFFFFFE0]  }
0x23e: {  	[tilespmem:s7+$0xFFFFFF80] =	vst v2;
	v1 =	vmul.f32 $1.131370830e+01, v1;
	v2 =	vld [tilespmem:s7+$0xFFFFFFF0]  }
0x23f: {  	[tilespmem:s7+$0xFFFFFF90] =	vst v0;
	v0 =	vmul.f32 $1.131370830e+01, v5;
	v5 =	vld [tilespmem:s7+$0x0]  }
0x240: {  	[tilespmem:s7+$0xFFFFFFA0] =	vst v1;
	v1 =	vmul.f32 $1.131370830e+01, v6;
	v6 =	vld [tilespmem:s7+$0x10]  }
0x241: {  	[tilespmem:s7+$0xFFFFFFB0] =	vst v0;
	v0 =	vmul.f32 $1.131370830e+01, v3;
	v3 =	vld [tilespmem:s7+$0x20]  }
0x242: {  	[tilespmem:s7+$0xFFFFFFC0] =	vst v1;
	v1 =	vmul.f32 $1.131370830e+01, v4;
	v4 =	vld [tilespmem:s7+$0x30]  }
0x243: {  	[tilespmem:s7+$0xFFFFFFD0] =	vst v0;
	v0 =	vmul.f32 $1.131370830e+01, v2;
	v2 =	vld [tilespmem:s7+$0x40]  }
0x244: {  	[tilespmem:s7+$0xFFFFFFE0] =	vst v1;
	v1 =	vmul.f32 $1.131370830e+01, v5;
	v5 =	vld [tilespmem:s7+$0x50]  }
0x245: {  	[tilespmem:s7+$0xFFFFFFF0] =	vst v0;
	v0 =	vmul.f32 $1.131370830e+01, v6;
	v6 =	vld [tilespmem:s7+$0x60]  }
0x246: {  	[tilespmem:s7+$0x0] =	vst v1;
	v1 =	vmul.f32 $1.131370830e+01, v3;
	v3 =	vld [tilespmem:s7+$0x70]  }
0x247: {  	[tilespmem:s7+$0x10] =	vst v0;
	v0 =	vmul.f32 $1.131370830e+01, v4;
	v4 =	vld [tilespmem:s7+$0x80]  }
0x248: {  	[tilespmem:s7+$0x20] =	vst v1;
	v1 =	vmul.f32 $1.131370830e+01, v2;
	v7 =	vld [tilespmem:s7+$0x90]  }
0x249: {  	[tilespmem:s7+$0x30] =	vst v0;
	v2 =	vmul.f32 $1.131370830e+01, v5;
	v8 =	vld [tilespmem:s7+$0xA0]  }
.Ltmp7:
0x24a: {  	[tilespmem:s7+$0x40] =	vst v1;
	v5 =	vmul.f32 $1.131370830e+01, v6;
	v0 =	vld [tilespmem:s7+$0xB0];
	(pc) =	sbr.rel @p0 .LBB2_16-.Ltmp7, $4  }
0x24b: {  	[tilespmem:s7+$0x50] =	vst v2;
	v3 =	vmul.f32 $1.131370830e+01, v3;
	v1 =	vld [tilespmem:s7+$0xC0]  }
0x24c: {  	[tilespmem:s7+$0x60] =	vst v5;
	v6 =	vmul.f32 $1.131370830e+01, v4;
	v2 =	vld [tilespmem:s7+$0xD0]  }
0x24d: {  	[tilespmem:s7+$0x70] =	vst v3;
	v5 =	vmul.f32 $1.131370830e+01, v7;
	v3 =	vld [tilespmem:s7+$0xE0]  }
0x24e: {  	s7 =	sadd.s32 $0x200, s7;
	v4 =	vld [tilespmem:s6+$0xFFFFFF00];
	[tilespmem:s6+$0x80] =	vst v6;
	v6 =	vmul.f32 $1.131370830e+01, v8  }
0x24f: {  	[tilespmem:s6+$0x90] =	vst v5;
	v0 =	vmul.f32 $1.131370830e+01, v0  }
0x250: {  	[tilespmem:s6+$0xA0] =	vst v6;
	v1 =	vmul.f32 $1.131370830e+01, v1  }
0x251: {  	[tilespmem:s6+$0xB0] =	vst v0;
	v0 =	vmul.f32 $1.131370830e+01, v2  }
0x252: {  	[tilespmem:s6+$0xC0] =	vst v1;
	v1 =	vmul.f32 $1.131370830e+01, v3  }
0x253: {  	v2 =	vmul.f32 $1.131370830e+01, v4;
	[tilespmem:s6+$0xD0] =	vst v0  }
0x254: {  	[tilespmem:s6+$0xE0] =	vst v1  }
0x255: {  	[tilespmem:s6+$0xFFFFFF00] =	vst v2  }
0x256: {  	s6 =	rddreg [dreg:$0x7]  }
0x257: {  	[hbm4b:s6+s4] =	stream.linear.scatter [tilespmem:s23], [sflag:$0x7], $0x6400, $0x38;
	[tilespmem:$0x1B000] =	vst v63  }
0x258: {  	_ =	swait.ge [sflag:s16], $0x6400  }
0x259: {  	[sflag:s16] =	ssyncset.done $0x0  }
0x25a: {  	s6 =	simm.s32 $0x14D00;
	[sflag:s16] =	ssyncadd.s32 $0xFFFF9C00  }
0x25b: {  	v0 =	vld [tilespmem:s6+$0xF0]  }
0x25c: {  	v1 =	vld [tilespmem:s6+$0xFFFFFF10]  }
0x25d: {  	v2 =	vld [tilespmem:s6+$0xFFFFFF20]  }
0x25e: {  	v3 =	vld [tilespmem:s6+$0xFFFFFF30]  }
0x25f: {  	v6 =	vld [tilespmem:s6+$0xFFFFFF60]  }
0x260: {  	v4 =	vld [tilespmem:s6+$0xFFFFFF40]  }
0x261: {  	v5 =	vld [tilespmem:s6+$0xFFFFFF50];
	v0 =	vmul.f32 $1.131370830e+01, v0  }
0x262: {  	v8 =	vld [tilespmem:s6+$0xFFFFFF80];
	v1 =	vmul.f32 $1.131370830e+01, v1  }
0x263: {  	v7 =	vld [tilespmem:s6+$0xFFFFFF70];
	v2 =	vmul.f32 $1.131370830e+01, v2;
	[tilespmem:s6+$0xF0] =	vst v0  }
0x264: {  	v6 =	vmul.f32 $1.131370830e+01, v6;
	v0 =	vld [tilespmem:s6+$0xFFFFFF90];
	[tilespmem:s6+$0xFFFFFF10] =	vst v1  }
0x265: {  	v1 =	vmul.f32 $1.131370830e+01, v3;
	v3 =	vld [tilespmem:s6+$0xFFFFFFA0];
	[tilespmem:s6+$0xFFFFFF20] =	vst v2;
	v2 =	vmul.f32 $1.131370830e+01, v4  }
0x266: {  	[tilespmem:s6+$0xFFFFFF60] =	vst v6;
	v6 =	vld [tilespmem:s6+$0xFFFFFFF0]  }
0x267: {  	v4 =	vld [tilespmem:s6+$0xFFFFFFB0];
	[tilespmem:s6+$0xFFFFFF40] =	vst v2;
	v2 =	vmul.f32 $1.131370830e+01, v8  }
0x268: {  	[tilespmem:s6+$0xFFFFFF30] =	vst v1;
	v1 =	vmul.f32 $1.131370830e+01, v5;
	v5 =	vld [tilespmem:s6+$0xFFFFFFC0]  }
0x269: {  	v8 =	vld [tilespmem:s6+$0xFFFFFFD0];
	[tilespmem:s6+$0xFFFFFF80] =	vst v2;
	v2 =	vmul.f32 $1.131370830e+01, v7  }
0x26a: {  	[tilespmem:s6+$0xFFFFFF50] =	vst v1;
	v1 =	vld [tilespmem:s6+$0xFFFFFFE0];
	v0 =	vmul.f32 $1.131370830e+01, v0  }
0x26b: {  	v7 =	vld [tilespmem:s6+$0x30];
	v6 =	vmul.f32 $1.131370830e+01, v6;
	[tilespmem:s6+$0xFFFFFF70] =	vst v2  }
0x26c: {  	v2 =	vmul.f32 $1.131370830e+01, v3;
	v3 =	vld [tilespmem:s6+$0x0];
	[tilespmem:s6+$0xFFFFFF90] =	vst v0  }
0x26d: {  	v0 =	vmul.f32 $1.131370830e+01, v4;
	v4 =	vld [tilespmem:s6+$0x10];
	[tilespmem:s6+$0xFFFFFFF0] =	vst v6  }
0x26e: {  	[tilespmem:s6+$0xFFFFFFA0] =	vst v2;
	v2 =	vmul.f32 $1.131370830e+01, v5;
	v5 =	vld [tilespmem:s6+$0x20]  }
0x26f: {  	v6 =	vld [tilespmem:s6+$0x80];
	[tilespmem:s6+$0xFFFFFFB0] =	vst v0;
	v0 =	vmul.f32 $1.131370830e+01, v8  }
0x270: {  	v1 =	vmul.f32 $1.131370830e+01, v1;
	[tilespmem:s6+$0xFFFFFFC0] =	vst v2;
	v2 =	vld [tilespmem:s6+$0x40]  }
0x271: {  	[tilespmem:s6+$0xFFFFFFD0] =	vst v0;
	v0 =	vmul.f32 $1.131370830e+01, v3  }
0x272: {  	v3 =	vld [tilespmem:s6+$0x50];
	[tilespmem:s6+$0xFFFFFFE0] =	vst v1;
	v4 =	vmul.f32 $1.131370830e+01, v4  }
0x273: {  	v1 =	vld [tilespmem:s6+$0x60];
	[tilespmem:s6+$0x0] =	vst v0;
	v0 =	vmul.f32 $1.131370830e+01, v5  }
0x274: {  	v6 =	vmul.f32 $1.131370830e+01, v6;
	v5 =	vld [tilespmem:s6+$0x70];
	[tilespmem:s6+$0x10] =	vst v4  }
0x275: {  	v4 =	vmul.f32 $1.131370830e+01, v7;
	v7 =	vld [tilespmem:s6+$0x90];
	[tilespmem:s6+$0x20] =	vst v0;
	v0 =	vmul.f32 $1.131370830e+01, v2  }
0x276: {  	v8 =	vld [tilespmem:s6+$0xA0];
	[tilespmem:s6+$0x80] =	vst v6  }
0x277: {  	v2 =	vmul.f32 $1.131370830e+01, v3;
	[tilespmem:s6+$0x40] =	vst v0;
	v0 =	vld [tilespmem:s6+$0xB0]  }
0x278: {  	[tilespmem:s6+$0x30] =	vst v4;
	v3 =	vmul.f32 $1.131370830e+01, v1;
	v1 =	vld [tilespmem:s6+$0xC0]  }
0x279: {  	[tilespmem:s6+$0x50] =	vst v2;
	v4 =	vmul.f32 $1.131370830e+01, v5;
	v2 =	vld [tilespmem:s6+$0xD0]  }
0x27a: {  	[tilespmem:s6+$0x60] =	vst v3;
	v3 =	vld [tilespmem:s6+$0xE0];
	v5 =	vmul.f32 $1.131370830e+01, v7  }
0x27b: {  	s8 =	simm.s32 $0x0;
	s7 =	simm.s32 $0x14F00;
	v6 =	vmul.f32 $1.131370830e+01, v8;
	[tilespmem:s6+$0x70] =	vst v4;
	v4 =	vld [tilespmem:s6+$0xFFFFFF00]  }
.LBB2_18:
0x27c: {  	v7 =	vld [tilespmem:s7+$0xF0];
	s8 =	sadd.s32 $0x4, s8;
	[tilespmem:s6+$0x90] =	vst v5;
	v0 =	vmul.f32 $1.131370830e+01, v0  }
0x27d: {  	v5 =	vld [tilespmem:s7+$0xFFFFFF10];
	p0 =	slt.u32 s8, $0xC4;
	[tilespmem:s6+$0xA0] =	vst v6;
	v1 =	vmul.f32 $1.131370830e+01, v1  }
0x27e: {  	v6 =	vld [tilespmem:s7+$0xFFFFFF20];
	[tilespmem:s6+$0xB0] =	vst v0;
	v0 =	vmul.f32 $1.131370830e+01, v2  }
0x27f: {  	v2 =	vld [tilespmem:s7+$0xFFFFFF30];
	[tilespmem:s6+$0xC0] =	vst v1;
	v1 =	vmul.f32 $1.131370830e+01, v3  }
0x280: {  	v3 =	vld [tilespmem:s7+$0xFFFFFF40];
	v4 =	vmul.f32 $1.131370830e+01, v4;
	[tilespmem:s6+$0xD0] =	vst v0  }
0x281: {  	v0 =	vld [tilespmem:s7+$0xFFFFFF50];
	v7 =	vmul.f32 $1.131370830e+01, v7;
	[tilespmem:s6+$0xE0] =	vst v1  }
0x282: {  	v1 =	vmul.f32 $1.131370830e+01, v5;
	v5 =	vld [tilespmem:s7+$0xFFFFFF60];
	[tilespmem:s6+$0xFFFFFF00] =	vst v4;
	s6 =	smov.u32 s7  }
0x283: {  	v4 =	vmul.f32 $1.131370830e+01, v6;
	v6 =	vld [tilespmem:s7+$0xFFFFFF70];
	[tilespmem:s7+$0xF0] =	vst v7  }
0x284: {  	[tilespmem:s7+$0xFFFFFF10] =	vst v1;
	v1 =	vmul.f32 $1.131370830e+01, v2;
	v2 =	vld [tilespmem:s7+$0xFFFFFF80]  }
0x285: {  	[tilespmem:s7+$0xFFFFFF20] =	vst v4;
	v3 =	vmul.f32 $1.131370830e+01, v3;
	v4 =	vld [tilespmem:s7+$0xFFFFFF90]  }
0x286: {  	[tilespmem:s7+$0xFFFFFF30] =	vst v1;
	v0 =	vmul.f32 $1.131370830e+01, v0;
	v1 =	vld [tilespmem:s7+$0xFFFFFFA0]  }
0x287: {  	[tilespmem:s7+$0xFFFFFF40] =	vst v3;
	v3 =	vmul.f32 $1.131370830e+01, v5;
	v5 =	vld [tilespmem:s7+$0xFFFFFFB0]  }
0x288: {  	[tilespmem:s7+$0xFFFFFF50] =	vst v0;
	v0 =	vmul.f32 $1.131370830e+01, v6;
	v6 =	vld [tilespmem:s7+$0xFFFFFFC0]  }
0x289: {  	[tilespmem:s7+$0xFFFFFF60] =	vst v3;
	v2 =	vmul.f32 $1.131370830e+01, v2;
	v3 =	vld [tilespmem:s7+$0xFFFFFFD0]  }
0x28a: {  	[tilespmem:s7+$0xFFFFFF70] =	vst v0;
	v0 =	vmul.f32 $1.131370830e+01, v4;
	v4 =	vld [tilespmem:s7+$0xFFFFFFE0]  }
0x28b: {  	[tilespmem:s7+$0xFFFFFF80] =	vst v2;
	v1 =	vmul.f32 $1.131370830e+01, v1;
	v2 =	vld [tilespmem:s7+$0xFFFFFFF0]  }
0x28c: {  	[tilespmem:s7+$0xFFFFFF90] =	vst v0;
	v0 =	vmul.f32 $1.131370830e+01, v5;
	v5 =	vld [tilespmem:s7+$0x0]  }
0x28d: {  	[tilespmem:s7+$0xFFFFFFA0] =	vst v1;
	v1 =	vmul.f32 $1.131370830e+01, v6;
	v6 =	vld [tilespmem:s7+$0x10]  }
0x28e: {  	[tilespmem:s7+$0xFFFFFFB0] =	vst v0;
	v0 =	vmul.f32 $1.131370830e+01, v3;
	v3 =	vld [tilespmem:s7+$0x20]  }
0x28f: {  	[tilespmem:s7+$0xFFFFFFC0] =	vst v1;
	v1 =	vmul.f32 $1.131370830e+01, v4;
	v4 =	vld [tilespmem:s7+$0x30]  }
0x290: {  	[tilespmem:s7+$0xFFFFFFD0] =	vst v0;
	v0 =	vmul.f32 $1.131370830e+01, v2;
	v2 =	vld [tilespmem:s7+$0x40]  }
0x291: {  	[tilespmem:s7+$0xFFFFFFE0] =	vst v1;
	v1 =	vmul.f32 $1.131370830e+01, v5;
	v5 =	vld [tilespmem:s7+$0x50]  }
0x292: {  	[tilespmem:s7+$0xFFFFFFF0] =	vst v0;
	v0 =	vmul.f32 $1.131370830e+01, v6;
	v6 =	vld [tilespmem:s7+$0x60]  }
0x293: {  	[tilespmem:s7+$0x0] =	vst v1;
	v1 =	vmul.f32 $1.131370830e+01, v3;
	v3 =	vld [tilespmem:s7+$0x70]  }
0x294: {  	[tilespmem:s7+$0x10] =	vst v0;
	v0 =	vmul.f32 $1.131370830e+01, v4;
	v4 =	vld [tilespmem:s7+$0x80]  }
0x295: {  	[tilespmem:s7+$0x20] =	vst v1;
	v1 =	vmul.f32 $1.131370830e+01, v2;
	v7 =	vld [tilespmem:s7+$0x90]  }
0x296: {  	[tilespmem:s7+$0x30] =	vst v0;
	v2 =	vmul.f32 $1.131370830e+01, v5;
	v8 =	vld [tilespmem:s7+$0xA0]  }
.Ltmp8:
0x297: {  	[tilespmem:s7+$0x40] =	vst v1;
	v5 =	vmul.f32 $1.131370830e+01, v6;
	v0 =	vld [tilespmem:s7+$0xB0];
	(pc) =	sbr.rel @p0 .LBB2_18-.Ltmp8, $4  }
0x298: {  	[tilespmem:s7+$0x50] =	vst v2;
	v3 =	vmul.f32 $1.131370830e+01, v3;
	v1 =	vld [tilespmem:s7+$0xC0]  }
0x299: {  	[tilespmem:s7+$0x60] =	vst v5;
	v6 =	vmul.f32 $1.131370830e+01, v4;
	v2 =	vld [tilespmem:s7+$0xD0]  }
0x29a: {  	[tilespmem:s7+$0x70] =	vst v3;
	v5 =	vmul.f32 $1.131370830e+01, v7;
	v3 =	vld [tilespmem:s7+$0xE0]  }
0x29b: {  	s7 =	sadd.s32 $0x200, s7;
	v4 =	vld [tilespmem:s6+$0xFFFFFF00];
	[tilespmem:s6+$0x80] =	vst v6;
	v6 =	vmul.f32 $1.131370830e+01, v8  }
0x29c: {  	[tilespmem:s6+$0x90] =	vst v5;
	v0 =	vmul.f32 $1.131370830e+01, v0  }
0x29d: {  	[tilespmem:s6+$0xA0] =	vst v6;
	v1 =	vmul.f32 $1.131370830e+01, v1  }
0x29e: {  	[tilespmem:s6+$0xB0] =	vst v0;
	v61 =	vmul.f32 $1.131370830e+01, v2  }
0x29f: {  	[tilespmem:s6+$0xC0] =	vst v1;
	v62 =	vmul.f32 $1.131370830e+01, v3  }
0x2a0: {  	v63 =	vmul.f32 $1.131370830e+01, v4;
	[tilespmem:s6+$0xD0] =	vst v61  }
0x2a1: {  	[tilespmem:s6+$0xE0] =	vst v62  }
0x2a2: {  	[tilespmem:s6+$0xFFFFFF00] =	vst v63  }
0x2a3: {  	s6 =	rddreg [dreg:$0x8]  }
0x2a4: {  	[hbm4b:s6+s4] =	stream.linear.scatter [tilespmem:s29], [sflag:$0x8], $0x6400, $0x38;
	[tilespmem:$0x1B000] =	vst v63  }
0x2a5: {  	_ =	swait.ge [sflag:s1], $0x6400  }
0x2a6: {  	[sflag:s1] =	ssyncset.done $0x0  }
0x2a7: {  	[sflag:s1] =	ssyncadd.s32 $0xFFFF9C00  }
0x2a8: {  	_ =	swait.ge [sflag:s19], $0x6400  }
0x2a9: {  	[sflag:s19] =	ssyncset.done $0x0  }
0x2aa: {  	[sflag:s19] =	ssyncadd.s32 $0xFFFF9C00  }
0x2ab: {  	_ =	swait.ge [sflag:s22], $0x6400  }
0x2ac: {  	[sflag:s22] =	ssyncset.done $0x0  }
0x2ad: {  	[sflag:s22] =	ssyncadd.s32 $0xFFFF9C00  }
0x2ae: {  	_ =	swait.ge [sflag:s24], $0x6400  }
0x2af: {  	s28 =	sadd.s32 $0x1, s28;
	s30 =	rddreg [dreg:$0x9]  }
0x2b0: {  	p0 =	sne.s32 s28, s30  }
.Ltmp9:
0x2b1: {  	_ = 	snop;
	(pc) =	sbr.rel @p0 .LBB2_1-.Ltmp9, $3  }
0x2b2: {  	_ =	sdelay $0x1  }
0x2b3: {  	[sflag:s24] =	ssyncset.done $0x0  }
0x2b4: {  	[sflag:s24] =	ssyncadd.s32 $0xFFFF9C00  }
0x2b5: {  	_ =	sfence.sel $0x180000  }
0x2b6: {  	[bflag:$0x0] =	sbarrier.arrive $0xFFFF  }
0x2b7: {  	_ =	strace $0x90000047  }
0x2b8: {  	s0 =	stileid.u32;
	[bflag:$0x2] =	sbarrier.arrive $0xFFFF  }
0x2b9: {  	p0 =	sne.s32 s0, $0x0;
	s0 =	rddreg [dreg:$0x3]  }
0x2ba: {  	s0 =	sadd.s32 @!p0 $0x100000, s0  }
0x2bb: {  	[sflag:s0] =	ssyncadd.tile.s32 @!p0 $0x1;
	_ =	shalt  }
.Lfunc_end2:
_tile_overlayer_lowered:
.L_overlay_start_2:
0x2bc: {  	(tag) =	ssettag $0x2  }
0x2bd: {  	s0 =	rddreg [dreg:$0x0];
	s2 =	stileid.u32  }
0x2be: {  	s1 =	rddreg [dreg:$0x1];
	p0 =	sne.s32 s2, $0x0  }
0x2bf: {  	s3 =	rddreg [dreg:$0x2];
	[bflag:$0x3] =	sbarrier.arrive $0xFFFF;
	s2 =	simm.s32 @!p0 $0x1C09  }
0x2c0: {  	[timem:s3], [sflag:s2] =	dma.local @!p0 [hbm:s0], s1  }
0x2c1: {  	s0 =	simm.s32 @!p0 $0x9  }
0x2c2: {  	_ =	swait.ge @!p0 [sflag:s0], s1  }
0x2c3: {  	s1 =	ssub.s32 @!p0 $0x0, s1;
	[sflag:s0] =	ssyncset.done @!p0 $0x0  }
0x2c4: {  	[sflag:s0] =	ssyncadd.s32 @!p0 s1  }
0x2c5: {  	[bflag:$0x3] =	sbarrier.arrive $0xFFFF  }
0x2c6: {  	_ =	shalt  }

</sc_bundles>
